<compile_context>
chip_gen: v7x
topology: tpu7x:2x2x1
jax: 0.10.2.dev20260603
libtpu: 0.0.44.dev20260713+nightly
codegen_flags: <defaults>
</compile_context>

<pallas_src>
import dataclasses
import functools

import jax
import jax.numpy as jnp
from jax import lax
from jax.experimental import pallas as pl
from jax.experimental.pallas import tpu as pltpu
from jax.experimental.pallas import tpu_sc as plsc

_NC = 2
_NS = 16
_L = 16
_C = 1280


@functools.partial(jax.jit, static_argnames=("n_edges", "d", "n_nodes"))
def _sc_edge_dot(ht, src, dst, *, n_edges, d, n_nodes):
    per_sc = n_edges // _NC
    n_chunks = per_sc // _C
    npairs = (n_chunks - 1) // 2
    assert n_chunks == 2 * npairs + 1 and n_chunks >= 3
    nf = d // _NS
    nq = nf // 2
    sub = _C // _NS
    spg = sub // _L
    assert sub % _L == 0 and nq == 4

    mesh = plsc.VectorSubcoreMesh(core_axis_name="c", subcore_axis_name="s")
    cp = pltpu.CompilerParams()
    if "needs_layout_passes" in pltpu.CompilerParams.__dataclass_fields__:
        cp = dataclasses.replace(cp, needs_layout_passes=False)

    @functools.partial(
        pl.kernel,
        compiler_params=cp,
        out_type=jax.ShapeDtypeStruct((n_edges,), jnp.float32),
        mesh=mesh,
        scratch_types=[
            pltpu.VMEM((nq, n_nodes), jnp.int32),
            pltpu.VMEM((_C,), jnp.int32),
            pltpu.VMEM((_C,), jnp.int32),
            pltpu.VMEM((_C,), jnp.int32),
            pltpu.VMEM((_C,), jnp.int32),
            pltpu.VMEM((_NS, 128), jnp.float32),
            pltpu.VMEM((_NS, 128), jnp.float32),
            pltpu.VMEM((_NS, 128), jnp.float32),
            pltpu.VMEM((sub,), jnp.float32),
            pltpu.VMEM((sub,), jnp.float32),
            pltpu.VMEM_SHARED((2, _NS, _NS, 128), jnp.float32),
            pltpu.SemaphoreType.DMA,
            pltpu.SemaphoreType.DMA,
            pltpu.SemaphoreType.DMA,
            pltpu.SemaphoreType.DMA,
            pltpu.SemaphoreType.DMA,
            pltpu.SemaphoreType.DMA,
            pltpu.SemaphoreType.DMA,
            pltpu.SemaphoreType.DMA,
            pltpu.SemaphoreType.DMA,
        ],
    )
    def k(ht_hbm, src_hbm, dst_hbm, out_hbm,
          hsl, si0, di0, si1, di1, part_v, red0, red1, ob0, ob1, ex_sh,
          hs_sem, is0, id0, is1, id1, rs0, rs1, os0, os1):
        cid = lax.axis_index("c")
        tid = lax.axis_index("s")
        base_sc = cid * per_sc

        cph = pltpu.make_async_copy(
            ht_hbm.at[pl.ds(tid * nq, nq)], hsl, hs_sem)
        cph.start()

        def idx_start(c, si, di, ssem, dsem):
            pltpu.make_async_copy(
                src_hbm.at[pl.ds(base_sc + c * _C, _C)], si, ssem).start()
            pltpu.make_async_copy(
                dst_hbm.at[pl.ds(base_sc + c * _C, _C)], di, dsem).start()

        def idx_wait(c, si, di, ssem, dsem):
            pltpu.make_async_copy(
                src_hbm.at[pl.ds(base_sc + c * _C, _C)], si, ssem).wait()
            pltpu.make_async_copy(
                dst_hbm.at[pl.ds(base_sc + c * _C, _C)], di, dsem).wait()

        def out_ref(c):
            return out_hbm.at[pl.ds(base_sc + c * _C + tid * sub, sub)]

        def phase_a(si, di):
            @pl.loop(0, _NS)
            def _(p):
                lanes = []
                for j in range(spg):
                    off = p * sub + j * _L
                    lanes.append((j, si[pl.ds(off, _L)], di[pl.ds(off, _L)]))
                nway = 5
                assert spg % nway in (0, 1)
                for base in range(0, spg - (spg % nway), nway):
                    grp = lanes[base:base + nway]
                    pp = [[None] * nq for _ in grp]
                    for q in range(nq):
                        row = jnp.full((_L,), q, jnp.int32)
                        wss = [plsc.load_gather(hsl, [row, s])
                               for (_, s, _d) in grp]
                        wds = [plsc.load_gather(hsl, [row, _d])
                               for (_, _s, _d) in grp]
                        for gi, (ws, wd) in enumerate(zip(wss, wds)):
                            pp[gi][q] = (plsc.bitcast(ws, jnp.bfloat16)
                                         * plsc.bitcast(wd, jnp.bfloat16))
                    for gi, (jG, _s, _d) in enumerate(grp):
                        accp = pp[gi][0] + pp[gi][1]
                        accq = pp[gi][2] + pp[gi][3]
                        pa, pb = plsc.unpack(
                            accp, format=plsc.PackFormat.INTERLEAVED,
                            preferred_element_type=jnp.float32)
                        qa, qb = plsc.unpack(
                            accq, format=plsc.PackFormat.INTERLEAVED,
                            preferred_element_type=jnp.float32)
                        part_v[p, pl.ds(jG * _L, _L)] = (
                            (pa + pb) + (qa + qb))
                if spg % nway:
                    jT, sT, dT = lanes[-1]
                    acc0 = acc1 = jnp.zeros((_L,), jnp.float32)
                    for q in range(nq):
                        row = jnp.full((_L,), q, jnp.int32)
                        ws = plsc.load_gather(hsl, [row, sT])
                        wd = plsc.load_gather(hsl, [row, dT])
                        pm = (plsc.bitcast(ws, jnp.bfloat16)
                              * plsc.bitcast(wd, jnp.bfloat16))
                        pa, pb = plsc.unpack(
                            pm, format=plsc.PackFormat.INTERLEAVED,
                            preferred_element_type=jnp.float32)
                        acc0 = acc0 + pa
                        acc1 = acc1 + pb
                    part_v[p, pl.ds(jT * _L, _L)] = acc0 + acc1

        def phase_w(slot):
            pltpu.sync_copy(part_v, ex_sh.at[slot, tid])
            plsc.subcore_barrier()

        def red_start(slot, red, rsem):
            pltpu.make_async_copy(ex_sh.at[slot, :, tid], red, rsem).start()

        def phase_r(c, slot, red, rsem, outb, osem):
            pltpu.make_async_copy(ex_sh.at[slot, :, tid], red, rsem).wait()
            plsc.subcore_barrier()

            @pl.when(c >= 2)
            def _():
                pltpu.make_async_copy(outb, out_ref(c), osem).wait()

            @pl.loop(0, spg)
            def _(j):
                accs = [red[r, pl.ds(j * _L, _L)] for r in range(4)]
                for r in range(4, _NS):
                    accs[r % 4] = accs[r % 4] + red[r, pl.ds(j * _L, _L)]
                outb[pl.ds(j * _L, _L)] = (
                    (accs[0] + accs[1]) + (accs[2] + accs[3]))

            pltpu.make_async_copy(outb, out_ref(c), osem).start()

        idx_start(0, si0, di0, is0, id0)
        idx_start(1, si1, di1, is1, id1)
        cph.wait()

        idx_wait(0, si0, di0, is0, id0)
        phase_a(si0, di0)
        idx_start(2, si0, di0, is0, id0)
        phase_w(0)
        red_start(0, red0, rs0)

        @pl.loop(0, npairs)
        def _(i):
            c0 = 2 * i
            idx_wait(c0 + 1, si1, di1, is1, id1)
            phase_a(si1, di1)

            @pl.when(c0 + 3 < n_chunks)
            def _():
                idx_start(c0 + 3, si1, di1, is1, id1)

            phase_w(1)
            red_start(1, red1, rs1)
            phase_r(c0, 0, red0, rs0, ob0, os0)

            idx_wait(c0 + 2, si0, di0, is0, id0)
            phase_a(si0, di0)

            @pl.when(c0 + 4 < n_chunks)
            def _():
                idx_start(c0 + 4, si0, di0, is0, id0)

            phase_w(0)
            red_start(0, red0, rs0)
            phase_r(c0 + 1, 1, red1, rs1, ob1, os1)

        phase_r(n_chunks - 1, 0, red0, rs0, ob0, os0)
        pltpu.make_async_copy(ob1, out_ref(n_chunks - 2), os1).wait()
        pltpu.make_async_copy(ob0, out_ref(n_chunks - 1), os0).wait()

    return k(ht, src, dst)


def kernel(h, edge_index):
    n_nodes, d = h.shape
    n_edges = edge_index.shape[1]
    assert n_edges % (_NC * _C) == 0 and d % (2 * _NS) == 0
    hb = h.astype(jnp.bfloat16)
    ht = jax.lax.bitcast_convert_type(
        hb.reshape(n_nodes, d // 2, 2), jnp.int32).T
    src = edge_index[0].astype(jnp.int32)
    dst = edge_index[1].astype(jnp.int32)
    score = _sc_edge_dot(ht, src, dst, n_edges=n_edges, d=d, n_nodes=n_nodes)
    return score.reshape(n_edges, 1)

# --- scband reference (transcript-rebuilt; emitter-appended) ---
"""Pipeline reference for scband-hetero-dot-product-predictor-9466107920698 (READ-ONLY COPY).

The authoritative reference and input builder live on the scoring server;
editing this copy changes nothing except your own understanding.
"""

import jax, jax.numpy as jnp
import numpy as np

N_NODES = 10000
N_EDGES = 320000
D_FEAT = 128

def setup_inputs(seed: int = 0) -> dict:
    key = jax.random.key(seed)
    k1, k2 = jax.random.split(key)
    h = jax.random.normal(k1, (N_NODES, D_FEAT), dtype=jnp.float32)
    edge_index = jax.random.randint(k2, (2, N_EDGES), 0, N_NODES, dtype=jnp.int64)
    return {"h": h, "edge_index": edge_index}

def reference(h, edge_index):
    # DGL apply_edges(fn.u_dot_v('h','h','score')): per-edge dot product of
    # source-node features and destination-node features -> [E, 1]
    src = edge_index[0]
    dst = edge_index[1]
    h_src = jnp.take(h, src, axis=0)  # gather [E, d]
    h_dst = jnp.take(h, dst, axis=0)  # gather [E, d]
    score = jnp.sum(h_src * h_dst, axis=-1, keepdims=True)  # [E, 1]
    return score

if __name__ == "__main__":
    import jax
    _d = setup_inputs()
    print(jax.jit(kernel)(*tuple(_d.values())))

</pallas_src>

<mosaic_0001>
#map = affine_map<(d0, d1) -> (0, 0)>
#map1 = affine_map<(d0, d1) -> (0)>
module attributes {stable_mosaic.version = 14 : i64} {
  func.func @k(%arg0: i32, %arg1: i32, %arg2: memref<64x10000xi32, #tpu.memory_space<hbm>>, %arg3: memref<320000xi32, #tpu.memory_space<hbm>>, %arg4: memref<320000xi32, #tpu.memory_space<hbm>>, %arg5: memref<320000xf32, #tpu.memory_space<hbm>>, %arg6: memref<4x10000xi32, #tpu.memory_space<vmem>>, %arg7: memref<1280xi32, #tpu.memory_space<vmem>>, %arg8: memref<1280xi32, #tpu.memory_space<vmem>>, %arg9: memref<1280xi32, #tpu.memory_space<vmem>>, %arg10: memref<1280xi32, #tpu.memory_space<vmem>>, %arg11: memref<16x128xf32, #tpu.memory_space<vmem>>, %arg12: memref<16x128xf32, #tpu.memory_space<vmem>>, %arg13: memref<16x128xf32, #tpu.memory_space<vmem>>, %arg14: memref<80xf32, #tpu.memory_space<vmem>>, %arg15: memref<80xf32, #tpu.memory_space<vmem>>, %arg16: memref<2x16x16x128xf32, #tpu.memory_space<vmem_shared>>, %arg17: memref<!tpu.dma_semaphore, #tpu.memory_space<semaphore_mem>>, %arg18: memref<!tpu.dma_semaphore, #tpu.memory_space<semaphore_mem>>, %arg19: memref<!tpu.dma_semaphore, #tpu.memory_space<semaphore_mem>>, %arg20: memref<!tpu.dma_semaphore, #tpu.memory_space<semaphore_mem>>, %arg21: memref<!tpu.dma_semaphore, #tpu.memory_space<semaphore_mem>>, %arg22: memref<!tpu.dma_semaphore, #tpu.memory_space<semaphore_mem>>, %arg23: memref<!tpu.dma_semaphore, #tpu.memory_space<semaphore_mem>>, %arg24: memref<!tpu.dma_semaphore, #tpu.memory_space<semaphore_mem>>, %arg25: memref<!tpu.dma_semaphore, #tpu.memory_space<semaphore_mem>>) attributes {dimension_semantics = [#tpu.dimension_semantics<core_parallel>, #tpu.dimension_semantics<subcore_parallel>], iteration_bounds = array<i64: 2, 16>, scalar_prefetch = 0 : i64, scratch_operands = 20 : i64, tpu.core_type = #tpu.core_type<sc_vector_subcore>, window_params = [{transform_indices = #map}, {transform_indices = #map1}, {transform_indices = #map1}, {transform_indices = #map1}]} {
    %mul3A = arith.constant 160000 : i32
    %mul3A_0 = arith.muli %arg0, %mul3A : i32
    %mul3A_1 = arith.constant 4 : i32
    %mul3A_2 = arith.muli %arg1, %mul3A_1 : i32
    %dma_start3A = arith.constant 0 : i32
    %dma_start3A_3 = tpu.memref_slice %arg2[%mul3A_2, %dma_start3A] : memref<64x10000xi32, #tpu.memory_space<hbm>> -> memref<4x10000xi32, #tpu.memory_space<hbm>>
    %dma_start3A_4 = arith.constant 0 : i32
    %dma_start3A_5 = tpu.memref_slice %arg2[%mul3A_2, %dma_start3A_4] : memref<64x10000xi32, #tpu.memory_space<hbm>> -> memref<4x10000xi32, #tpu.memory_space<hbm>>
    tpu.enqueue_dma source(%dma_start3A_5 : memref<4x10000xi32, #tpu.memory_space<hbm>>) target(%arg6 : memref<4x10000xi32, #tpu.memory_space<vmem>>) target_semaphore(%arg17 : memref<!tpu.dma_semaphore, #tpu.memory_space<semaphore_mem>>)
    %add3A = arith.constant 0 : i32
    %add3A_6 = arith.addi %mul3A_0, %add3A : i32
    %dma_start3A_7 = tpu.memref_slice %arg3[%add3A_6] : memref<320000xi32, #tpu.memory_space<hbm>> -> memref<1280xi32, #tpu.memory_space<hbm>>
    %dma_start3A_8 = tpu.memref_slice %arg3[%add3A_6] : memref<320000xi32, #tpu.memory_space<hbm>> -> memref<1280xi32, #tpu.memory_space<hbm>>
    tpu.enqueue_dma source(%dma_start3A_8 : memref<1280xi32, #tpu.memory_space<hbm>>) target(%arg7 : memref<1280xi32, #tpu.memory_space<vmem>>) target_semaphore(%arg18 : memref<!tpu.dma_semaphore, #tpu.memory_space<semaphore_mem>>)
    %add3A_9 = arith.constant 0 : i32
    %add3A_10 = arith.addi %mul3A_0, %add3A_9 : i32
    %dma_start3A_11 = tpu.memref_slice %arg4[%add3A_10] : memref<320000xi32, #tpu.memory_space<hbm>> -> memref<1280xi32, #tpu.memory_space<hbm>>
    %dma_start3A_12 = tpu.memref_slice %arg4[%add3A_10] : memref<320000xi32, #tpu.memory_space<hbm>> -> memref<1280xi32, #tpu.memory_space<hbm>>
    tpu.enqueue_dma source(%dma_start3A_12 : memref<1280xi32, #tpu.memory_space<hbm>>) target(%arg8 : memref<1280xi32, #tpu.memory_space<vmem>>) target_semaphore(%arg19 : memref<!tpu.dma_semaphore, #tpu.memory_space<semaphore_mem>>)
    %add3A_13 = arith.constant 1280 : i32
    %add3A_14 = arith.addi %mul3A_0, %add3A_13 : i32
    %dma_start3A_15 = tpu.memref_slice %arg3[%add3A_14] : memref<320000xi32, #tpu.memory_space<hbm>> -> memref<1280xi32, #tpu.memory_space<hbm>>
    %dma_start3A_16 = tpu.memref_slice %arg3[%add3A_14] : memref<320000xi32, #tpu.memory_space<hbm>> -> memref<1280xi32, #tpu.memory_space<hbm>>
    tpu.enqueue_dma source(%dma_start3A_16 : memref<1280xi32, #tpu.memory_space<hbm>>) target(%arg9 : memref<1280xi32, #tpu.memory_space<vmem>>) target_semaphore(%arg20 : memref<!tpu.dma_semaphore, #tpu.memory_space<semaphore_mem>>)
    %add3A_17 = arith.constant 1280 : i32
    %add3A_18 = arith.addi %mul3A_0, %add3A_17 : i32
    %dma_start3A_19 = tpu.memref_slice %arg4[%add3A_18] : memref<320000xi32, #tpu.memory_space<hbm>> -> memref<1280xi32, #tpu.memory_space<hbm>>
    %dma_start3A_20 = tpu.memref_slice %arg4[%add3A_18] : memref<320000xi32, #tpu.memory_space<hbm>> -> memref<1280xi32, #tpu.memory_space<hbm>>
    tpu.enqueue_dma source(%dma_start3A_20 : memref<1280xi32, #tpu.memory_space<hbm>>) target(%arg10 : memref<1280xi32, #tpu.memory_space<vmem>>) target_semaphore(%arg21 : memref<!tpu.dma_semaphore, #tpu.memory_space<semaphore_mem>>)
    %dma_wait3A = arith.constant 0 : i32
    %dma_wait3A_21 = tpu.memref_slice %arg2[%mul3A_2, %dma_wait3A] : memref<64x10000xi32, #tpu.memory_space<hbm>> -> memref<4x10000xi32, #tpu.memory_space<hbm>>
    %dma_wait3A_22 = arith.constant 0 : i32
    %dma_wait3A_23 = tpu.memref_slice %arg2[%mul3A_2, %dma_wait3A_22] : memref<64x10000xi32, #tpu.memory_space<hbm>> -> memref<4x10000xi32, #tpu.memory_space<hbm>>
    tpu.wait_dma2 semaphore(%arg17 : memref<!tpu.dma_semaphore, #tpu.memory_space<semaphore_mem>>) src(%dma_wait3A_23 : memref<4x10000xi32, #tpu.memory_space<hbm>>) dst(%arg6 : memref<4x10000xi32, #tpu.memory_space<vmem>>)
    %add3A_24 = arith.constant 0 : i32
    %add3A_25 = arith.addi %mul3A_0, %add3A_24 : i32
    %dma_wait3A_26 = tpu.memref_slice %arg3[%add3A_25] : memref<320000xi32, #tpu.memory_space<hbm>> -> memref<1280xi32, #tpu.memory_space<hbm>>
    %dma_wait3A_27 = tpu.memref_slice %arg3[%add3A_25] : memref<320000xi32, #tpu.memory_space<hbm>> -> memref<1280xi32, #tpu.memory_space<hbm>>
    tpu.wait_dma2 semaphore(%arg18 : memref<!tpu.dma_semaphore, #tpu.memory_space<semaphore_mem>>) src(%dma_wait3A_27 : memref<1280xi32, #tpu.memory_space<hbm>>) dst(%arg7 : memref<1280xi32, #tpu.memory_space<vmem>>)
    %add3A_28 = arith.constant 0 : i32
    %add3A_29 = arith.addi %mul3A_0, %add3A_28 : i32
    %dma_wait3A_30 = tpu.memref_slice %arg4[%add3A_29] : memref<320000xi32, #tpu.memory_space<hbm>> -> memref<1280xi32, #tpu.memory_space<hbm>>
    %dma_wait3A_31 = tpu.memref_slice %arg4[%add3A_29] : memref<320000xi32, #tpu.memory_space<hbm>> -> memref<1280xi32, #tpu.memory_space<hbm>>
    tpu.wait_dma2 semaphore(%arg19 : memref<!tpu.dma_semaphore, #tpu.memory_space<semaphore_mem>>) src(%dma_wait3A_31 : memref<1280xi32, #tpu.memory_space<hbm>>) dst(%arg8 : memref<1280xi32, #tpu.memory_space<vmem>>)
    %scan3A = arith.constant 0 : i32
    %scan3A_32 = arith.constant 16 : i32
    %scan3A_33 = arith.addi %scan3A, %scan3A_32 : i32
    %scan3A_34 = arith.constant 1 : i32
    scf.for %scan3A_101 = %scan3A to %scan3A_33 step %scan3A_34  : i32 {
      %mul3A_102 = arith.constant 1 : i32
      %mul3A_103 = arith.muli %scan3A_101, %mul3A_102 : i32
      %add3A_104 = arith.constant 0 : i32
      %add3A_105 = arith.addi %add3A_104, %mul3A_103 : i32
      %mul3A_106 = arith.constant 80 : i32
      %mul3A_107 = arith.muli %add3A_105, %mul3A_106 : i32
      %add3A_108 = arith.constant 0 : i32
      %add3A_109 = arith.addi %mul3A_107, %add3A_108 : i32
      %get3A = arith.index_cast %add3A_109 : i32 to index
      %get3A_110 = tpu.vector_load %arg7[%get3A] {strides = array<i32>} : memref<1280xi32, #tpu.memory_space<vmem>>, vector<16xi32>,
      %get3A_111 = arith.index_cast %add3A_109 : i32 to index
      %get3A_112 = tpu.vector_load %arg8[%get3A_111] {strides = array<i32>} : memref<1280xi32, #tpu.memory_space<vmem>>, vector<16xi32>,
      %mul3A_113 = arith.constant 80 : i32
      %mul3A_114 = arith.muli %add3A_105, %mul3A_113 : i32
      %add3A_115 = arith.constant 16 : i32
      %add3A_116 = arith.addi %mul3A_114, %add3A_115 : i32
      %get3A_117 = arith.index_cast %add3A_116 : i32 to index
      %get3A_118 = tpu.vector_load %arg7[%get3A_117] {strides = array<i32>} : memref<1280xi32, #tpu.memory_space<vmem>>, vector<16xi32>,
      %get3A_119 = arith.index_cast %add3A_116 : i32 to index
      %get3A_120 = tpu.vector_load %arg8[%get3A_119] {strides = array<i32>} : memref<1280xi32, #tpu.memory_space<vmem>>, vector<16xi32>,
      %mul3A_121 = arith.constant 80 : i32
      %mul3A_122 = arith.muli %add3A_105, %mul3A_121 : i32
      %add3A_123 = arith.constant 32 : i32
      %add3A_124 = arith.addi %mul3A_122, %add3A_123 : i32
      %get3A_125 = arith.index_cast %add3A_124 : i32 to index
      %get3A_126 = tpu.vector_load %arg7[%get3A_125] {strides = array<i32>} : memref<1280xi32, #tpu.memory_space<vmem>>, vector<16xi32>,
      %get3A_127 = arith.index_cast %add3A_124 : i32 to index
      %get3A_128 = tpu.vector_load %arg8[%get3A_127] {strides = array<i32>} : memref<1280xi32, #tpu.memory_space<vmem>>, vector<16xi32>,
      %mul3A_129 = arith.constant 80 : i32
      %mul3A_130 = arith.muli %add3A_105, %mul3A_129 : i32
      %add3A_131 = arith.constant 48 : i32
      %add3A_132 = arith.addi %mul3A_130, %add3A_131 : i32
      %get3A_133 = arith.index_cast %add3A_132 : i32 to index
      %get3A_134 = tpu.vector_load %arg7[%get3A_133] {strides = array<i32>} : memref<1280xi32, #tpu.memory_space<vmem>>, vector<16xi32>,
      %get3A_135 = arith.index_cast %add3A_132 : i32 to index
      %get3A_136 = tpu.vector_load %arg8[%get3A_135] {strides = array<i32>} : memref<1280xi32, #tpu.memory_space<vmem>>, vector<16xi32>,
      %mul3A_137 = arith.constant 80 : i32
      %mul3A_138 = arith.muli %add3A_105, %mul3A_137 : i32
      %add3A_139 = arith.constant 64 : i32
      %add3A_140 = arith.addi %mul3A_138, %add3A_139 : i32
      %get3A_141 = arith.index_cast %add3A_140 : i32 to index
      %get3A_142 = tpu.vector_load %arg7[%get3A_141] {strides = array<i32>} : memref<1280xi32, #tpu.memory_space<vmem>>, vector<16xi32>,
      %get3A_143 = arith.index_cast %add3A_140 : i32 to index
      %get3A_144 = tpu.vector_load %arg8[%get3A_143] {strides = array<i32>} : memref<1280xi32, #tpu.memory_space<vmem>>, vector<16xi32>,
      %broadcast_in_dim3A = arith.constant 0 : i32
      %broadcast_in_dim3A_145 = vector.broadcast %broadcast_in_dim3A : i32 to vector<16xi32>
      %gather3A = tpu.vector_load_idx %arg6[%broadcast_in_dim3A_145, %get3A_110] : memref<4x10000xi32, #tpu.memory_space<vmem>>[vector<16xi32>, vector<16xi32>], vector<16xi32>,
      %gather3A_146 = tpu.vector_load_idx %arg6[%broadcast_in_dim3A_145, %get3A_118] : memref<4x10000xi32, #tpu.memory_space<vmem>>[vector<16xi32>, vector<16xi32>], vector<16xi32>,
      %gather3A_147 = tpu.vector_load_idx %arg6[%broadcast_in_dim3A_145, %get3A_126] : memref<4x10000xi32, #tpu.memory_space<vmem>>[vector<16xi32>, vector<16xi32>], vector<16xi32>,
      %gather3A_148 = tpu.vector_load_idx %arg6[%broadcast_in_dim3A_145, %get3A_134] : memref<4x10000xi32, #tpu.memory_space<vmem>>[vector<16xi32>, vector<16xi32>], vector<16xi32>,
      %gather3A_149 = tpu.vector_load_idx %arg6[%broadcast_in_dim3A_145, %get3A_142] : memref<4x10000xi32, #tpu.memory_space<vmem>>[vector<16xi32>, vector<16xi32>], vector<16xi32>,
      %gather3A_150 = tpu.vector_load_idx %arg6[%broadcast_in_dim3A_145, %get3A_112] : memref<4x10000xi32, #tpu.memory_space<vmem>>[vector<16xi32>, vector<16xi32>], vector<16xi32>,
      %gather3A_151 = tpu.vector_load_idx %arg6[%broadcast_in_dim3A_145, %get3A_120] : memref<4x10000xi32, #tpu.memory_space<vmem>>[vector<16xi32>, vector<16xi32>], vector<16xi32>,
      %gather3A_152 = tpu.vector_load_idx %arg6[%broadcast_in_dim3A_145, %get3A_128] : memref<4x10000xi32, #tpu.memory_space<vmem>>[vector<16xi32>, vector<16xi32>], vector<16xi32>,
      %gather3A_153 = tpu.vector_load_idx %arg6[%broadcast_in_dim3A_145, %get3A_136] : memref<4x10000xi32, #tpu.memory_space<vmem>>[vector<16xi32>, vector<16xi32>], vector<16xi32>,
      %gather3A_154 = tpu.vector_load_idx %arg6[%broadcast_in_dim3A_145, %get3A_144] : memref<4x10000xi32, #tpu.memory_space<vmem>>[vector<16xi32>, vector<16xi32>], vector<16xi32>,
      %bitcast3A = vector.bitcast %gather3A : vector<16xi32> to vector<32xbf16>
      %bitcast3A_155 = vector.bitcast %gather3A_150 : vector<16xi32> to vector<32xbf16>
      %mul3A_156 = arith.mulf %bitcast3A, %bitcast3A_155 : vector<32xbf16>
      %bitcast3A_157 = vector.bitcast %gather3A_146 : vector<16xi32> to vector<32xbf16>
      %bitcast3A_158 = vector.bitcast %gather3A_151 : vector<16xi32> to vector<32xbf16>
      %mul3A_159 = arith.mulf %bitcast3A_157, %bitcast3A_158 : vector<32xbf16>
      %bitcast3A_160 = vector.bitcast %gather3A_147 : vector<16xi32> to vector<32xbf16>
      %bitcast3A_161 = vector.bitcast %gather3A_152 : vector<16xi32> to vector<32xbf16>
      %mul3A_162 = arith.mulf %bitcast3A_160, %bitcast3A_161 : vector<32xbf16>
      %bitcast3A_163 = vector.bitcast %gather3A_148 : vector<16xi32> to vector<32xbf16>
      %bitcast3A_164 = vector.bitcast %gather3A_153 : vector<16xi32> to vector<32xbf16>
      %mul3A_165 = arith.mulf %bitcast3A_163, %bitcast3A_164 : vector<32xbf16>
      %bitcast3A_166 = vector.bitcast %gather3A_149 : vector<16xi32> to vector<32xbf16>
      %bitcast3A_167 = vector.bitcast %gather3A_154 : vector<16xi32> to vector<32xbf16>
      %mul3A_168 = arith.mulf %bitcast3A_166, %bitcast3A_167 : vector<32xbf16>
      %broadcast_in_dim3A_169 = arith.constant 1 : i32
      %broadcast_in_dim3A_170 = vector.broadcast %broadcast_in_dim3A_169 : i32 to vector<16xi32>
      %gather3A_171 = tpu.vector_load_idx %arg6[%broadcast_in_dim3A_170, %get3A_110] : memref<4x10000xi32, #tpu.memory_space<vmem>>[vector<16xi32>, vector<16xi32>], vector<16xi32>,
      %gather3A_172 = tpu.vector_load_idx %arg6[%broadcast_in_dim3A_170, %get3A_118] : memref<4x10000xi32, #tpu.memory_space<vmem>>[vector<16xi32>, vector<16xi32>], vector<16xi32>,
      %gather3A_173 = tpu.vector_load_idx %arg6[%broadcast_in_dim3A_170, %get3A_126] : memref<4x10000xi32, #tpu.memory_space<vmem>>[vector<16xi32>, vector<16xi32>], vector<16xi32>,
      %gather3A_174 = tpu.vector_load_idx %arg6[%broadcast_in_dim3A_170, %get3A_134] : memref<4x10000xi32, #tpu.memory_space<vmem>>[vector<16xi32>, vector<16xi32>], vector<16xi32>,
      %gather3A_175 = tpu.vector_load_idx %arg6[%broadcast_in_dim3A_170, %get3A_142] : memref<4x10000xi32, #tpu.memory_space<vmem>>[vector<16xi32>, vector<16xi32>], vector<16xi32>,
      %gather3A_176 = tpu.vector_load_idx %arg6[%broadcast_in_dim3A_170, %get3A_112] : memref<4x10000xi32, #tpu.memory_space<vmem>>[vector<16xi32>, vector<16xi32>], vector<16xi32>,
      %gather3A_177 = tpu.vector_load_idx %arg6[%broadcast_in_dim3A_170, %get3A_120] : memref<4x10000xi32, #tpu.memory_space<vmem>>[vector<16xi32>, vector<16xi32>], vector<16xi32>,
      %gather3A_178 = tpu.vector_load_idx %arg6[%broadcast_in_dim3A_170, %get3A_128] : memref<4x10000xi32, #tpu.memory_space<vmem>>[vector<16xi32>, vector<16xi32>], vector<16xi32>,
      %gather3A_179 = tpu.vector_load_idx %arg6[%broadcast_in_dim3A_170, %get3A_136] : memref<4x10000xi32, #tpu.memory_space<vmem>>[vector<16xi32>, vector<16xi32>], vector<16xi32>,
      %gather3A_180 = tpu.vector_load_idx %arg6[%broadcast_in_dim3A_170, %get3A_144] : memref<4x10000xi32, #tpu.memory_space<vmem>>[vector<16xi32>, vector<16xi32>], vector<16xi32>,
      %bitcast3A_181 = vector.bitcast %gather3A_171 : vector<16xi32> to vector<32xbf16>
      %bitcast3A_182 = vector.bitcast %gather3A_176 : vector<16xi32> to vector<32xbf16>
      %mul3A_183 = arith.mulf %bitcast3A_181, %bitcast3A_182 : vector<32xbf16>
      %bitcast3A_184 = vector.bitcast %gather3A_172 : vector<16xi32> to vector<32xbf16>
      %bitcast3A_185 = vector.bitcast %gather3A_177 : vector<16xi32> to vector<32xbf16>
      %mul3A_186 = arith.mulf %bitcast3A_184, %bitcast3A_185 : vector<32xbf16>
      %bitcast3A_187 = vector.bitcast %gather3A_173 : vector<16xi32> to vector<32xbf16>
      %bitcast3A_188 = vector.bitcast %gather3A_178 : vector<16xi32> to vector<32xbf16>
      %mul3A_189 = arith.mulf %bitcast3A_187, %bitcast3A_188 : vector<32xbf16>
      %bitcast3A_190 = vector.bitcast %gather3A_174 : vector<16xi32> to vector<32xbf16>
      %bitcast3A_191 = vector.bitcast %gather3A_179 : vector<16xi32> to vector<32xbf16>
      %mul3A_192 = arith.mulf %bitcast3A_190, %bitcast3A_191 : vector<32xbf16>
      %bitcast3A_193 = vector.bitcast %gather3A_175 : vector<16xi32> to vector<32xbf16>
      %bitcast3A_194 = vector.bitcast %gather3A_180 : vector<16xi32> to vector<32xbf16>
      %mul3A_195 = arith.mulf %bitcast3A_193, %bitcast3A_194 : vector<32xbf16>
      %broadcast_in_dim3A_196 = arith.constant 2 : i32
      %broadcast_in_dim3A_197 = vector.broadcast %broadcast_in_dim3A_196 : i32 to vector<16xi32>
      %gather3A_198 = tpu.vector_load_idx %arg6[%broadcast_in_dim3A_197, %get3A_110] : memref<4x10000xi32, #tpu.memory_space<vmem>>[vector<16xi32>, vector<16xi32>], vector<16xi32>,
      %gather3A_199 = tpu.vector_load_idx %arg6[%broadcast_in_dim3A_197, %get3A_118] : memref<4x10000xi32, #tpu.memory_space<vmem>>[vector<16xi32>, vector<16xi32>], vector<16xi32>,
      %gather3A_200 = tpu.vector_load_idx %arg6[%broadcast_in_dim3A_197, %get3A_126] : memref<4x10000xi32, #tpu.memory_space<vmem>>[vector<16xi32>, vector<16xi32>], vector<16xi32>,
      %gather3A_201 = tpu.vector_load_idx %arg6[%broadcast_in_dim3A_197, %get3A_134] : memref<4x10000xi32, #tpu.memory_space<vmem>>[vector<16xi32>, vector<16xi32>], vector<16xi32>,
      %gather3A_202 = tpu.vector_load_idx %arg6[%broadcast_in_dim3A_197, %get3A_142] : memref<4x10000xi32, #tpu.memory_space<vmem>>[vector<16xi32>, vector<16xi32>], vector<16xi32>,
      %gather3A_203 = tpu.vector_load_idx %arg6[%broadcast_in_dim3A_197, %get3A_112] : memref<4x10000xi32, #tpu.memory_space<vmem>>[vector<16xi32>, vector<16xi32>], vector<16xi32>,
      %gather3A_204 = tpu.vector_load_idx %arg6[%broadcast_in_dim3A_197, %get3A_120] : memref<4x10000xi32, #tpu.memory_space<vmem>>[vector<16xi32>, vector<16xi32>], vector<16xi32>,
      %gather3A_205 = tpu.vector_load_idx %arg6[%broadcast_in_dim3A_197, %get3A_128] : memref<4x10000xi32, #tpu.memory_space<vmem>>[vector<16xi32>, vector<16xi32>], vector<16xi32>,
      %gather3A_206 = tpu.vector_load_idx %arg6[%broadcast_in_dim3A_197, %get3A_136] : memref<4x10000xi32, #tpu.memory_space<vmem>>[vector<16xi32>, vector<16xi32>], vector<16xi32>,
      %gather3A_207 = tpu.vector_load_idx %arg6[%broadcast_in_dim3A_197, %get3A_144] : memref<4x10000xi32, #tpu.memory_space<vmem>>[vector<16xi32>, vector<16xi32>], vector<16xi32>,
      %bitcast3A_208 = vector.bitcast %gather3A_198 : vector<16xi32> to vector<32xbf16>
      %bitcast3A_209 = vector.bitcast %gather3A_203 : vector<16xi32> to vector<32xbf16>
      %mul3A_210 = arith.mulf %bitcast3A_208, %bitcast3A_209 : vector<32xbf16>
      %bitcast3A_211 = vector.bitcast %gather3A_199 : vector<16xi32> to vector<32xbf16>
      %bitcast3A_212 = vector.bitcast %gather3A_204 : vector<16xi32> to vector<32xbf16>
      %mul3A_213 = arith.mulf %bitcast3A_211, %bitcast3A_212 : vector<32xbf16>
      %bitcast3A_214 = vector.bitcast %gather3A_200 : vector<16xi32> to vector<32xbf16>
      %bitcast3A_215 = vector.bitcast %gather3A_205 : vector<16xi32> to vector<32xbf16>
      %mul3A_216 = arith.mulf %bitcast3A_214, %bitcast3A_215 : vector<32xbf16>
      %bitcast3A_217 = vector.bitcast %gather3A_201 : vector<16xi32> to vector<32xbf16>
      %bitcast3A_218 = vector.bitcast %gather3A_206 : vector<16xi32> to vector<32xbf16>
      %mul3A_219 = arith.mulf %bitcast3A_217, %bitcast3A_218 : vector<32xbf16>
      %bitcast3A_220 = vector.bitcast %gather3A_202 : vector<16xi32> to vector<32xbf16>
      %bitcast3A_221 = vector.bitcast %gather3A_207 : vector<16xi32> to vector<32xbf16>
      %mul3A_222 = arith.mulf %bitcast3A_220, %bitcast3A_221 : vector<32xbf16>
      %broadcast_in_dim3A_223 = arith.constant 3 : i32
      %broadcast_in_dim3A_224 = vector.broadcast %broadcast_in_dim3A_223 : i32 to vector<16xi32>
      %gather3A_225 = tpu.vector_load_idx %arg6[%broadcast_in_dim3A_224, %get3A_110] : memref<4x10000xi32, #tpu.memory_space<vmem>>[vector<16xi32>, vector<16xi32>], vector<16xi32>,
      %gather3A_226 = tpu.vector_load_idx %arg6[%broadcast_in_dim3A_224, %get3A_118] : memref<4x10000xi32, #tpu.memory_space<vmem>>[vector<16xi32>, vector<16xi32>], vector<16xi32>,
      %gather3A_227 = tpu.vector_load_idx %arg6[%broadcast_in_dim3A_224, %get3A_126] : memref<4x10000xi32, #tpu.memory_space<vmem>>[vector<16xi32>, vector<16xi32>], vector<16xi32>,
      %gather3A_228 = tpu.vector_load_idx %arg6[%broadcast_in_dim3A_224, %get3A_134] : memref<4x10000xi32, #tpu.memory_space<vmem>>[vector<16xi32>, vector<16xi32>], vector<16xi32>,
      %gather3A_229 = tpu.vector_load_idx %arg6[%broadcast_in_dim3A_224, %get3A_142] : memref<4x10000xi32, #tpu.memory_space<vmem>>[vector<16xi32>, vector<16xi32>], vector<16xi32>,
      %gather3A_230 = tpu.vector_load_idx %arg6[%broadcast_in_dim3A_224, %get3A_112] : memref<4x10000xi32, #tpu.memory_space<vmem>>[vector<16xi32>, vector<16xi32>], vector<16xi32>,
      %gather3A_231 = tpu.vector_load_idx %arg6[%broadcast_in_dim3A_224, %get3A_120] : memref<4x10000xi32, #tpu.memory_space<vmem>>[vector<16xi32>, vector<16xi32>], vector<16xi32>,
      %gather3A_232 = tpu.vector_load_idx %arg6[%broadcast_in_dim3A_224, %get3A_128] : memref<4x10000xi32, #tpu.memory_space<vmem>>[vector<16xi32>, vector<16xi32>], vector<16xi32>,
      %gather3A_233 = tpu.vector_load_idx %arg6[%broadcast_in_dim3A_224, %get3A_136] : memref<4x10000xi32, #tpu.memory_space<vmem>>[vector<16xi32>, vector<16xi32>], vector<16xi32>,
      %gather3A_234 = tpu.vector_load_idx %arg6[%broadcast_in_dim3A_224, %get3A_144] : memref<4x10000xi32, #tpu.memory_space<vmem>>[vector<16xi32>, vector<16xi32>], vector<16xi32>,
      %bitcast3A_235 = vector.bitcast %gather3A_225 : vector<16xi32> to vector<32xbf16>
      %bitcast3A_236 = vector.bitcast %gather3A_230 : vector<16xi32> to vector<32xbf16>
      %mul3A_237 = arith.mulf %bitcast3A_235, %bitcast3A_236 : vector<32xbf16>
      %bitcast3A_238 = vector.bitcast %gather3A_226 : vector<16xi32> to vector<32xbf16>
      %bitcast3A_239 = vector.bitcast %gather3A_231 : vector<16xi32> to vector<32xbf16>
      %mul3A_240 = arith.mulf %bitcast3A_238, %bitcast3A_239 : vector<32xbf16>
      %bitcast3A_241 = vector.bitcast %gather3A_227 : vector<16xi32> to vector<32xbf16>
      %bitcast3A_242 = vector.bitcast %gather3A_232 : vector<16xi32> to vector<32xbf16>
      %mul3A_243 = arith.mulf %bitcast3A_241, %bitcast3A_242 : vector<32xbf16>
      %bitcast3A_244 = vector.bitcast %gather3A_228 : vector<16xi32> to vector<32xbf16>
      %bitcast3A_245 = vector.bitcast %gather3A_233 : vector<16xi32> to vector<32xbf16>
      %mul3A_246 = arith.mulf %bitcast3A_244, %bitcast3A_245 : vector<32xbf16>
      %bitcast3A_247 = vector.bitcast %gather3A_229 : vector<16xi32> to vector<32xbf16>
      %bitcast3A_248 = vector.bitcast %gather3A_234 : vector<16xi32> to vector<32xbf16>
      %mul3A_249 = arith.mulf %bitcast3A_247, %bitcast3A_248 : vector<32xbf16>
      %add3A_250 = arith.addf %mul3A_156, %mul3A_183 : vector<32xbf16>
      %add3A_251 = arith.addf %mul3A_210, %mul3A_237 : vector<32xbf16>
      %unpack3A = tpu.unpack_subelements %add3A_250, 0 {pack_format = #tpu.pack_format<interleaved>} : vector<32xbf16> -> vector<16xf32>
      %unpack3A_252 = tpu.unpack_subelements %add3A_250, 1 {pack_format = #tpu.pack_format<interleaved>} : vector<32xbf16> -> vector<16xf32>
      %unpack3A_253 = tpu.unpack_subelements %add3A_251, 0 {pack_format = #tpu.pack_format<interleaved>} : vector<32xbf16> -> vector<16xf32>
      %unpack3A_254 = tpu.unpack_subelements %add3A_251, 1 {pack_format = #tpu.pack_format<interleaved>} : vector<32xbf16> -> vector<16xf32>
      %add3A_255 = arith.addf %unpack3A, %unpack3A_252 : vector<16xf32>
      %add3A_256 = arith.addf %unpack3A_253, %unpack3A_254 : vector<16xf32>
      %add3A_257 = arith.addf %add3A_255, %add3A_256 : vector<16xf32>
      %swap3A = arith.index_cast %add3A_105 : i32 to index
      %swap3A_258 = arith.constant 0 : index
      %swap3A_259 = tpu.vector_load %arg11[%swap3A, %swap3A_258] {strides = array<i32>} : memref<16x128xf32, #tpu.memory_space<vmem>>, vector<16xf32>,
      tpu.vector_store %arg11[%swap3A, %swap3A_258], %add3A_257 {strides = array<i32>} : memref<16x128xf32, #tpu.memory_space<vmem>>, vector<16xf32>,
      %add3A_260 = arith.addf %mul3A_159, %mul3A_186 : vector<32xbf16>
      %add3A_261 = arith.addf %mul3A_213, %mul3A_240 : vector<32xbf16>
      %unpack3A_262 = tpu.unpack_subelements %add3A_260, 0 {pack_format = #tpu.pack_format<interleaved>} : vector<32xbf16> -> vector<16xf32>
      %unpack3A_263 = tpu.unpack_subelements %add3A_260, 1 {pack_format = #tpu.pack_format<interleaved>} : vector<32xbf16> -> vector<16xf32>
      %unpack3A_264 = tpu.unpack_subelements %add3A_261, 0 {pack_format = #tpu.pack_format<interleaved>} : vector<32xbf16> -> vector<16xf32>
      %unpack3A_265 = tpu.unpack_subelements %add3A_261, 1 {pack_format = #tpu.pack_format<interleaved>} : vector<32xbf16> -> vector<16xf32>
      %add3A_266 = arith.addf %unpack3A_262, %unpack3A_263 : vector<16xf32>
      %add3A_267 = arith.addf %unpack3A_264, %unpack3A_265 : vector<16xf32>
      %add3A_268 = arith.addf %add3A_266, %add3A_267 : vector<16xf32>
      %swap3A_269 = arith.index_cast %add3A_105 : i32 to index
      %swap3A_270 = arith.constant 16 : index
      %swap3A_271 = tpu.vector_load %arg11[%swap3A_269, %swap3A_270] {strides = array<i32>} : memref<16x128xf32, #tpu.memory_space<vmem>>, vector<16xf32>,
      tpu.vector_store %arg11[%swap3A_269, %swap3A_270], %add3A_268 {strides = array<i32>} : memref<16x128xf32, #tpu.memory_space<vmem>>, vector<16xf32>,
      %add3A_272 = arith.addf %mul3A_162, %mul3A_189 : vector<32xbf16>
      %add3A_273 = arith.addf %mul3A_216, %mul3A_243 : vector<32xbf16>
      %unpack3A_274 = tpu.unpack_subelements %add3A_272, 0 {pack_format = #tpu.pack_format<interleaved>} : vector<32xbf16> -> vector<16xf32>
      %unpack3A_275 = tpu.unpack_subelements %add3A_272, 1 {pack_format = #tpu.pack_format<interleaved>} : vector<32xbf16> -> vector<16xf32>
      %unpack3A_276 = tpu.unpack_subelements %add3A_273, 0 {pack_format = #tpu.pack_format<interleaved>} : vector<32xbf16> -> vector<16xf32>
      %unpack3A_277 = tpu.unpack_subelements %add3A_273, 1 {pack_format = #tpu.pack_format<interleaved>} : vector<32xbf16> -> vector<16xf32>
      %add3A_278 = arith.addf %unpack3A_274, %unpack3A_275 : vector<16xf32>
      %add3A_279 = arith.addf %unpack3A_276, %unpack3A_277 : vector<16xf32>
      %add3A_280 = arith.addf %add3A_278, %add3A_279 : vector<16xf32>
      %swap3A_281 = arith.index_cast %add3A_105 : i32 to index
      %swap3A_282 = arith.constant 32 : index
      %swap3A_283 = tpu.vector_load %arg11[%swap3A_281, %swap3A_282] {strides = array<i32>} : memref<16x128xf32, #tpu.memory_space<vmem>>, vector<16xf32>,
      tpu.vector_store %arg11[%swap3A_281, %swap3A_282], %add3A_280 {strides = array<i32>} : memref<16x128xf32, #tpu.memory_space<vmem>>, vector<16xf32>,
      %add3A_284 = arith.addf %mul3A_165, %mul3A_192 : vector<32xbf16>
      %add3A_285 = arith.addf %mul3A_219, %mul3A_246 : vector<32xbf16>
      %unpack3A_286 = tpu.unpack_subelements %add3A_284, 0 {pack_format = #tpu.pack_format<interleaved>} : vector<32xbf16> -> vector<16xf32>
      %unpack3A_287 = tpu.unpack_subelements %add3A_284, 1 {pack_format = #tpu.pack_format<interleaved>} : vector<32xbf16> -> vector<16xf32>
      %unpack3A_288 = tpu.unpack_subelements %add3A_285, 0 {pack_format = #tpu.pack_format<interleaved>} : vector<32xbf16> -> vector<16xf32>
      %unpack3A_289 = tpu.unpack_subelements %add3A_285, 1 {pack_format = #tpu.pack_format<interleaved>} : vector<32xbf16> -> vector<16xf32>
      %add3A_290 = arith.addf %unpack3A_286, %unpack3A_287 : vector<16xf32>
      %add3A_291 = arith.addf %unpack3A_288, %unpack3A_289 : vector<16xf32>
      %add3A_292 = arith.addf %add3A_290, %add3A_291 : vector<16xf32>
      %swap3A_293 = arith.index_cast %add3A_105 : i32 to index
      %swap3A_294 = arith.constant 48 : index
      %swap3A_295 = tpu.vector_load %arg11[%swap3A_293, %swap3A_294] {strides = array<i32>} : memref<16x128xf32, #tpu.memory_space<vmem>>, vector<16xf32>,
      tpu.vector_store %arg11[%swap3A_293, %swap3A_294], %add3A_292 {strides = array<i32>} : memref<16x128xf32, #tpu.memory_space<vmem>>, vector<16xf32>,
      %add3A_296 = arith.addf %mul3A_168, %mul3A_195 : vector<32xbf16>
      %add3A_297 = arith.addf %mul3A_222, %mul3A_249 : vector<32xbf16>
      %unpack3A_298 = tpu.unpack_subelements %add3A_296, 0 {pack_format = #tpu.pack_format<interleaved>} : vector<32xbf16> -> vector<16xf32>
      %unpack3A_299 = tpu.unpack_subelements %add3A_296, 1 {pack_format = #tpu.pack_format<interleaved>} : vector<32xbf16> -> vector<16xf32>
      %unpack3A_300 = tpu.unpack_subelements %add3A_297, 0 {pack_format = #tpu.pack_format<interleaved>} : vector<32xbf16> -> vector<16xf32>
      %unpack3A_301 = tpu.unpack_subelements %add3A_297, 1 {pack_format = #tpu.pack_format<interleaved>} : vector<32xbf16> -> vector<16xf32>
      %add3A_302 = arith.addf %unpack3A_298, %unpack3A_299 : vector<16xf32>
      %add3A_303 = arith.addf %unpack3A_300, %unpack3A_301 : vector<16xf32>
      %add3A_304 = arith.addf %add3A_302, %add3A_303 : vector<16xf32>
      %swap3A_305 = arith.index_cast %add3A_105 : i32 to index
      %swap3A_306 = arith.constant 64 : index
      %swap3A_307 = tpu.vector_load %arg11[%swap3A_305, %swap3A_306] {strides = array<i32>} : memref<16x128xf32, #tpu.memory_space<vmem>>, vector<16xf32>,
      tpu.vector_store %arg11[%swap3A_305, %swap3A_306], %add3A_304 {strides = array<i32>} : memref<16x128xf32, #tpu.memory_space<vmem>>, vector<16xf32>,
    }
    %scan3A_35 = arith.constant 16 : i32
    %add3A_36 = arith.constant 2560 : i32
    %add3A_37 = arith.addi %mul3A_0, %add3A_36 : i32
    %dma_start3A_38 = tpu.memref_slice %arg3[%add3A_37] : memref<320000xi32, #tpu.memory_space<hbm>> -> memref<1280xi32, #tpu.memory_space<hbm>>
    %dma_start3A_39 = tpu.memref_slice %arg3[%add3A_37] : memref<320000xi32, #tpu.memory_space<hbm>> -> memref<1280xi32, #tpu.memory_space<hbm>>
    tpu.enqueue_dma source(%dma_start3A_39 : memref<1280xi32, #tpu.memory_space<hbm>>) target(%arg7 : memref<1280xi32, #tpu.memory_space<vmem>>) target_semaphore(%arg18 : memref<!tpu.dma_semaphore, #tpu.memory_space<semaphore_mem>>)
    %add3A_40 = arith.constant 2560 : i32
    %add3A_41 = arith.addi %mul3A_0, %add3A_40 : i32
    %dma_start3A_42 = tpu.memref_slice %arg4[%add3A_41] : memref<320000xi32, #tpu.memory_space<hbm>> -> memref<1280xi32, #tpu.memory_space<hbm>>
    %dma_start3A_43 = tpu.memref_slice %arg4[%add3A_41] : memref<320000xi32, #tpu.memory_space<hbm>> -> memref<1280xi32, #tpu.memory_space<hbm>>
    tpu.enqueue_dma source(%dma_start3A_43 : memref<1280xi32, #tpu.memory_space<hbm>>) target(%arg8 : memref<1280xi32, #tpu.memory_space<vmem>>) target_semaphore(%arg19 : memref<!tpu.dma_semaphore, #tpu.memory_space<semaphore_mem>>)
    %run_scoped3A = arith.constant 0 : i32
    "tpu.region"() ({
      %run_scoped3A_101 = tpu.sem_alloc : memref<!tpu.dma_semaphore, #tpu.memory_space<semaphore_mem>>
      %dma_start3A_102 = arith.constant 0 : i32
      %dma_start3A_103 = arith.constant 0 : i32
      %dma_start3A_104 = tpu.memref_slice %arg16[%run_scoped3A, %arg1, %dma_start3A_102, %dma_start3A_103] : memref<2x16x16x128xf32, #tpu.memory_space<vmem_shared>> -> memref<1x1x16x128xf32, #tpu.memory_space<vmem_shared>>
      %dma_start3A_105 = tpu.memref_squeeze %dma_start3A_104 : memref<1x1x16x128xf32, #tpu.memory_space<vmem_shared>> -> memref<16x128xf32, #tpu.memory_space<vmem_shared>>
      %dma_start3A_106 = arith.constant 0 : i32
      %dma_start3A_107 = arith.constant 0 : i32
      %dma_start3A_108 = tpu.memref_slice %arg16[%run_scoped3A, %arg1, %dma_start3A_106, %dma_start3A_107] : memref<2x16x16x128xf32, #tpu.memory_space<vmem_shared>> -> memref<1x1x16x128xf32, #tpu.memory_space<vmem_shared>>
      %dma_start3A_109 = tpu.memref_squeeze %dma_start3A_108 : memref<1x1x16x128xf32, #tpu.memory_space<vmem_shared>> -> memref<16x128xf32, #tpu.memory_space<vmem_shared>>
      tpu.enqueue_dma source(%arg11 : memref<16x128xf32, #tpu.memory_space<vmem>>) target(%dma_start3A_109 : memref<16x128xf32, #tpu.memory_space<vmem_shared>>) target_semaphore(%run_scoped3A_101 : memref<!tpu.dma_semaphore, #tpu.memory_space<semaphore_mem>>)
      %dma_wait3A_110 = arith.constant 0 : i32
      %dma_wait3A_111 = arith.constant 0 : i32
      %dma_wait3A_112 = tpu.memref_slice %arg16[%run_scoped3A, %arg1, %dma_wait3A_110, %dma_wait3A_111] : memref<2x16x16x128xf32, #tpu.memory_space<vmem_shared>> -> memref<1x1x16x128xf32, #tpu.memory_space<vmem_shared>>
      %dma_wait3A_113 = tpu.memref_squeeze %dma_wait3A_112 : memref<1x1x16x128xf32, #tpu.memory_space<vmem_shared>> -> memref<16x128xf32, #tpu.memory_space<vmem_shared>>
      %dma_wait3A_114 = arith.constant 0 : i32
      %dma_wait3A_115 = arith.constant 0 : i32
      %dma_wait3A_116 = tpu.memref_slice %arg16[%run_scoped3A, %arg1, %dma_wait3A_114, %dma_wait3A_115] : memref<2x16x16x128xf32, #tpu.memory_space<vmem_shared>> -> memref<1x1x16x128xf32, #tpu.memory_space<vmem_shared>>
      %dma_wait3A_117 = tpu.memref_squeeze %dma_wait3A_116 : memref<1x1x16x128xf32, #tpu.memory_space<vmem_shared>> -> memref<16x128xf32, #tpu.memory_space<vmem_shared>>
      tpu.wait_dma2 semaphore(%run_scoped3A_101 : memref<!tpu.dma_semaphore, #tpu.memory_space<semaphore_mem>>) src(%arg11 : memref<16x128xf32, #tpu.memory_space<vmem>>) dst(%dma_wait3A_117 : memref<16x128xf32, #tpu.memory_space<vmem_shared>>)
      tpu.yield
    }) : () -> ()
    %barrier3A = arith.constant 0 : index
    tpu.barrier barrier_id(%barrier3A)
    %dma_start3A_44 = arith.constant 0 : i32
    %dma_start3A_45 = arith.constant 0 : i32
    %dma_start3A_46 = arith.constant 0 : i32
    %dma_start3A_47 = tpu.memref_slice %arg16[%dma_start3A_44, %dma_start3A_45, %arg1, %dma_start3A_46] : memref<2x16x16x128xf32, #tpu.memory_space<vmem_shared>> -> memref<1x16x1x128xf32, #tpu.memory_space<vmem_shared>>
    %dma_start3A_48 = tpu.memref_squeeze %dma_start3A_47 : memref<1x16x1x128xf32, #tpu.memory_space<vmem_shared>> -> memref<16x128xf32, #tpu.memory_space<vmem_shared>>
    %dma_start3A_49 = arith.constant 0 : i32
    %dma_start3A_50 = arith.constant 0 : i32
    %dma_start3A_51 = tpu.memref_slice %arg16[%dma_start3A_44, %dma_start3A_49, %arg1, %dma_start3A_50] : memref<2x16x16x128xf32, #tpu.memory_space<vmem_shared>> -> memref<1x16x1x128xf32, #tpu.memory_space<vmem_shared>>
    %dma_start3A_52 = tpu.memref_squeeze %dma_start3A_51 : memref<1x16x1x128xf32, #tpu.memory_space<vmem_shared>> -> memref<16x128xf32, #tpu.memory_space<vmem_shared>>
    tpu.enqueue_dma source(%dma_start3A_52 : memref<16x128xf32, #tpu.memory_space<vmem_shared>>) target(%arg12 : memref<16x128xf32, #tpu.memory_space<vmem>>) target_semaphore(%arg22 : memref<!tpu.dma_semaphore, #tpu.memory_space<semaphore_mem>>)
    %scan3A_53 = arith.constant 0 : i32
    %scan3A_54 = arith.constant 62 : i32
    %scan3A_55 = arith.addi %scan3A_53, %scan3A_54 : i32
    %scan3A_56 = arith.constant 1 : i32
    scf.for %scan3A_101 = %scan3A_53 to %scan3A_55 step %scan3A_56  : i32 {
      %mul3A_102 = arith.constant 1 : i32
      %mul3A_103 = arith.muli %scan3A_101, %mul3A_102 : i32
      %add3A_104 = arith.constant 0 : i32
      %add3A_105 = arith.addi %add3A_104, %mul3A_103 : i32
      %mul3A_106 = arith.constant 2 : i32
      %mul3A_107 = arith.muli %mul3A_106, %add3A_105 : i32
      %add3A_108 = arith.constant 1 : i32
      %add3A_109 = arith.addi %mul3A_107, %add3A_108 : i32
      %mul3A_110 = arith.constant 1280 : i32
      %mul3A_111 = arith.muli %add3A_109, %mul3A_110 : i32
      %add3A_112 = arith.addi %mul3A_0, %mul3A_111 : i32
      %dma_wait3A_113 = tpu.memref_slice %arg3[%add3A_112] : memref<320000xi32, #tpu.memory_space<hbm>> -> memref<1280xi32, #tpu.memory_space<hbm>>
      %dma_wait3A_114 = tpu.memref_slice %arg3[%add3A_112] : memref<320000xi32, #tpu.memory_space<hbm>> -> memref<1280xi32, #tpu.memory_space<hbm>>
      tpu.wait_dma2 semaphore(%arg20 : memref<!tpu.dma_semaphore, #tpu.memory_space<semaphore_mem>>) src(%dma_wait3A_114 : memref<1280xi32, #tpu.memory_space<hbm>>) dst(%arg9 : memref<1280xi32, #tpu.memory_space<vmem>>)
      %mul3A_115 = arith.constant 1280 : i32
      %mul3A_116 = arith.muli %add3A_109, %mul3A_115 : i32
      %add3A_117 = arith.addi %mul3A_0, %mul3A_116 : i32
      %dma_wait3A_118 = tpu.memref_slice %arg4[%add3A_117] : memref<320000xi32, #tpu.memory_space<hbm>> -> memref<1280xi32, #tpu.memory_space<hbm>>
      %dma_wait3A_119 = tpu.memref_slice %arg4[%add3A_117] : memref<320000xi32, #tpu.memory_space<hbm>> -> memref<1280xi32, #tpu.memory_space<hbm>>
      tpu.wait_dma2 semaphore(%arg21 : memref<!tpu.dma_semaphore, #tpu.memory_space<semaphore_mem>>) src(%dma_wait3A_119 : memref<1280xi32, #tpu.memory_space<hbm>>) dst(%arg10 : memref<1280xi32, #tpu.memory_space<vmem>>)
      %scan3A_120 = arith.constant 0 : i32
      %scan3A_121 = arith.constant 16 : i32
      %scan3A_122 = arith.addi %scan3A_120, %scan3A_121 : i32
      %scan3A_123 = arith.constant 1 : i32
      scf.for %scan3A_232 = %scan3A_120 to %scan3A_122 step %scan3A_123  : i32 {
        %mul3A_233 = arith.constant 1 : i32
        %mul3A_234 = arith.muli %scan3A_232, %mul3A_233 : i32
        %add3A_235 = arith.constant 0 : i32
        %add3A_236 = arith.addi %add3A_235, %mul3A_234 : i32
        %mul3A_237 = arith.constant 80 : i32
        %mul3A_238 = arith.muli %add3A_236, %mul3A_237 : i32
        %add3A_239 = arith.constant 0 : i32
        %add3A_240 = arith.addi %mul3A_238, %add3A_239 : i32
        %get3A = arith.index_cast %add3A_240 : i32 to index
        %get3A_241 = tpu.vector_load %arg9[%get3A] {strides = array<i32>} : memref<1280xi32, #tpu.memory_space<vmem>>, vector<16xi32>,
        %get3A_242 = arith.index_cast %add3A_240 : i32 to index
        %get3A_243 = tpu.vector_load %arg10[%get3A_242] {strides = array<i32>} : memref<1280xi32, #tpu.memory_space<vmem>>, vector<16xi32>,
        %mul3A_244 = arith.constant 80 : i32
        %mul3A_245 = arith.muli %add3A_236, %mul3A_244 : i32
        %add3A_246 = arith.constant 16 : i32
        %add3A_247 = arith.addi %mul3A_245, %add3A_246 : i32
        %get3A_248 = arith.index_cast %add3A_247 : i32 to index
        %get3A_249 = tpu.vector_load %arg9[%get3A_248] {strides = array<i32>} : memref<1280xi32, #tpu.memory_space<vmem>>, vector<16xi32>,
        %get3A_250 = arith.index_cast %add3A_247 : i32 to index
        %get3A_251 = tpu.vector_load %arg10[%get3A_250] {strides = array<i32>} : memref<1280xi32, #tpu.memory_space<vmem>>, vector<16xi32>,
        %mul3A_252 = arith.constant 80 : i32
        %mul3A_253 = arith.muli %add3A_236, %mul3A_252 : i32
        %add3A_254 = arith.constant 32 : i32
        %add3A_255 = arith.addi %mul3A_253, %add3A_254 : i32
        %get3A_256 = arith.index_cast %add3A_255 : i32 to index
        %get3A_257 = tpu.vector_load %arg9[%get3A_256] {strides = array<i32>} : memref<1280xi32, #tpu.memory_space<vmem>>, vector<16xi32>,
        %get3A_258 = arith.index_cast %add3A_255 : i32 to index
        %get3A_259 = tpu.vector_load %arg10[%get3A_258] {strides = array<i32>} : memref<1280xi32, #tpu.memory_space<vmem>>, vector<16xi32>,
        %mul3A_260 = arith.constant 80 : i32
        %mul3A_261 = arith.muli %add3A_236, %mul3A_260 : i32
        %add3A_262 = arith.constant 48 : i32
        %add3A_263 = arith.addi %mul3A_261, %add3A_262 : i32
        %get3A_264 = arith.index_cast %add3A_263 : i32 to index
        %get3A_265 = tpu.vector_load %arg9[%get3A_264] {strides = array<i32>} : memref<1280xi32, #tpu.memory_space<vmem>>, vector<16xi32>,
        %get3A_266 = arith.index_cast %add3A_263 : i32 to index
        %get3A_267 = tpu.vector_load %arg10[%get3A_266] {strides = array<i32>} : memref<1280xi32, #tpu.memory_space<vmem>>, vector<16xi32>,
        %mul3A_268 = arith.constant 80 : i32
        %mul3A_269 = arith.muli %add3A_236, %mul3A_268 : i32
        %add3A_270 = arith.constant 64 : i32
        %add3A_271 = arith.addi %mul3A_269, %add3A_270 : i32
        %get3A_272 = arith.index_cast %add3A_271 : i32 to index
        %get3A_273 = tpu.vector_load %arg9[%get3A_272] {strides = array<i32>} : memref<1280xi32, #tpu.memory_space<vmem>>, vector<16xi32>,
        %get3A_274 = arith.index_cast %add3A_271 : i32 to index
        %get3A_275 = tpu.vector_load %arg10[%get3A_274] {strides = array<i32>} : memref<1280xi32, #tpu.memory_space<vmem>>, vector<16xi32>,
        %broadcast_in_dim3A = arith.constant 0 : i32
        %broadcast_in_dim3A_276 = vector.broadcast %broadcast_in_dim3A : i32 to vector<16xi32>
        %gather3A = tpu.vector_load_idx %arg6[%broadcast_in_dim3A_276, %get3A_241] : memref<4x10000xi32, #tpu.memory_space<vmem>>[vector<16xi32>, vector<16xi32>], vector<16xi32>,
        %gather3A_277 = tpu.vector_load_idx %arg6[%broadcast_in_dim3A_276, %get3A_249] : memref<4x10000xi32, #tpu.memory_space<vmem>>[vector<16xi32>, vector<16xi32>], vector<16xi32>,
        %gather3A_278 = tpu.vector_load_idx %arg6[%broadcast_in_dim3A_276, %get3A_257] : memref<4x10000xi32, #tpu.memory_space<vmem>>[vector<16xi32>, vector<16xi32>], vector<16xi32>,
        %gather3A_279 = tpu.vector_load_idx %arg6[%broadcast_in_dim3A_276, %get3A_265] : memref<4x10000xi32, #tpu.memory_space<vmem>>[vector<16xi32>, vector<16xi32>], vector<16xi32>,
        %gather3A_280 = tpu.vector_load_idx %arg6[%broadcast_in_dim3A_276, %get3A_273] : memref<4x10000xi32, #tpu.memory_space<vmem>>[vector<16xi32>, vector<16xi32>], vector<16xi32>,
        %gather3A_281 = tpu.vector_load_idx %arg6[%broadcast_in_dim3A_276, %get3A_243] : memref<4x10000xi32, #tpu.memory_space<vmem>>[vector<16xi32>, vector<16xi32>], vector<16xi32>,
        %gather3A_282 = tpu.vector_load_idx %arg6[%broadcast_in_dim3A_276, %get3A_251] : memref<4x10000xi32, #tpu.memory_space<vmem>>[vector<16xi32>, vector<16xi32>], vector<16xi32>,
        %gather3A_283 = tpu.vector_load_idx %arg6[%broadcast_in_dim3A_276, %get3A_259] : memref<4x10000xi32, #tpu.memory_space<vmem>>[vector<16xi32>, vector<16xi32>], vector<16xi32>,
        %gather3A_284 = tpu.vector_load_idx %arg6[%broadcast_in_dim3A_276, %get3A_267] : memref<4x10000xi32, #tpu.memory_space<vmem>>[vector<16xi32>, vector<16xi32>], vector<16xi32>,
        %gather3A_285 = tpu.vector_load_idx %arg6[%broadcast_in_dim3A_276, %get3A_275] : memref<4x10000xi32, #tpu.memory_space<vmem>>[vector<16xi32>, vector<16xi32>], vector<16xi32>,
        %bitcast3A = vector.bitcast %gather3A : vector<16xi32> to vector<32xbf16>
        %bitcast3A_286 = vector.bitcast %gather3A_281 : vector<16xi32> to vector<32xbf16>
        %mul3A_287 = arith.mulf %bitcast3A, %bitcast3A_286 : vector<32xbf16>
        %bitcast3A_288 = vector.bitcast %gather3A_277 : vector<16xi32> to vector<32xbf16>
        %bitcast3A_289 = vector.bitcast %gather3A_282 : vector<16xi32> to vector<32xbf16>
        %mul3A_290 = arith.mulf %bitcast3A_288, %bitcast3A_289 : vector<32xbf16>
        %bitcast3A_291 = vector.bitcast %gather3A_278 : vector<16xi32> to vector<32xbf16>
        %bitcast3A_292 = vector.bitcast %gather3A_283 : vector<16xi32> to vector<32xbf16>
        %mul3A_293 = arith.mulf %bitcast3A_291, %bitcast3A_292 : vector<32xbf16>
        %bitcast3A_294 = vector.bitcast %gather3A_279 : vector<16xi32> to vector<32xbf16>
        %bitcast3A_295 = vector.bitcast %gather3A_284 : vector<16xi32> to vector<32xbf16>
        %mul3A_296 = arith.mulf %bitcast3A_294, %bitcast3A_295 : vector<32xbf16>
        %bitcast3A_297 = vector.bitcast %gather3A_280 : vector<16xi32> to vector<32xbf16>
        %bitcast3A_298 = vector.bitcast %gather3A_285 : vector<16xi32> to vector<32xbf16>
        %mul3A_299 = arith.mulf %bitcast3A_297, %bitcast3A_298 : vector<32xbf16>
        %broadcast_in_dim3A_300 = arith.constant 1 : i32
        %broadcast_in_dim3A_301 = vector.broadcast %broadcast_in_dim3A_300 : i32 to vector<16xi32>
        %gather3A_302 = tpu.vector_load_idx %arg6[%broadcast_in_dim3A_301, %get3A_241] : memref<4x10000xi32, #tpu.memory_space<vmem>>[vector<16xi32>, vector<16xi32>], vector<16xi32>,
        %gather3A_303 = tpu.vector_load_idx %arg6[%broadcast_in_dim3A_301, %get3A_249] : memref<4x10000xi32, #tpu.memory_space<vmem>>[vector<16xi32>, vector<16xi32>], vector<16xi32>,
        %gather3A_304 = tpu.vector_load_idx %arg6[%broadcast_in_dim3A_301, %get3A_257] : memref<4x10000xi32, #tpu.memory_space<vmem>>[vector<16xi32>, vector<16xi32>], vector<16xi32>,
        %gather3A_305 = tpu.vector_load_idx %arg6[%broadcast_in_dim3A_301, %get3A_265] : memref<4x10000xi32, #tpu.memory_space<vmem>>[vector<16xi32>, vector<16xi32>], vector<16xi32>,
        %gather3A_306 = tpu.vector_load_idx %arg6[%broadcast_in_dim3A_301, %get3A_273] : memref<4x10000xi32, #tpu.memory_space<vmem>>[vector<16xi32>, vector<16xi32>], vector<16xi32>,
        %gather3A_307 = tpu.vector_load_idx %arg6[%broadcast_in_dim3A_301, %get3A_243] : memref<4x10000xi32, #tpu.memory_space<vmem>>[vector<16xi32>, vector<16xi32>], vector<16xi32>,
        %gather3A_308 = tpu.vector_load_idx %arg6[%broadcast_in_dim3A_301, %get3A_251] : memref<4x10000xi32, #tpu.memory_space<vmem>>[vector<16xi32>, vector<16xi32>], vector<16xi32>,
        %gather3A_309 = tpu.vector_load_idx %arg6[%broadcast_in_dim3A_301, %get3A_259] : memref<4x10000xi32, #tpu.memory_space<vmem>>[vector<16xi32>, vector<16xi32>], vector<16xi32>,
        %gather3A_310 = tpu.vector_load_idx %arg6[%broadcast_in_dim3A_301, %get3A_267] : memref<4x10000xi32, #tpu.memory_space<vmem>>[vector<16xi32>, vector<16xi32>], vector<16xi32>,
        %gather3A_311 = tpu.vector_load_idx %arg6[%broadcast_in_dim3A_301, %get3A_275] : memref<4x10000xi32, #tpu.memory_space<vmem>>[vector<16xi32>, vector<16xi32>], vector<16xi32>,
        %bitcast3A_312 = vector.bitcast %gather3A_302 : vector<16xi32> to vector<32xbf16>
        %bitcast3A_313 = vector.bitcast %gather3A_307 : vector<16xi32> to vector<32xbf16>
        %mul3A_314 = arith.mulf %bitcast3A_312, %bitcast3A_313 : vector<32xbf16>
        %bitcast3A_315 = vector.bitcast %gather3A_303 : vector<16xi32> to vector<32xbf16>
        %bitcast3A_316 = vector.bitcast %gather3A_308 : vector<16xi32> to vector<32xbf16>
        %mul3A_317 = arith.mulf %bitcast3A_315, %bitcast3A_316 : vector<32xbf16>
        %bitcast3A_318 = vector.bitcast %gather3A_304 : vector<16xi32> to vector<32xbf16>
        %bitcast3A_319 = vector.bitcast %gather3A_309 : vector<16xi32> to vector<32xbf16>
        %mul3A_320 = arith.mulf %bitcast3A_318, %bitcast3A_319 : vector<32xbf16>
        %bitcast3A_321 = vector.bitcast %gather3A_305 : vector<16xi32> to vector<32xbf16>
        %bitcast3A_322 = vector.bitcast %gather3A_310 : vector<16xi32> to vector<32xbf16>
        %mul3A_323 = arith.mulf %bitcast3A_321, %bitcast3A_322 : vector<32xbf16>
        %bitcast3A_324 = vector.bitcast %gather3A_306 : vector<16xi32> to vector<32xbf16>
        %bitcast3A_325 = vector.bitcast %gather3A_311 : vector<16xi32> to vector<32xbf16>
        %mul3A_326 = arith.mulf %bitcast3A_324, %bitcast3A_325 : vector<32xbf16>
        %broadcast_in_dim3A_327 = arith.constant 2 : i32
        %broadcast_in_dim3A_328 = vector.broadcast %broadcast_in_dim3A_327 : i32 to vector<16xi32>
        %gather3A_329 = tpu.vector_load_idx %arg6[%broadcast_in_dim3A_328, %get3A_241] : memref<4x10000xi32, #tpu.memory_space<vmem>>[vector<16xi32>, vector<16xi32>], vector<16xi32>,
        %gather3A_330 = tpu.vector_load_idx %arg6[%broadcast_in_dim3A_328, %get3A_249] : memref<4x10000xi32, #tpu.memory_space<vmem>>[vector<16xi32>, vector<16xi32>], vector<16xi32>,
        %gather3A_331 = tpu.vector_load_idx %arg6[%broadcast_in_dim3A_328, %get3A_257] : memref<4x10000xi32, #tpu.memory_space<vmem>>[vector<16xi32>, vector<16xi32>], vector<16xi32>,
        %gather3A_332 = tpu.vector_load_idx %arg6[%broadcast_in_dim3A_328, %get3A_265] : memref<4x10000xi32, #tpu.memory_space<vmem>>[vector<16xi32>, vector<16xi32>], vector<16xi32>,
        %gather3A_333 = tpu.vector_load_idx %arg6[%broadcast_in_dim3A_328, %get3A_273] : memref<4x10000xi32, #tpu.memory_space<vmem>>[vector<16xi32>, vector<16xi32>], vector<16xi32>,
        %gather3A_334 = tpu.vector_load_idx %arg6[%broadcast_in_dim3A_328, %get3A_243] : memref<4x10000xi32, #tpu.memory_space<vmem>>[vector<16xi32>, vector<16xi32>], vector<16xi32>,
        %gather3A_335 = tpu.vector_load_idx %arg6[%broadcast_in_dim3A_328, %get3A_251] : memref<4x10000xi32, #tpu.memory_space<vmem>>[vector<16xi32>, vector<16xi32>], vector<16xi32>,
        %gather3A_336 = tpu.vector_load_idx %arg6[%broadcast_in_dim3A_328, %get3A_259] : memref<4x10000xi32, #tpu.memory_space<vmem>>[vector<16xi32>, vector<16xi32>], vector<16xi32>,
        %gather3A_337 = tpu.vector_load_idx %arg6[%broadcast_in_dim3A_328, %get3A_267] : memref<4x10000xi32, #tpu.memory_space<vmem>>[vector<16xi32>, vector<16xi32>], vector<16xi32>,
        %gather3A_338 = tpu.vector_load_idx %arg6[%broadcast_in_dim3A_328, %get3A_275] : memref<4x10000xi32, #tpu.memory_space<vmem>>[vector<16xi32>, vector<16xi32>], vector<16xi32>,
        %bitcast3A_339 = vector.bitcast %gather3A_329 : vector<16xi32> to vector<32xbf16>
        %bitcast3A_340 = vector.bitcast %gather3A_334 : vector<16xi32> to vector<32xbf16>
        %mul3A_341 = arith.mulf %bitcast3A_339, %bitcast3A_340 : vector<32xbf16>
        %bitcast3A_342 = vector.bitcast %gather3A_330 : vector<16xi32> to vector<32xbf16>
        %bitcast3A_343 = vector.bitcast %gather3A_335 : vector<16xi32> to vector<32xbf16>
        %mul3A_344 = arith.mulf %bitcast3A_342, %bitcast3A_343 : vector<32xbf16>
        %bitcast3A_345 = vector.bitcast %gather3A_331 : vector<16xi32> to vector<32xbf16>
        %bitcast3A_346 = vector.bitcast %gather3A_336 : vector<16xi32> to vector<32xbf16>
        %mul3A_347 = arith.mulf %bitcast3A_345, %bitcast3A_346 : vector<32xbf16>
        %bitcast3A_348 = vector.bitcast %gather3A_332 : vector<16xi32> to vector<32xbf16>
        %bitcast3A_349 = vector.bitcast %gather3A_337 : vector<16xi32> to vector<32xbf16>
        %mul3A_350 = arith.mulf %bitcast3A_348, %bitcast3A_349 : vector<32xbf16>
        %bitcast3A_351 = vector.bitcast %gather3A_333 : vector<16xi32> to vector<32xbf16>
        %bitcast3A_352 = vector.bitcast %gather3A_338 : vector<16xi32> to vector<32xbf16>
        %mul3A_353 = arith.mulf %bitcast3A_351, %bitcast3A_352 : vector<32xbf16>
        %broadcast_in_dim3A_354 = arith.constant 3 : i32
        %broadcast_in_dim3A_355 = vector.broadcast %broadcast_in_dim3A_354 : i32 to vector<16xi32>
        %gather3A_356 = tpu.vector_load_idx %arg6[%broadcast_in_dim3A_355, %get3A_241] : memref<4x10000xi32, #tpu.memory_space<vmem>>[vector<16xi32>, vector<16xi32>], vector<16xi32>,
        %gather3A_357 = tpu.vector_load_idx %arg6[%broadcast_in_dim3A_355, %get3A_249] : memref<4x10000xi32, #tpu.memory_space<vmem>>[vector<16xi32>, vector<16xi32>], vector<16xi32>,
        %gather3A_358 = tpu.vector_load_idx %arg6[%broadcast_in_dim3A_355, %get3A_257] : memref<4x10000xi32, #tpu.memory_space<vmem>>[vector<16xi32>, vector<16xi32>], vector<16xi32>,
        %gather3A_359 = tpu.vector_load_idx %arg6[%broadcast_in_dim3A_355, %get3A_265] : memref<4x10000xi32, #tpu.memory_space<vmem>>[vector<16xi32>, vector<16xi32>], vector<16xi32>,
        %gather3A_360 = tpu.vector_load_idx %arg6[%broadcast_in_dim3A_355, %get3A_273] : memref<4x10000xi32, #tpu.memory_space<vmem>>[vector<16xi32>, vector<16xi32>], vector<16xi32>,
        %gather3A_361 = tpu.vector_load_idx %arg6[%broadcast_in_dim3A_355, %get3A_243] : memref<4x10000xi32, #tpu.memory_space<vmem>>[vector<16xi32>, vector<16xi32>], vector<16xi32>,
        %gather3A_362 = tpu.vector_load_idx %arg6[%broadcast_in_dim3A_355, %get3A_251] : memref<4x10000xi32, #tpu.memory_space<vmem>>[vector<16xi32>, vector<16xi32>], vector<16xi32>,
        %gather3A_363 = tpu.vector_load_idx %arg6[%broadcast_in_dim3A_355, %get3A_259] : memref<4x10000xi32, #tpu.memory_space<vmem>>[vector<16xi32>, vector<16xi32>], vector<16xi32>,
        %gather3A_364 = tpu.vector_load_idx %arg6[%broadcast_in_dim3A_355, %get3A_267] : memref<4x10000xi32, #tpu.memory_space<vmem>>[vector<16xi32>, vector<16xi32>], vector<16xi32>,
        %gather3A_365 = tpu.vector_load_idx %arg6[%broadcast_in_dim3A_355, %get3A_275] : memref<4x10000xi32, #tpu.memory_space<vmem>>[vector<16xi32>, vector<16xi32>], vector<16xi32>,
        %bitcast3A_366 = vector.bitcast %gather3A_356 : vector<16xi32> to vector<32xbf16>
        %bitcast3A_367 = vector.bitcast %gather3A_361 : vector<16xi32> to vector<32xbf16>
        %mul3A_368 = arith.mulf %bitcast3A_366, %bitcast3A_367 : vector<32xbf16>
        %bitcast3A_369 = vector.bitcast %gather3A_357 : vector<16xi32> to vector<32xbf16>
        %bitcast3A_370 = vector.bitcast %gather3A_362 : vector<16xi32> to vector<32xbf16>
        %mul3A_371 = arith.mulf %bitcast3A_369, %bitcast3A_370 : vector<32xbf16>
        %bitcast3A_372 = vector.bitcast %gather3A_358 : vector<16xi32> to vector<32xbf16>
        %bitcast3A_373 = vector.bitcast %gather3A_363 : vector<16xi32> to vector<32xbf16>
        %mul3A_374 = arith.mulf %bitcast3A_372, %bitcast3A_373 : vector<32xbf16>
        %bitcast3A_375 = vector.bitcast %gather3A_359 : vector<16xi32> to vector<32xbf16>
        %bitcast3A_376 = vector.bitcast %gather3A_364 : vector<16xi32> to vector<32xbf16>
        %mul3A_377 = arith.mulf %bitcast3A_375, %bitcast3A_376 : vector<32xbf16>
        %bitcast3A_378 = vector.bitcast %gather3A_360 : vector<16xi32> to vector<32xbf16>
        %bitcast3A_379 = vector.bitcast %gather3A_365 : vector<16xi32> to vector<32xbf16>
        %mul3A_380 = arith.mulf %bitcast3A_378, %bitcast3A_379 : vector<32xbf16>
        %add3A_381 = arith.addf %mul3A_287, %mul3A_314 : vector<32xbf16>
        %add3A_382 = arith.addf %mul3A_341, %mul3A_368 : vector<32xbf16>
        %unpack3A = tpu.unpack_subelements %add3A_381, 0 {pack_format = #tpu.pack_format<interleaved>} : vector<32xbf16> -> vector<16xf32>
        %unpack3A_383 = tpu.unpack_subelements %add3A_381, 1 {pack_format = #tpu.pack_format<interleaved>} : vector<32xbf16> -> vector<16xf32>
        %unpack3A_384 = tpu.unpack_subelements %add3A_382, 0 {pack_format = #tpu.pack_format<interleaved>} : vector<32xbf16> -> vector<16xf32>
        %unpack3A_385 = tpu.unpack_subelements %add3A_382, 1 {pack_format = #tpu.pack_format<interleaved>} : vector<32xbf16> -> vector<16xf32>
        %add3A_386 = arith.addf %unpack3A, %unpack3A_383 : vector<16xf32>
        %add3A_387 = arith.addf %unpack3A_384, %unpack3A_385 : vector<16xf32>
        %add3A_388 = arith.addf %add3A_386, %add3A_387 : vector<16xf32>
        %swap3A = arith.index_cast %add3A_236 : i32 to index
        %swap3A_389 = arith.constant 0 : index
        %swap3A_390 = tpu.vector_load %arg11[%swap3A, %swap3A_389] {strides = array<i32>} : memref<16x128xf32, #tpu.memory_space<vmem>>, vector<16xf32>,
        tpu.vector_store %arg11[%swap3A, %swap3A_389], %add3A_388 {strides = array<i32>} : memref<16x128xf32, #tpu.memory_space<vmem>>, vector<16xf32>,
        %add3A_391 = arith.addf %mul3A_290, %mul3A_317 : vector<32xbf16>
        %add3A_392 = arith.addf %mul3A_344, %mul3A_371 : vector<32xbf16>
        %unpack3A_393 = tpu.unpack_subelements %add3A_391, 0 {pack_format = #tpu.pack_format<interleaved>} : vector<32xbf16> -> vector<16xf32>
        %unpack3A_394 = tpu.unpack_subelements %add3A_391, 1 {pack_format = #tpu.pack_format<interleaved>} : vector<32xbf16> -> vector<16xf32>
        %unpack3A_395 = tpu.unpack_subelements %add3A_392, 0 {pack_format = #tpu.pack_format<interleaved>} : vector<32xbf16> -> vector<16xf32>
        %unpack3A_396 = tpu.unpack_subelements %add3A_392, 1 {pack_format = #tpu.pack_format<interleaved>} : vector<32xbf16> -> vector<16xf32>
        %add3A_397 = arith.addf %unpack3A_393, %unpack3A_394 : vector<16xf32>
        %add3A_398 = arith.addf %unpack3A_395, %unpack3A_396 : vector<16xf32>
        %add3A_399 = arith.addf %add3A_397, %add3A_398 : vector<16xf32>
        %swap3A_400 = arith.index_cast %add3A_236 : i32 to index
        %swap3A_401 = arith.constant 16 : index
        %swap3A_402 = tpu.vector_load %arg11[%swap3A_400, %swap3A_401] {strides = array<i32>} : memref<16x128xf32, #tpu.memory_space<vmem>>, vector<16xf32>,
        tpu.vector_store %arg11[%swap3A_400, %swap3A_401], %add3A_399 {strides = array<i32>} : memref<16x128xf32, #tpu.memory_space<vmem>>, vector<16xf32>,
        %add3A_403 = arith.addf %mul3A_293, %mul3A_320 : vector<32xbf16>
        %add3A_404 = arith.addf %mul3A_347, %mul3A_374 : vector<32xbf16>
        %unpack3A_405 = tpu.unpack_subelements %add3A_403, 0 {pack_format = #tpu.pack_format<interleaved>} : vector<32xbf16> -> vector<16xf32>
        %unpack3A_406 = tpu.unpack_subelements %add3A_403, 1 {pack_format = #tpu.pack_format<interleaved>} : vector<32xbf16> -> vector<16xf32>
        %unpack3A_407 = tpu.unpack_subelements %add3A_404, 0 {pack_format = #tpu.pack_format<interleaved>} : vector<32xbf16> -> vector<16xf32>
        %unpack3A_408 = tpu.unpack_subelements %add3A_404, 1 {pack_format = #tpu.pack_format<interleaved>} : vector<32xbf16> -> vector<16xf32>
        %add3A_409 = arith.addf %unpack3A_405, %unpack3A_406 : vector<16xf32>
        %add3A_410 = arith.addf %unpack3A_407, %unpack3A_408 : vector<16xf32>
        %add3A_411 = arith.addf %add3A_409, %add3A_410 : vector<16xf32>
        %swap3A_412 = arith.index_cast %add3A_236 : i32 to index
        %swap3A_413 = arith.constant 32 : index
        %swap3A_414 = tpu.vector_load %arg11[%swap3A_412, %swap3A_413] {strides = array<i32>} : memref<16x128xf32, #tpu.memory_space<vmem>>, vector<16xf32>,
        tpu.vector_store %arg11[%swap3A_412, %swap3A_413], %add3A_411 {strides = array<i32>} : memref<16x128xf32, #tpu.memory_space<vmem>>, vector<16xf32>,
        %add3A_415 = arith.addf %mul3A_296, %mul3A_323 : vector<32xbf16>
        %add3A_416 = arith.addf %mul3A_350, %mul3A_377 : vector<32xbf16>
        %unpack3A_417 = tpu.unpack_subelements %add3A_415, 0 {pack_format = #tpu.pack_format<interleaved>} : vector<32xbf16> -> vector<16xf32>
        %unpack3A_418 = tpu.unpack_subelements %add3A_415, 1 {pack_format = #tpu.pack_format<interleaved>} : vector<32xbf16> -> vector<16xf32>
        %unpack3A_419 = tpu.unpack_subelements %add3A_416, 0 {pack_format = #tpu.pack_format<interleaved>} : vector<32xbf16> -> vector<16xf32>
        %unpack3A_420 = tpu.unpack_subelements %add3A_416, 1 {pack_format = #tpu.pack_format<interleaved>} : vector<32xbf16> -> vector<16xf32>
        %add3A_421 = arith.addf %unpack3A_417, %unpack3A_418 : vector<16xf32>
        %add3A_422 = arith.addf %unpack3A_419, %unpack3A_420 : vector<16xf32>
        %add3A_423 = arith.addf %add3A_421, %add3A_422 : vector<16xf32>
        %swap3A_424 = arith.index_cast %add3A_236 : i32 to index
        %swap3A_425 = arith.constant 48 : index
        %swap3A_426 = tpu.vector_load %arg11[%swap3A_424, %swap3A_425] {strides = array<i32>} : memref<16x128xf32, #tpu.memory_space<vmem>>, vector<16xf32>,
        tpu.vector_store %arg11[%swap3A_424, %swap3A_425], %add3A_423 {strides = array<i32>} : memref<16x128xf32, #tpu.memory_space<vmem>>, vector<16xf32>,
        %add3A_427 = arith.addf %mul3A_299, %mul3A_326 : vector<32xbf16>
        %add3A_428 = arith.addf %mul3A_353, %mul3A_380 : vector<32xbf16>
        %unpack3A_429 = tpu.unpack_subelements %add3A_427, 0 {pack_format = #tpu.pack_format<interleaved>} : vector<32xbf16> -> vector<16xf32>
        %unpack3A_430 = tpu.unpack_subelements %add3A_427, 1 {pack_format = #tpu.pack_format<interleaved>} : vector<32xbf16> -> vector<16xf32>
        %unpack3A_431 = tpu.unpack_subelements %add3A_428, 0 {pack_format = #tpu.pack_format<interleaved>} : vector<32xbf16> -> vector<16xf32>
        %unpack3A_432 = tpu.unpack_subelements %add3A_428, 1 {pack_format = #tpu.pack_format<interleaved>} : vector<32xbf16> -> vector<16xf32>
        %add3A_433 = arith.addf %unpack3A_429, %unpack3A_430 : vector<16xf32>
        %add3A_434 = arith.addf %unpack3A_431, %unpack3A_432 : vector<16xf32>
        %add3A_435 = arith.addf %add3A_433, %add3A_434 : vector<16xf32>
        %swap3A_436 = arith.index_cast %add3A_236 : i32 to index
        %swap3A_437 = arith.constant 64 : index
        %swap3A_438 = tpu.vector_load %arg11[%swap3A_436, %swap3A_437] {strides = array<i32>} : memref<16x128xf32, #tpu.memory_space<vmem>>, vector<16xf32>,
        tpu.vector_store %arg11[%swap3A_436, %swap3A_437], %add3A_435 {strides = array<i32>} : memref<16x128xf32, #tpu.memory_space<vmem>>, vector<16xf32>,
      }
      %scan3A_124 = arith.constant 16 : i32
      %add3A_125 = arith.constant 3 : i32
      %add3A_126 = arith.addi %mul3A_107, %add3A_125 : i32
      %lt3A = arith.constant 125 : i32
      %lt3A_127 = arith.cmpi slt, %add3A_126, %lt3A : i32
      %convert_element_type3A = arith.extui %lt3A_127 : i1 to i32
      %cond3A = arith.constant 0 : i32
      %cond3A_128 = arith.cmpi ne, %convert_element_type3A, %cond3A : i32
      scf.if %cond3A_128 {
        %add3A_232 = arith.constant 3 : i32
        %add3A_233 = arith.addi %mul3A_107, %add3A_232 : i32
        %mul3A_234 = arith.constant 1280 : i32
        %mul3A_235 = arith.muli %add3A_233, %mul3A_234 : i32
        %add3A_236 = arith.addi %mul3A_0, %mul3A_235 : i32
        %dma_start3A_237 = tpu.memref_slice %arg3[%add3A_236] : memref<320000xi32, #tpu.memory_space<hbm>> -> memref<1280xi32, #tpu.memory_space<hbm>>
        %dma_start3A_238 = tpu.memref_slice %arg3[%add3A_236] : memref<320000xi32, #tpu.memory_space<hbm>> -> memref<1280xi32, #tpu.memory_space<hbm>>
        tpu.enqueue_dma source(%dma_start3A_238 : memref<1280xi32, #tpu.memory_space<hbm>>) target(%arg9 : memref<1280xi32, #tpu.memory_space<vmem>>) target_semaphore(%arg20 : memref<!tpu.dma_semaphore, #tpu.memory_space<semaphore_mem>>)
        %mul3A_239 = arith.constant 1280 : i32
        %mul3A_240 = arith.muli %add3A_233, %mul3A_239 : i32
        %add3A_241 = arith.addi %mul3A_0, %mul3A_240 : i32
        %dma_start3A_242 = tpu.memref_slice %arg4[%add3A_241] : memref<320000xi32, #tpu.memory_space<hbm>> -> memref<1280xi32, #tpu.memory_space<hbm>>
        %dma_start3A_243 = tpu.memref_slice %arg4[%add3A_241] : memref<320000xi32, #tpu.memory_space<hbm>> -> memref<1280xi32, #tpu.memory_space<hbm>>
        tpu.enqueue_dma source(%dma_start3A_243 : memref<1280xi32, #tpu.memory_space<hbm>>) target(%arg10 : memref<1280xi32, #tpu.memory_space<vmem>>) target_semaphore(%arg21 : memref<!tpu.dma_semaphore, #tpu.memory_space<semaphore_mem>>)
      } else {
      }
      %run_scoped3A_129 = arith.constant 1 : i32
      "tpu.region"() ({
        %run_scoped3A_232 = tpu.sem_alloc : memref<!tpu.dma_semaphore, #tpu.memory_space<semaphore_mem>>
        %dma_start3A_233 = arith.constant 0 : i32
        %dma_start3A_234 = arith.constant 0 : i32
        %dma_start3A_235 = tpu.memref_slice %arg16[%run_scoped3A_129, %arg1, %dma_start3A_233, %dma_start3A_234] : memref<2x16x16x128xf32, #tpu.memory_space<vmem_shared>> -> memref<1x1x16x128xf32, #tpu.memory_space<vmem_shared>>
        %dma_start3A_236 = tpu.memref_squeeze %dma_start3A_235 : memref<1x1x16x128xf32, #tpu.memory_space<vmem_shared>> -> memref<16x128xf32, #tpu.memory_space<vmem_shared>>
        %dma_start3A_237 = arith.constant 0 : i32
        %dma_start3A_238 = arith.constant 0 : i32
        %dma_start3A_239 = tpu.memref_slice %arg16[%run_scoped3A_129, %arg1, %dma_start3A_237, %dma_start3A_238] : memref<2x16x16x128xf32, #tpu.memory_space<vmem_shared>> -> memref<1x1x16x128xf32, #tpu.memory_space<vmem_shared>>
        %dma_start3A_240 = tpu.memref_squeeze %dma_start3A_239 : memref<1x1x16x128xf32, #tpu.memory_space<vmem_shared>> -> memref<16x128xf32, #tpu.memory_space<vmem_shared>>
        tpu.enqueue_dma source(%arg11 : memref<16x128xf32, #tpu.memory_space<vmem>>) target(%dma_start3A_240 : memref<16x128xf32, #tpu.memory_space<vmem_shared>>) target_semaphore(%run_scoped3A_232 : memref<!tpu.dma_semaphore, #tpu.memory_space<semaphore_mem>>)
        %dma_wait3A_241 = arith.constant 0 : i32
        %dma_wait3A_242 = arith.constant 0 : i32
        %dma_wait3A_243 = tpu.memref_slice %arg16[%run_scoped3A_129, %arg1, %dma_wait3A_241, %dma_wait3A_242] : memref<2x16x16x128xf32, #tpu.memory_space<vmem_shared>> -> memref<1x1x16x128xf32, #tpu.memory_space<vmem_shared>>
        %dma_wait3A_244 = tpu.memref_squeeze %dma_wait3A_243 : memref<1x1x16x128xf32, #tpu.memory_space<vmem_shared>> -> memref<16x128xf32, #tpu.memory_space<vmem_shared>>
        %dma_wait3A_245 = arith.constant 0 : i32
        %dma_wait3A_246 = arith.constant 0 : i32
        %dma_wait3A_247 = tpu.memref_slice %arg16[%run_scoped3A_129, %arg1, %dma_wait3A_245, %dma_wait3A_246] : memref<2x16x16x128xf32, #tpu.memory_space<vmem_shared>> -> memref<1x1x16x128xf32, #tpu.memory_space<vmem_shared>>
        %dma_wait3A_248 = tpu.memref_squeeze %dma_wait3A_247 : memref<1x1x16x128xf32, #tpu.memory_space<vmem_shared>> -> memref<16x128xf32, #tpu.memory_space<vmem_shared>>
        tpu.wait_dma2 semaphore(%run_scoped3A_232 : memref<!tpu.dma_semaphore, #tpu.memory_space<semaphore_mem>>) src(%arg11 : memref<16x128xf32, #tpu.memory_space<vmem>>) dst(%dma_wait3A_248 : memref<16x128xf32, #tpu.memory_space<vmem_shared>>)
        tpu.yield
      }) : () -> ()
      %barrier3A_130 = arith.constant 0 : index
      tpu.barrier barrier_id(%barrier3A_130)
      %dma_start3A_131 = arith.constant 1 : i32
      %dma_start3A_132 = arith.constant 0 : i32
      %dma_start3A_133 = arith.constant 0 : i32
      %dma_start3A_134 = tpu.memref_slice %arg16[%dma_start3A_131, %dma_start3A_132, %arg1, %dma_start3A_133] : memref<2x16x16x128xf32, #tpu.memory_space<vmem_shared>> -> memref<1x16x1x128xf32, #tpu.memory_space<vmem_shared>>
      %dma_start3A_135 = tpu.memref_squeeze %dma_start3A_134 : memref<1x16x1x128xf32, #tpu.memory_space<vmem_shared>> -> memref<16x128xf32, #tpu.memory_space<vmem_shared>>
      %dma_start3A_136 = arith.constant 0 : i32
      %dma_start3A_137 = arith.constant 0 : i32
      %dma_start3A_138 = tpu.memref_slice %arg16[%dma_start3A_131, %dma_start3A_136, %arg1, %dma_start3A_137] : memref<2x16x16x128xf32, #tpu.memory_space<vmem_shared>> -> memref<1x16x1x128xf32, #tpu.memory_space<vmem_shared>>
      %dma_start3A_139 = tpu.memref_squeeze %dma_start3A_138 : memref<1x16x1x128xf32, #tpu.memory_space<vmem_shared>> -> memref<16x128xf32, #tpu.memory_space<vmem_shared>>
      tpu.enqueue_dma source(%dma_start3A_139 : memref<16x128xf32, #tpu.memory_space<vmem_shared>>) target(%arg13 : memref<16x128xf32, #tpu.memory_space<vmem>>) target_semaphore(%arg23 : memref<!tpu.dma_semaphore, #tpu.memory_space<semaphore_mem>>)
      %dma_wait3A_140 = arith.constant 0 : i32
      %dma_wait3A_141 = arith.constant 0 : i32
      %dma_wait3A_142 = arith.constant 0 : i32
      %dma_wait3A_143 = tpu.memref_slice %arg16[%dma_wait3A_140, %dma_wait3A_141, %arg1, %dma_wait3A_142] : memref<2x16x16x128xf32, #tpu.memory_space<vmem_shared>> -> memref<1x16x1x128xf32, #tpu.memory_space<vmem_shared>>
      %dma_wait3A_144 = tpu.memref_squeeze %dma_wait3A_143 : memref<1x16x1x128xf32, #tpu.memory_space<vmem_shared>> -> memref<16x128xf32, #tpu.memory_space<vmem_shared>>
      %dma_wait3A_145 = arith.constant 0 : i32
      %dma_wait3A_146 = arith.constant 0 : i32
      %dma_wait3A_147 = tpu.memref_slice %arg16[%dma_wait3A_140, %dma_wait3A_145, %arg1, %dma_wait3A_146] : memref<2x16x16x128xf32, #tpu.memory_space<vmem_shared>> -> memref<1x16x1x128xf32, #tpu.memory_space<vmem_shared>>
      %dma_wait3A_148 = tpu.memref_squeeze %dma_wait3A_147 : memref<1x16x1x128xf32, #tpu.memory_space<vmem_shared>> -> memref<16x128xf32, #tpu.memory_space<vmem_shared>>
      tpu.wait_dma2 semaphore(%arg22 : memref<!tpu.dma_semaphore, #tpu.memory_space<semaphore_mem>>) src(%dma_wait3A_148 : memref<16x128xf32, #tpu.memory_space<vmem_shared>>) dst(%arg12 : memref<16x128xf32, #tpu.memory_space<vmem>>)
      %barrier3A_149 = arith.constant 0 : index
      tpu.barrier barrier_id(%barrier3A_149)
      %ge3A = arith.constant 2 : i32
      %ge3A_150 = arith.cmpi sge, %mul3A_107, %ge3A : i32
      %convert_element_type3A_151 = arith.extui %ge3A_150 : i1 to i32
      %cond3A_152 = arith.constant 0 : i32
      %cond3A_153 = arith.cmpi ne, %convert_element_type3A_151, %cond3A_152 : i32
      scf.if %cond3A_153 {
        %mul3A_232 = arith.constant 1280 : i32
        %mul3A_233 = arith.muli %mul3A_107, %mul3A_232 : i32
        %add3A_234 = arith.addi %mul3A_0, %mul3A_233 : i32
        %mul3A_235 = arith.constant 80 : i32
        %mul3A_236 = arith.muli %arg1, %mul3A_235 : i32
        %add3A_237 = arith.addi %add3A_234, %mul3A_236 : i32
        %dma_wait3A_238 = tpu.memref_slice %arg5[%add3A_237] : memref<320000xf32, #tpu.memory_space<hbm>> -> memref<80xf32, #tpu.memory_space<hbm>>
        %dma_wait3A_239 = tpu.memref_slice %arg5[%add3A_237] : memref<320000xf32, #tpu.memory_space<hbm>> -> memref<80xf32, #tpu.memory_space<hbm>>
        tpu.wait_dma2 semaphore(%arg24 : memref<!tpu.dma_semaphore, #tpu.memory_space<semaphore_mem>>) src(%arg14 : memref<80xf32, #tpu.memory_space<vmem>>) dst(%dma_wait3A_239 : memref<80xf32, #tpu.memory_space<hbm>>)
      } else {
      }
      %scan3A_154 = arith.constant 0 : i32
      %scan3A_155 = arith.constant 5 : i32
      %scan3A_156 = arith.addi %scan3A_154, %scan3A_155 : i32
      %scan3A_157 = arith.constant 1 : i32
      scf.for %scan3A_232 = %scan3A_154 to %scan3A_156 step %scan3A_157  : i32 {
        %mul3A_233 = arith.constant 1 : i32
        %mul3A_234 = arith.muli %scan3A_232, %mul3A_233 : i32
        %add3A_235 = arith.constant 0 : i32
        %add3A_236 = arith.addi %add3A_235, %mul3A_234 : i32
        %mul3A_237 = arith.constant 16 : i32
        %mul3A_238 = arith.muli %add3A_236, %mul3A_237 : i32
        %get3A = arith.constant 0 : i32
        %get3A_239 = arith.index_cast %get3A : i32 to index
        %get3A_240 = arith.index_cast %mul3A_238 : i32 to index
        %get3A_241 = tpu.vector_load %arg12[%get3A_239, %get3A_240] {strides = array<i32>} : memref<16x128xf32, #tpu.memory_space<vmem>>, vector<16xf32>,
        %mul3A_242 = arith.constant 16 : i32
        %mul3A_243 = arith.muli %add3A_236, %mul3A_242 : i32
        %get3A_244 = arith.constant 1 : i32
        %get3A_245 = arith.index_cast %get3A_244 : i32 to index
        %get3A_246 = arith.index_cast %mul3A_243 : i32 to index
        %get3A_247 = tpu.vector_load %arg12[%get3A_245, %get3A_246] {strides = array<i32>} : memref<16x128xf32, #tpu.memory_space<vmem>>, vector<16xf32>,
        %mul3A_248 = arith.constant 16 : i32
        %mul3A_249 = arith.muli %add3A_236, %mul3A_248 : i32
        %get3A_250 = arith.constant 2 : i32
        %get3A_251 = arith.index_cast %get3A_250 : i32 to index
        %get3A_252 = arith.index_cast %mul3A_249 : i32 to index
        %get3A_253 = tpu.vector_load %arg12[%get3A_251, %get3A_252] {strides = array<i32>} : memref<16x128xf32, #tpu.memory_space<vmem>>, vector<16xf32>,
        %mul3A_254 = arith.constant 16 : i32
        %mul3A_255 = arith.muli %add3A_236, %mul3A_254 : i32
        %get3A_256 = arith.constant 3 : i32
        %get3A_257 = arith.index_cast %get3A_256 : i32 to index
        %get3A_258 = arith.index_cast %mul3A_255 : i32 to index
        %get3A_259 = tpu.vector_load %arg12[%get3A_257, %get3A_258] {strides = array<i32>} : memref<16x128xf32, #tpu.memory_space<vmem>>, vector<16xf32>,
        %mul3A_260 = arith.constant 16 : i32
        %mul3A_261 = arith.muli %add3A_236, %mul3A_260 : i32
        %get3A_262 = arith.constant 4 : i32
        %get3A_263 = arith.index_cast %get3A_262 : i32 to index
        %get3A_264 = arith.index_cast %mul3A_261 : i32 to index
        %get3A_265 = tpu.vector_load %arg12[%get3A_263, %get3A_264] {strides = array<i32>} : memref<16x128xf32, #tpu.memory_space<vmem>>, vector<16xf32>,
        %add3A_266 = arith.addf %get3A_241, %get3A_265 : vector<16xf32>
        %mul3A_267 = arith.constant 16 : i32
        %mul3A_268 = arith.muli %add3A_236, %mul3A_267 : i32
        %get3A_269 = arith.constant 5 : i32
        %get3A_270 = arith.index_cast %get3A_269 : i32 to index
        %get3A_271 = arith.index_cast %mul3A_268 : i32 to index
        %get3A_272 = tpu.vector_load %arg12[%get3A_270, %get3A_271] {strides = array<i32>} : memref<16x128xf32, #tpu.memory_space<vmem>>, vector<16xf32>,
        %add3A_273 = arith.addf %get3A_247, %get3A_272 : vector<16xf32>
        %mul3A_274 = arith.constant 16 : i32
        %mul3A_275 = arith.muli %add3A_236, %mul3A_274 : i32
        %get3A_276 = arith.constant 6 : i32
        %get3A_277 = arith.index_cast %get3A_276 : i32 to index
        %get3A_278 = arith.index_cast %mul3A_275 : i32 to index
        %get3A_279 = tpu.vector_load %arg12[%get3A_277, %get3A_278] {strides = array<i32>} : memref<16x128xf32, #tpu.memory_space<vmem>>, vector<16xf32>,
        %add3A_280 = arith.addf %get3A_253, %get3A_279 : vector<16xf32>
        %mul3A_281 = arith.constant 16 : i32
        %mul3A_282 = arith.muli %add3A_236, %mul3A_281 : i32
        %get3A_283 = arith.constant 7 : i32
        %get3A_284 = arith.index_cast %get3A_283 : i32 to index
        %get3A_285 = arith.index_cast %mul3A_282 : i32 to index
        %get3A_286 = tpu.vector_load %arg12[%get3A_284, %get3A_285] {strides = array<i32>} : memref<16x128xf32, #tpu.memory_space<vmem>>, vector<16xf32>,
        %add3A_287 = arith.addf %get3A_259, %get3A_286 : vector<16xf32>
        %mul3A_288 = arith.constant 16 : i32
        %mul3A_289 = arith.muli %add3A_236, %mul3A_288 : i32
        %get3A_290 = arith.constant 8 : i32
        %get3A_291 = arith.index_cast %get3A_290 : i32 to index
        %get3A_292 = arith.index_cast %mul3A_289 : i32 to index
        %get3A_293 = tpu.vector_load %arg12[%get3A_291, %get3A_292] {strides = array<i32>} : memref<16x128xf32, #tpu.memory_space<vmem>>, vector<16xf32>,
        %add3A_294 = arith.addf %add3A_266, %get3A_293 : vector<16xf32>
        %mul3A_295 = arith.constant 16 : i32
        %mul3A_296 = arith.muli %add3A_236, %mul3A_295 : i32
        %get3A_297 = arith.constant 9 : i32
        %get3A_298 = arith.index_cast %get3A_297 : i32 to index
        %get3A_299 = arith.index_cast %mul3A_296 : i32 to index
        %get3A_300 = tpu.vector_load %arg12[%get3A_298, %get3A_299] {strides = array<i32>} : memref<16x128xf32, #tpu.memory_space<vmem>>, vector<16xf32>,
        %add3A_301 = arith.addf %add3A_273, %get3A_300 : vector<16xf32>
        %mul3A_302 = arith.constant 16 : i32
        %mul3A_303 = arith.muli %add3A_236, %mul3A_302 : i32
        %get3A_304 = arith.constant 10 : i32
        %get3A_305 = arith.index_cast %get3A_304 : i32 to index
        %get3A_306 = arith.index_cast %mul3A_303 : i32 to index
        %get3A_307 = tpu.vector_load %arg12[%get3A_305, %get3A_306] {strides = array<i32>} : memref<16x128xf32, #tpu.memory_space<vmem>>, vector<16xf32>,
        %add3A_308 = arith.addf %add3A_280, %get3A_307 : vector<16xf32>
        %mul3A_309 = arith.constant 16 : i32
        %mul3A_310 = arith.muli %add3A_236, %mul3A_309 : i32
        %get3A_311 = arith.constant 11 : i32
        %get3A_312 = arith.index_cast %get3A_311 : i32 to index
        %get3A_313 = arith.index_cast %mul3A_310 : i32 to index
        %get3A_314 = tpu.vector_load %arg12[%get3A_312, %get3A_313] {strides = array<i32>} : memref<16x128xf32, #tpu.memory_space<vmem>>, vector<16xf32>,
        %add3A_315 = arith.addf %add3A_287, %get3A_314 : vector<16xf32>
        %mul3A_316 = arith.constant 16 : i32
        %mul3A_317 = arith.muli %add3A_236, %mul3A_316 : i32
        %get3A_318 = arith.constant 12 : i32
        %get3A_319 = arith.index_cast %get3A_318 : i32 to index
        %get3A_320 = arith.index_cast %mul3A_317 : i32 to index
        %get3A_321 = tpu.vector_load %arg12[%get3A_319, %get3A_320] {strides = array<i32>} : memref<16x128xf32, #tpu.memory_space<vmem>>, vector<16xf32>,
        %add3A_322 = arith.addf %add3A_294, %get3A_321 : vector<16xf32>
        %mul3A_323 = arith.constant 16 : i32
        %mul3A_324 = arith.muli %add3A_236, %mul3A_323 : i32
        %get3A_325 = arith.constant 13 : i32
        %get3A_326 = arith.index_cast %get3A_325 : i32 to index
        %get3A_327 = arith.index_cast %mul3A_324 : i32 to index
        %get3A_328 = tpu.vector_load %arg12[%get3A_326, %get3A_327] {strides = array<i32>} : memref<16x128xf32, #tpu.memory_space<vmem>>, vector<16xf32>,
        %add3A_329 = arith.addf %add3A_301, %get3A_328 : vector<16xf32>
        %mul3A_330 = arith.constant 16 : i32
        %mul3A_331 = arith.muli %add3A_236, %mul3A_330 : i32
        %get3A_332 = arith.constant 14 : i32
        %get3A_333 = arith.index_cast %get3A_332 : i32 to index
        %get3A_334 = arith.index_cast %mul3A_331 : i32 to index
        %get3A_335 = tpu.vector_load %arg12[%get3A_333, %get3A_334] {strides = array<i32>} : memref<16x128xf32, #tpu.memory_space<vmem>>, vector<16xf32>,
        %add3A_336 = arith.addf %add3A_308, %get3A_335 : vector<16xf32>
        %mul3A_337 = arith.constant 16 : i32
        %mul3A_338 = arith.muli %add3A_236, %mul3A_337 : i32
        %get3A_339 = arith.constant 15 : i32
        %get3A_340 = arith.index_cast %get3A_339 : i32 to index
        %get3A_341 = arith.index_cast %mul3A_338 : i32 to index
        %get3A_342 = tpu.vector_load %arg12[%get3A_340, %get3A_341] {strides = array<i32>} : memref<16x128xf32, #tpu.memory_space<vmem>>, vector<16xf32>,
        %add3A_343 = arith.addf %add3A_315, %get3A_342 : vector<16xf32>
        %add3A_344 = arith.addf %add3A_322, %add3A_329 : vector<16xf32>
        %add3A_345 = arith.addf %add3A_336, %add3A_343 : vector<16xf32>
        %add3A_346 = arith.addf %add3A_344, %add3A_345 : vector<16xf32>
        %mul3A_347 = arith.constant 16 : i32
        %mul3A_348 = arith.muli %add3A_236, %mul3A_347 : i32
        %swap3A = arith.index_cast %mul3A_348 : i32 to index
        %swap3A_349 = tpu.vector_load %arg14[%swap3A] {strides = array<i32>} : memref<80xf32, #tpu.memory_space<vmem>>, vector<16xf32>,
        tpu.vector_store %arg14[%swap3A], %add3A_346 {strides = array<i32>} : memref<80xf32, #tpu.memory_space<vmem>>, vector<16xf32>,
      }
      %scan3A_158 = arith.constant 5 : i32
      %mul3A_159 = arith.constant 1280 : i32
      %mul3A_160 = arith.muli %mul3A_107, %mul3A_159 : i32
      %add3A_161 = arith.addi %mul3A_0, %mul3A_160 : i32
      %mul3A_162 = arith.constant 80 : i32
      %mul3A_163 = arith.muli %arg1, %mul3A_162 : i32
      %add3A_164 = arith.addi %add3A_161, %mul3A_163 : i32
      %dma_start3A_165 = tpu.memref_slice %arg5[%add3A_164] : memref<320000xf32, #tpu.memory_space<hbm>> -> memref<80xf32, #tpu.memory_space<hbm>>
      %dma_start3A_166 = tpu.memref_slice %arg5[%add3A_164] : memref<320000xf32, #tpu.memory_space<hbm>> -> memref<80xf32, #tpu.memory_space<hbm>>
      tpu.enqueue_dma source(%arg14 : memref<80xf32, #tpu.memory_space<vmem>>) target(%dma_start3A_166 : memref<80xf32, #tpu.memory_space<hbm>>) target_semaphore(%arg24 : memref<!tpu.dma_semaphore, #tpu.memory_space<semaphore_mem>>)
      %add3A_167 = arith.constant 2 : i32
      %add3A_168 = arith.addi %mul3A_107, %add3A_167 : i32
      %mul3A_169 = arith.constant 1280 : i32
      %mul3A_170 = arith.muli %add3A_168, %mul3A_169 : i32
      %add3A_171 = arith.addi %mul3A_0, %mul3A_170 : i32
      %dma_wait3A_172 = tpu.memref_slice %arg3[%add3A_171] : memref<320000xi32, #tpu.memory_space<hbm>> -> memref<1280xi32, #tpu.memory_space<hbm>>
      %dma_wait3A_173 = tpu.memref_slice %arg3[%add3A_171] : memref<320000xi32, #tpu.memory_space<hbm>> -> memref<1280xi32, #tpu.memory_space<hbm>>
      tpu.wait_dma2 semaphore(%arg18 : memref<!tpu.dma_semaphore, #tpu.memory_space<semaphore_mem>>) src(%dma_wait3A_173 : memref<1280xi32, #tpu.memory_space<hbm>>) dst(%arg7 : memref<1280xi32, #tpu.memory_space<vmem>>)
      %mul3A_174 = arith.constant 1280 : i32
      %mul3A_175 = arith.muli %add3A_168, %mul3A_174 : i32
      %add3A_176 = arith.addi %mul3A_0, %mul3A_175 : i32
      %dma_wait3A_177 = tpu.memref_slice %arg4[%add3A_176] : memref<320000xi32, #tpu.memory_space<hbm>> -> memref<1280xi32, #tpu.memory_space<hbm>>
      %dma_wait3A_178 = tpu.memref_slice %arg4[%add3A_176] : memref<320000xi32, #tpu.memory_space<hbm>> -> memref<1280xi32, #tpu.memory_space<hbm>>
      tpu.wait_dma2 semaphore(%arg19 : memref<!tpu.dma_semaphore, #tpu.memory_space<semaphore_mem>>) src(%dma_wait3A_178 : memref<1280xi32, #tpu.memory_space<hbm>>) dst(%arg8 : memref<1280xi32, #tpu.memory_space<vmem>>)
      %scan3A_179 = arith.constant 0 : i32
      %scan3A_180 = arith.constant 16 : i32
      %scan3A_181 = arith.addi %scan3A_179, %scan3A_180 : i32
      %scan3A_182 = arith.constant 1 : i32
      scf.for %scan3A_232 = %scan3A_179 to %scan3A_181 step %scan3A_182  : i32 {
        %mul3A_233 = arith.constant 1 : i32
        %mul3A_234 = arith.muli %scan3A_232, %mul3A_233 : i32
        %add3A_235 = arith.constant 0 : i32
        %add3A_236 = arith.addi %add3A_235, %mul3A_234 : i32
        %mul3A_237 = arith.constant 80 : i32
        %mul3A_238 = arith.muli %add3A_236, %mul3A_237 : i32
        %add3A_239 = arith.constant 0 : i32
        %add3A_240 = arith.addi %mul3A_238, %add3A_239 : i32
        %get3A = arith.index_cast %add3A_240 : i32 to index
        %get3A_241 = tpu.vector_load %arg7[%get3A] {strides = array<i32>} : memref<1280xi32, #tpu.memory_space<vmem>>, vector<16xi32>,
        %get3A_242 = arith.index_cast %add3A_240 : i32 to index
        %get3A_243 = tpu.vector_load %arg8[%get3A_242] {strides = array<i32>} : memref<1280xi32, #tpu.memory_space<vmem>>, vector<16xi32>,
        %mul3A_244 = arith.constant 80 : i32
        %mul3A_245 = arith.muli %add3A_236, %mul3A_244 : i32
        %add3A_246 = arith.constant 16 : i32
        %add3A_247 = arith.addi %mul3A_245, %add3A_246 : i32
        %get3A_248 = arith.index_cast %add3A_247 : i32 to index
        %get3A_249 = tpu.vector_load %arg7[%get3A_248] {strides = array<i32>} : memref<1280xi32, #tpu.memory_space<vmem>>, vector<16xi32>,
        %get3A_250 = arith.index_cast %add3A_247 : i32 to index
        %get3A_251 = tpu.vector_load %arg8[%get3A_250] {strides = array<i32>} : memref<1280xi32, #tpu.memory_space<vmem>>, vector<16xi32>,
        %mul3A_252 = arith.constant 80 : i32
        %mul3A_253 = arith.muli %add3A_236, %mul3A_252 : i32
        %add3A_254 = arith.constant 32 : i32
        %add3A_255 = arith.addi %mul3A_253, %add3A_254 : i32
        %get3A_256 = arith.index_cast %add3A_255 : i32 to index
        %get3A_257 = tpu.vector_load %arg7[%get3A_256] {strides = array<i32>} : memref<1280xi32, #tpu.memory_space<vmem>>, vector<16xi32>,
        %get3A_258 = arith.index_cast %add3A_255 : i32 to index
        %get3A_259 = tpu.vector_load %arg8[%get3A_258] {strides = array<i32>} : memref<1280xi32, #tpu.memory_space<vmem>>, vector<16xi32>,
        %mul3A_260 = arith.constant 80 : i32
        %mul3A_261 = arith.muli %add3A_236, %mul3A_260 : i32
        %add3A_262 = arith.constant 48 : i32
        %add3A_263 = arith.addi %mul3A_261, %add3A_262 : i32
        %get3A_264 = arith.index_cast %add3A_263 : i32 to index
        %get3A_265 = tpu.vector_load %arg7[%get3A_264] {strides = array<i32>} : memref<1280xi32, #tpu.memory_space<vmem>>, vector<16xi32>,
        %get3A_266 = arith.index_cast %add3A_263 : i32 to index
        %get3A_267 = tpu.vector_load %arg8[%get3A_266] {strides = array<i32>} : memref<1280xi32, #tpu.memory_space<vmem>>, vector<16xi32>,
        %mul3A_268 = arith.constant 80 : i32
        %mul3A_269 = arith.muli %add3A_236, %mul3A_268 : i32
        %add3A_270 = arith.constant 64 : i32
        %add3A_271 = arith.addi %mul3A_269, %add3A_270 : i32
        %get3A_272 = arith.index_cast %add3A_271 : i32 to index
        %get3A_273 = tpu.vector_load %arg7[%get3A_272] {strides = array<i32>} : memref<1280xi32, #tpu.memory_space<vmem>>, vector<16xi32>,
        %get3A_274 = arith.index_cast %add3A_271 : i32 to index
        %get3A_275 = tpu.vector_load %arg8[%get3A_274] {strides = array<i32>} : memref<1280xi32, #tpu.memory_space<vmem>>, vector<16xi32>,
        %broadcast_in_dim3A = arith.constant 0 : i32
        %broadcast_in_dim3A_276 = vector.broadcast %broadcast_in_dim3A : i32 to vector<16xi32>
        %gather3A = tpu.vector_load_idx %arg6[%broadcast_in_dim3A_276, %get3A_241] : memref<4x10000xi32, #tpu.memory_space<vmem>>[vector<16xi32>, vector<16xi32>], vector<16xi32>,
        %gather3A_277 = tpu.vector_load_idx %arg6[%broadcast_in_dim3A_276, %get3A_249] : memref<4x10000xi32, #tpu.memory_space<vmem>>[vector<16xi32>, vector<16xi32>], vector<16xi32>,
        %gather3A_278 = tpu.vector_load_idx %arg6[%broadcast_in_dim3A_276, %get3A_257] : memref<4x10000xi32, #tpu.memory_space<vmem>>[vector<16xi32>, vector<16xi32>], vector<16xi32>,
        %gather3A_279 = tpu.vector_load_idx %arg6[%broadcast_in_dim3A_276, %get3A_265] : memref<4x10000xi32, #tpu.memory_space<vmem>>[vector<16xi32>, vector<16xi32>], vector<16xi32>,
        %gather3A_280 = tpu.vector_load_idx %arg6[%broadcast_in_dim3A_276, %get3A_273] : memref<4x10000xi32, #tpu.memory_space<vmem>>[vector<16xi32>, vector<16xi32>], vector<16xi32>,
        %gather3A_281 = tpu.vector_load_idx %arg6[%broadcast_in_dim3A_276, %get3A_243] : memref<4x10000xi32, #tpu.memory_space<vmem>>[vector<16xi32>, vector<16xi32>], vector<16xi32>,
        %gather3A_282 = tpu.vector_load_idx %arg6[%broadcast_in_dim3A_276, %get3A_251] : memref<4x10000xi32, #tpu.memory_space<vmem>>[vector<16xi32>, vector<16xi32>], vector<16xi32>,
        %gather3A_283 = tpu.vector_load_idx %arg6[%broadcast_in_dim3A_276, %get3A_259] : memref<4x10000xi32, #tpu.memory_space<vmem>>[vector<16xi32>, vector<16xi32>], vector<16xi32>,
        %gather3A_284 = tpu.vector_load_idx %arg6[%broadcast_in_dim3A_276, %get3A_267] : memref<4x10000xi32, #tpu.memory_space<vmem>>[vector<16xi32>, vector<16xi32>], vector<16xi32>,
        %gather3A_285 = tpu.vector_load_idx %arg6[%broadcast_in_dim3A_276, %get3A_275] : memref<4x10000xi32, #tpu.memory_space<vmem>>[vector<16xi32>, vector<16xi32>], vector<16xi32>,
        %bitcast3A = vector.bitcast %gather3A : vector<16xi32> to vector<32xbf16>
        %bitcast3A_286 = vector.bitcast %gather3A_281 : vector<16xi32> to vector<32xbf16>
        %mul3A_287 = arith.mulf %bitcast3A, %bitcast3A_286 : vector<32xbf16>
        %bitcast3A_288 = vector.bitcast %gather3A_277 : vector<16xi32> to vector<32xbf16>
        %bitcast3A_289 = vector.bitcast %gather3A_282 : vector<16xi32> to vector<32xbf16>
        %mul3A_290 = arith.mulf %bitcast3A_288, %bitcast3A_289 : vector<32xbf16>
        %bitcast3A_291 = vector.bitcast %gather3A_278 : vector<16xi32> to vector<32xbf16>
        %bitcast3A_292 = vector.bitcast %gather3A_283 : vector<16xi32> to vector<32xbf16>
        %mul3A_293 = arith.mulf %bitcast3A_291, %bitcast3A_292 : vector<32xbf16>
        %bitcast3A_294 = vector.bitcast %gather3A_279 : vector<16xi32> to vector<32xbf16>
        %bitcast3A_295 = vector.bitcast %gather3A_284 : vector<16xi32> to vector<32xbf16>
        %mul3A_296 = arith.mulf %bitcast3A_294, %bitcast3A_295 : vector<32xbf16>
        %bitcast3A_297 = vector.bitcast %gather3A_280 : vector<16xi32> to vector<32xbf16>
        %bitcast3A_298 = vector.bitcast %gather3A_285 : vector<16xi32> to vector<32xbf16>
        %mul3A_299 = arith.mulf %bitcast3A_297, %bitcast3A_298 : vector<32xbf16>
        %broadcast_in_dim3A_300 = arith.constant 1 : i32
        %broadcast_in_dim3A_301 = vector.broadcast %broadcast_in_dim3A_300 : i32 to vector<16xi32>
        %gather3A_302 = tpu.vector_load_idx %arg6[%broadcast_in_dim3A_301, %get3A_241] : memref<4x10000xi32, #tpu.memory_space<vmem>>[vector<16xi32>, vector<16xi32>], vector<16xi32>,
        %gather3A_303 = tpu.vector_load_idx %arg6[%broadcast_in_dim3A_301, %get3A_249] : memref<4x10000xi32, #tpu.memory_space<vmem>>[vector<16xi32>, vector<16xi32>], vector<16xi32>,
        %gather3A_304 = tpu.vector_load_idx %arg6[%broadcast_in_dim3A_301, %get3A_257] : memref<4x10000xi32, #tpu.memory_space<vmem>>[vector<16xi32>, vector<16xi32>], vector<16xi32>,
        %gather3A_305 = tpu.vector_load_idx %arg6[%broadcast_in_dim3A_301, %get3A_265] : memref<4x10000xi32, #tpu.memory_space<vmem>>[vector<16xi32>, vector<16xi32>], vector<16xi32>,
        %gather3A_306 = tpu.vector_load_idx %arg6[%broadcast_in_dim3A_301, %get3A_273] : memref<4x10000xi32, #tpu.memory_space<vmem>>[vector<16xi32>, vector<16xi32>], vector<16xi32>,
        %gather3A_307 = tpu.vector_load_idx %arg6[%broadcast_in_dim3A_301, %get3A_243] : memref<4x10000xi32, #tpu.memory_space<vmem>>[vector<16xi32>, vector<16xi32>], vector<16xi32>,
        %gather3A_308 = tpu.vector_load_idx %arg6[%broadcast_in_dim3A_301, %get3A_251] : memref<4x10000xi32, #tpu.memory_space<vmem>>[vector<16xi32>, vector<16xi32>], vector<16xi32>,
        %gather3A_309 = tpu.vector_load_idx %arg6[%broadcast_in_dim3A_301, %get3A_259] : memref<4x10000xi32, #tpu.memory_space<vmem>>[vector<16xi32>, vector<16xi32>], vector<16xi32>,
        %gather3A_310 = tpu.vector_load_idx %arg6[%broadcast_in_dim3A_301, %get3A_267] : memref<4x10000xi32, #tpu.memory_space<vmem>>[vector<16xi32>, vector<16xi32>], vector<16xi32>,
        %gather3A_311 = tpu.vector_load_idx %arg6[%broadcast_in_dim3A_301, %get3A_275] : memref<4x10000xi32, #tpu.memory_space<vmem>>[vector<16xi32>, vector<16xi32>], vector<16xi32>,
        %bitcast3A_312 = vector.bitcast %gather3A_302 : vector<16xi32> to vector<32xbf16>
        %bitcast3A_313 = vector.bitcast %gather3A_307 : vector<16xi32> to vector<32xbf16>
        %mul3A_314 = arith.mulf %bitcast3A_312, %bitcast3A_313 : vector<32xbf16>
        %bitcast3A_315 = vector.bitcast %gather3A_303 : vector<16xi32> to vector<32xbf16>
        %bitcast3A_316 = vector.bitcast %gather3A_308 : vector<16xi32> to vector<32xbf16>
        %mul3A_317 = arith.mulf %bitcast3A_315, %bitcast3A_316 : vector<32xbf16>
        %bitcast3A_318 = vector.bitcast %gather3A_304 : vector<16xi32> to vector<32xbf16>
        %bitcast3A_319 = vector.bitcast %gather3A_309 : vector<16xi32> to vector<32xbf16>
        %mul3A_320 = arith.mulf %bitcast3A_318, %bitcast3A_319 : vector<32xbf16>
        %bitcast3A_321 = vector.bitcast %gather3A_305 : vector<16xi32> to vector<32xbf16>
        %bitcast3A_322 = vector.bitcast %gather3A_310 : vector<16xi32> to vector<32xbf16>
        %mul3A_323 = arith.mulf %bitcast3A_321, %bitcast3A_322 : vector<32xbf16>
        %bitcast3A_324 = vector.bitcast %gather3A_306 : vector<16xi32> to vector<32xbf16>
        %bitcast3A_325 = vector.bitcast %gather3A_311 : vector<16xi32> to vector<32xbf16>
        %mul3A_326 = arith.mulf %bitcast3A_324, %bitcast3A_325 : vector<32xbf16>
        %broadcast_in_dim3A_327 = arith.constant 2 : i32
        %broadcast_in_dim3A_328 = vector.broadcast %broadcast_in_dim3A_327 : i32 to vector<16xi32>
        %gather3A_329 = tpu.vector_load_idx %arg6[%broadcast_in_dim3A_328, %get3A_241] : memref<4x10000xi32, #tpu.memory_space<vmem>>[vector<16xi32>, vector<16xi32>], vector<16xi32>,
        %gather3A_330 = tpu.vector_load_idx %arg6[%broadcast_in_dim3A_328, %get3A_249] : memref<4x10000xi32, #tpu.memory_space<vmem>>[vector<16xi32>, vector<16xi32>], vector<16xi32>,
        %gather3A_331 = tpu.vector_load_idx %arg6[%broadcast_in_dim3A_328, %get3A_257] : memref<4x10000xi32, #tpu.memory_space<vmem>>[vector<16xi32>, vector<16xi32>], vector<16xi32>,
        %gather3A_332 = tpu.vector_load_idx %arg6[%broadcast_in_dim3A_328, %get3A_265] : memref<4x10000xi32, #tpu.memory_space<vmem>>[vector<16xi32>, vector<16xi32>], vector<16xi32>,
        %gather3A_333 = tpu.vector_load_idx %arg6[%broadcast_in_dim3A_328, %get3A_273] : memref<4x10000xi32, #tpu.memory_space<vmem>>[vector<16xi32>, vector<16xi32>], vector<16xi32>,
        %gather3A_334 = tpu.vector_load_idx %arg6[%broadcast_in_dim3A_328, %get3A_243] : memref<4x10000xi32, #tpu.memory_space<vmem>>[vector<16xi32>, vector<16xi32>], vector<16xi32>,
        %gather3A_335 = tpu.vector_load_idx %arg6[%broadcast_in_dim3A_328, %get3A_251] : memref<4x10000xi32, #tpu.memory_space<vmem>>[vector<16xi32>, vector<16xi32>], vector<16xi32>,
        %gather3A_336 = tpu.vector_load_idx %arg6[%broadcast_in_dim3A_328, %get3A_259] : memref<4x10000xi32, #tpu.memory_space<vmem>>[vector<16xi32>, vector<16xi32>], vector<16xi32>,
        %gather3A_337 = tpu.vector_load_idx %arg6[%broadcast_in_dim3A_328, %get3A_267] : memref<4x10000xi32, #tpu.memory_space<vmem>>[vector<16xi32>, vector<16xi32>], vector<16xi32>,
        %gather3A_338 = tpu.vector_load_idx %arg6[%broadcast_in_dim3A_328, %get3A_275] : memref<4x10000xi32, #tpu.memory_space<vmem>>[vector<16xi32>, vector<16xi32>], vector<16xi32>,
        %bitcast3A_339 = vector.bitcast %gather3A_329 : vector<16xi32> to vector<32xbf16>
        %bitcast3A_340 = vector.bitcast %gather3A_334 : vector<16xi32> to vector<32xbf16>
        %mul3A_341 = arith.mulf %bitcast3A_339, %bitcast3A_340 : vector<32xbf16>
        %bitcast3A_342 = vector.bitcast %gather3A_330 : vector<16xi32> to vector<32xbf16>
        %bitcast3A_343 = vector.bitcast %gather3A_335 : vector<16xi32> to vector<32xbf16>
        %mul3A_344 = arith.mulf %bitcast3A_342, %bitcast3A_343 : vector<32xbf16>
        %bitcast3A_345 = vector.bitcast %gather3A_331 : vector<16xi32> to vector<32xbf16>
        %bitcast3A_346 = vector.bitcast %gather3A_336 : vector<16xi32> to vector<32xbf16>
        %mul3A_347 = arith.mulf %bitcast3A_345, %bitcast3A_346 : vector<32xbf16>
        %bitcast3A_348 = vector.bitcast %gather3A_332 : vector<16xi32> to vector<32xbf16>
        %bitcast3A_349 = vector.bitcast %gather3A_337 : vector<16xi32> to vector<32xbf16>
        %mul3A_350 = arith.mulf %bitcast3A_348, %bitcast3A_349 : vector<32xbf16>
        %bitcast3A_351 = vector.bitcast %gather3A_333 : vector<16xi32> to vector<32xbf16>
        %bitcast3A_352 = vector.bitcast %gather3A_338 : vector<16xi32> to vector<32xbf16>
        %mul3A_353 = arith.mulf %bitcast3A_351, %bitcast3A_352 : vector<32xbf16>
        %broadcast_in_dim3A_354 = arith.constant 3 : i32
        %broadcast_in_dim3A_355 = vector.broadcast %broadcast_in_dim3A_354 : i32 to vector<16xi32>
        %gather3A_356 = tpu.vector_load_idx %arg6[%broadcast_in_dim3A_355, %get3A_241] : memref<4x10000xi32, #tpu.memory_space<vmem>>[vector<16xi32>, vector<16xi32>], vector<16xi32>,
        %gather3A_357 = tpu.vector_load_idx %arg6[%broadcast_in_dim3A_355, %get3A_249] : memref<4x10000xi32, #tpu.memory_space<vmem>>[vector<16xi32>, vector<16xi32>], vector<16xi32>,
        %gather3A_358 = tpu.vector_load_idx %arg6[%broadcast_in_dim3A_355, %get3A_257] : memref<4x10000xi32, #tpu.memory_space<vmem>>[vector<16xi32>, vector<16xi32>], vector<16xi32>,
        %gather3A_359 = tpu.vector_load_idx %arg6[%broadcast_in_dim3A_355, %get3A_265] : memref<4x10000xi32, #tpu.memory_space<vmem>>[vector<16xi32>, vector<16xi32>], vector<16xi32>,
        %gather3A_360 = tpu.vector_load_idx %arg6[%broadcast_in_dim3A_355, %get3A_273] : memref<4x10000xi32, #tpu.memory_space<vmem>>[vector<16xi32>, vector<16xi32>], vector<16xi32>,
        %gather3A_361 = tpu.vector_load_idx %arg6[%broadcast_in_dim3A_355, %get3A_243] : memref<4x10000xi32, #tpu.memory_space<vmem>>[vector<16xi32>, vector<16xi32>], vector<16xi32>,
        %gather3A_362 = tpu.vector_load_idx %arg6[%broadcast_in_dim3A_355, %get3A_251] : memref<4x10000xi32, #tpu.memory_space<vmem>>[vector<16xi32>, vector<16xi32>], vector<16xi32>,
        %gather3A_363 = tpu.vector_load_idx %arg6[%broadcast_in_dim3A_355, %get3A_259] : memref<4x10000xi32, #tpu.memory_space<vmem>>[vector<16xi32>, vector<16xi32>], vector<16xi32>,
        %gather3A_364 = tpu.vector_load_idx %arg6[%broadcast_in_dim3A_355, %get3A_267] : memref<4x10000xi32, #tpu.memory_space<vmem>>[vector<16xi32>, vector<16xi32>], vector<16xi32>,
        %gather3A_365 = tpu.vector_load_idx %arg6[%broadcast_in_dim3A_355, %get3A_275] : memref<4x10000xi32, #tpu.memory_space<vmem>>[vector<16xi32>, vector<16xi32>], vector<16xi32>,
        %bitcast3A_366 = vector.bitcast %gather3A_356 : vector<16xi32> to vector<32xbf16>
        %bitcast3A_367 = vector.bitcast %gather3A_361 : vector<16xi32> to vector<32xbf16>
        %mul3A_368 = arith.mulf %bitcast3A_366, %bitcast3A_367 : vector<32xbf16>
        %bitcast3A_369 = vector.bitcast %gather3A_357 : vector<16xi32> to vector<32xbf16>
        %bitcast3A_370 = vector.bitcast %gather3A_362 : vector<16xi32> to vector<32xbf16>
        %mul3A_371 = arith.mulf %bitcast3A_369, %bitcast3A_370 : vector<32xbf16>
        %bitcast3A_372 = vector.bitcast %gather3A_358 : vector<16xi32> to vector<32xbf16>
        %bitcast3A_373 = vector.bitcast %gather3A_363 : vector<16xi32> to vector<32xbf16>
        %mul3A_374 = arith.mulf %bitcast3A_372, %bitcast3A_373 : vector<32xbf16>
        %bitcast3A_375 = vector.bitcast %gather3A_359 : vector<16xi32> to vector<32xbf16>
        %bitcast3A_376 = vector.bitcast %gather3A_364 : vector<16xi32> to vector<32xbf16>
        %mul3A_377 = arith.mulf %bitcast3A_375, %bitcast3A_376 : vector<32xbf16>
        %bitcast3A_378 = vector.bitcast %gather3A_360 : vector<16xi32> to vector<32xbf16>
        %bitcast3A_379 = vector.bitcast %gather3A_365 : vector<16xi32> to vector<32xbf16>
        %mul3A_380 = arith.mulf %bitcast3A_378, %bitcast3A_379 : vector<32xbf16>
        %add3A_381 = arith.addf %mul3A_287, %mul3A_314 : vector<32xbf16>
        %add3A_382 = arith.addf %mul3A_341, %mul3A_368 : vector<32xbf16>
        %unpack3A = tpu.unpack_subelements %add3A_381, 0 {pack_format = #tpu.pack_format<interleaved>} : vector<32xbf16> -> vector<16xf32>
        %unpack3A_383 = tpu.unpack_subelements %add3A_381, 1 {pack_format = #tpu.pack_format<interleaved>} : vector<32xbf16> -> vector<16xf32>
        %unpack3A_384 = tpu.unpack_subelements %add3A_382, 0 {pack_format = #tpu.pack_format<interleaved>} : vector<32xbf16> -> vector<16xf32>
        %unpack3A_385 = tpu.unpack_subelements %add3A_382, 1 {pack_format = #tpu.pack_format<interleaved>} : vector<32xbf16> -> vector<16xf32>
        %add3A_386 = arith.addf %unpack3A, %unpack3A_383 : vector<16xf32>
        %add3A_387 = arith.addf %unpack3A_384, %unpack3A_385 : vector<16xf32>
        %add3A_388 = arith.addf %add3A_386, %add3A_387 : vector<16xf32>
        %swap3A = arith.index_cast %add3A_236 : i32 to index
        %swap3A_389 = arith.constant 0 : index
        %swap3A_390 = tpu.vector_load %arg11[%swap3A, %swap3A_389] {strides = array<i32>} : memref<16x128xf32, #tpu.memory_space<vmem>>, vector<16xf32>,
        tpu.vector_store %arg11[%swap3A, %swap3A_389], %add3A_388 {strides = array<i32>} : memref<16x128xf32, #tpu.memory_space<vmem>>, vector<16xf32>,
        %add3A_391 = arith.addf %mul3A_290, %mul3A_317 : vector<32xbf16>
        %add3A_392 = arith.addf %mul3A_344, %mul3A_371 : vector<32xbf16>
        %unpack3A_393 = tpu.unpack_subelements %add3A_391, 0 {pack_format = #tpu.pack_format<interleaved>} : vector<32xbf16> -> vector<16xf32>
        %unpack3A_394 = tpu.unpack_subelements %add3A_391, 1 {pack_format = #tpu.pack_format<interleaved>} : vector<32xbf16> -> vector<16xf32>
        %unpack3A_395 = tpu.unpack_subelements %add3A_392, 0 {pack_format = #tpu.pack_format<interleaved>} : vector<32xbf16> -> vector<16xf32>
        %unpack3A_396 = tpu.unpack_subelements %add3A_392, 1 {pack_format = #tpu.pack_format<interleaved>} : vector<32xbf16> -> vector<16xf32>
        %add3A_397 = arith.addf %unpack3A_393, %unpack3A_394 : vector<16xf32>
        %add3A_398 = arith.addf %unpack3A_395, %unpack3A_396 : vector<16xf32>
        %add3A_399 = arith.addf %add3A_397, %add3A_398 : vector<16xf32>
        %swap3A_400 = arith.index_cast %add3A_236 : i32 to index
        %swap3A_401 = arith.constant 16 : index
        %swap3A_402 = tpu.vector_load %arg11[%swap3A_400, %swap3A_401] {strides = array<i32>} : memref<16x128xf32, #tpu.memory_space<vmem>>, vector<16xf32>,
        tpu.vector_store %arg11[%swap3A_400, %swap3A_401], %add3A_399 {strides = array<i32>} : memref<16x128xf32, #tpu.memory_space<vmem>>, vector<16xf32>,
        %add3A_403 = arith.addf %mul3A_293, %mul3A_320 : vector<32xbf16>
        %add3A_404 = arith.addf %mul3A_347, %mul3A_374 : vector<32xbf16>
        %unpack3A_405 = tpu.unpack_subelements %add3A_403, 0 {pack_format = #tpu.pack_format<interleaved>} : vector<32xbf16> -> vector<16xf32>
        %unpack3A_406 = tpu.unpack_subelements %add3A_403, 1 {pack_format = #tpu.pack_format<interleaved>} : vector<32xbf16> -> vector<16xf32>
        %unpack3A_407 = tpu.unpack_subelements %add3A_404, 0 {pack_format = #tpu.pack_format<interleaved>} : vector<32xbf16> -> vector<16xf32>
        %unpack3A_408 = tpu.unpack_subelements %add3A_404, 1 {pack_format = #tpu.pack_format<interleaved>} : vector<32xbf16> -> vector<16xf32>
        %add3A_409 = arith.addf %unpack3A_405, %unpack3A_406 : vector<16xf32>
        %add3A_410 = arith.addf %unpack3A_407, %unpack3A_408 : vector<16xf32>
        %add3A_411 = arith.addf %add3A_409, %add3A_410 : vector<16xf32>
        %swap3A_412 = arith.index_cast %add3A_236 : i32 to index
        %swap3A_413 = arith.constant 32 : index
        %swap3A_414 = tpu.vector_load %arg11[%swap3A_412, %swap3A_413] {strides = array<i32>} : memref<16x128xf32, #tpu.memory_space<vmem>>, vector<16xf32>,
        tpu.vector_store %arg11[%swap3A_412, %swap3A_413], %add3A_411 {strides = array<i32>} : memref<16x128xf32, #tpu.memory_space<vmem>>, vector<16xf32>,
        %add3A_415 = arith.addf %mul3A_296, %mul3A_323 : vector<32xbf16>
        %add3A_416 = arith.addf %mul3A_350, %mul3A_377 : vector<32xbf16>
        %unpack3A_417 = tpu.unpack_subelements %add3A_415, 0 {pack_format = #tpu.pack_format<interleaved>} : vector<32xbf16> -> vector<16xf32>
        %unpack3A_418 = tpu.unpack_subelements %add3A_415, 1 {pack_format = #tpu.pack_format<interleaved>} : vector<32xbf16> -> vector<16xf32>
        %unpack3A_419 = tpu.unpack_subelements %add3A_416, 0 {pack_format = #tpu.pack_format<interleaved>} : vector<32xbf16> -> vector<16xf32>
        %unpack3A_420 = tpu.unpack_subelements %add3A_416, 1 {pack_format = #tpu.pack_format<interleaved>} : vector<32xbf16> -> vector<16xf32>
        %add3A_421 = arith.addf %unpack3A_417, %unpack3A_418 : vector<16xf32>
        %add3A_422 = arith.addf %unpack3A_419, %unpack3A_420 : vector<16xf32>
        %add3A_423 = arith.addf %add3A_421, %add3A_422 : vector<16xf32>
        %swap3A_424 = arith.index_cast %add3A_236 : i32 to index
        %swap3A_425 = arith.constant 48 : index
        %swap3A_426 = tpu.vector_load %arg11[%swap3A_424, %swap3A_425] {strides = array<i32>} : memref<16x128xf32, #tpu.memory_space<vmem>>, vector<16xf32>,
        tpu.vector_store %arg11[%swap3A_424, %swap3A_425], %add3A_423 {strides = array<i32>} : memref<16x128xf32, #tpu.memory_space<vmem>>, vector<16xf32>,
        %add3A_427 = arith.addf %mul3A_299, %mul3A_326 : vector<32xbf16>
        %add3A_428 = arith.addf %mul3A_353, %mul3A_380 : vector<32xbf16>
        %unpack3A_429 = tpu.unpack_subelements %add3A_427, 0 {pack_format = #tpu.pack_format<interleaved>} : vector<32xbf16> -> vector<16xf32>
        %unpack3A_430 = tpu.unpack_subelements %add3A_427, 1 {pack_format = #tpu.pack_format<interleaved>} : vector<32xbf16> -> vector<16xf32>
        %unpack3A_431 = tpu.unpack_subelements %add3A_428, 0 {pack_format = #tpu.pack_format<interleaved>} : vector<32xbf16> -> vector<16xf32>
        %unpack3A_432 = tpu.unpack_subelements %add3A_428, 1 {pack_format = #tpu.pack_format<interleaved>} : vector<32xbf16> -> vector<16xf32>
        %add3A_433 = arith.addf %unpack3A_429, %unpack3A_430 : vector<16xf32>
        %add3A_434 = arith.addf %unpack3A_431, %unpack3A_432 : vector<16xf32>
        %add3A_435 = arith.addf %add3A_433, %add3A_434 : vector<16xf32>
        %swap3A_436 = arith.index_cast %add3A_236 : i32 to index
        %swap3A_437 = arith.constant 64 : index
        %swap3A_438 = tpu.vector_load %arg11[%swap3A_436, %swap3A_437] {strides = array<i32>} : memref<16x128xf32, #tpu.memory_space<vmem>>, vector<16xf32>,
        tpu.vector_store %arg11[%swap3A_436, %swap3A_437], %add3A_435 {strides = array<i32>} : memref<16x128xf32, #tpu.memory_space<vmem>>, vector<16xf32>,
      }
      %scan3A_183 = arith.constant 16 : i32
      %add3A_184 = arith.constant 4 : i32
      %add3A_185 = arith.addi %mul3A_107, %add3A_184 : i32
      %lt3A_186 = arith.constant 125 : i32
      %lt3A_187 = arith.cmpi slt, %add3A_185, %lt3A_186 : i32
      %convert_element_type3A_188 = arith.extui %lt3A_187 : i1 to i32
      %cond3A_189 = arith.constant 0 : i32
      %cond3A_190 = arith.cmpi ne, %convert_element_type3A_188, %cond3A_189 : i32
      scf.if %cond3A_190 {
        %add3A_232 = arith.constant 4 : i32
        %add3A_233 = arith.addi %mul3A_107, %add3A_232 : i32
        %mul3A_234 = arith.constant 1280 : i32
        %mul3A_235 = arith.muli %add3A_233, %mul3A_234 : i32
        %add3A_236 = arith.addi %mul3A_0, %mul3A_235 : i32
        %dma_start3A_237 = tpu.memref_slice %arg3[%add3A_236] : memref<320000xi32, #tpu.memory_space<hbm>> -> memref<1280xi32, #tpu.memory_space<hbm>>
        %dma_start3A_238 = tpu.memref_slice %arg3[%add3A_236] : memref<320000xi32, #tpu.memory_space<hbm>> -> memref<1280xi32, #tpu.memory_space<hbm>>
        tpu.enqueue_dma source(%dma_start3A_238 : memref<1280xi32, #tpu.memory_space<hbm>>) target(%arg7 : memref<1280xi32, #tpu.memory_space<vmem>>) target_semaphore(%arg18 : memref<!tpu.dma_semaphore, #tpu.memory_space<semaphore_mem>>)
        %mul3A_239 = arith.constant 1280 : i32
        %mul3A_240 = arith.muli %add3A_233, %mul3A_239 : i32
        %add3A_241 = arith.addi %mul3A_0, %mul3A_240 : i32
        %dma_start3A_242 = tpu.memref_slice %arg4[%add3A_241] : memref<320000xi32, #tpu.memory_space<hbm>> -> memref<1280xi32, #tpu.memory_space<hbm>>
        %dma_start3A_243 = tpu.memref_slice %arg4[%add3A_241] : memref<320000xi32, #tpu.memory_space<hbm>> -> memref<1280xi32, #tpu.memory_space<hbm>>
        tpu.enqueue_dma source(%dma_start3A_243 : memref<1280xi32, #tpu.memory_space<hbm>>) target(%arg8 : memref<1280xi32, #tpu.memory_space<vmem>>) target_semaphore(%arg19 : memref<!tpu.dma_semaphore, #tpu.memory_space<semaphore_mem>>)
      } else {
      }
      %run_scoped3A_191 = arith.constant 0 : i32
      "tpu.region"() ({
        %run_scoped3A_232 = tpu.sem_alloc : memref<!tpu.dma_semaphore, #tpu.memory_space<semaphore_mem>>
        %dma_start3A_233 = arith.constant 0 : i32
        %dma_start3A_234 = arith.constant 0 : i32
        %dma_start3A_235 = tpu.memref_slice %arg16[%run_scoped3A_191, %arg1, %dma_start3A_233, %dma_start3A_234] : memref<2x16x16x128xf32, #tpu.memory_space<vmem_shared>> -> memref<1x1x16x128xf32, #tpu.memory_space<vmem_shared>>
        %dma_start3A_236 = tpu.memref_squeeze %dma_start3A_235 : memref<1x1x16x128xf32, #tpu.memory_space<vmem_shared>> -> memref<16x128xf32, #tpu.memory_space<vmem_shared>>
        %dma_start3A_237 = arith.constant 0 : i32
        %dma_start3A_238 = arith.constant 0 : i32
        %dma_start3A_239 = tpu.memref_slice %arg16[%run_scoped3A_191, %arg1, %dma_start3A_237, %dma_start3A_238] : memref<2x16x16x128xf32, #tpu.memory_space<vmem_shared>> -> memref<1x1x16x128xf32, #tpu.memory_space<vmem_shared>>
        %dma_start3A_240 = tpu.memref_squeeze %dma_start3A_239 : memref<1x1x16x128xf32, #tpu.memory_space<vmem_shared>> -> memref<16x128xf32, #tpu.memory_space<vmem_shared>>
        tpu.enqueue_dma source(%arg11 : memref<16x128xf32, #tpu.memory_space<vmem>>) target(%dma_start3A_240 : memref<16x128xf32, #tpu.memory_space<vmem_shared>>) target_semaphore(%run_scoped3A_232 : memref<!tpu.dma_semaphore, #tpu.memory_space<semaphore_mem>>)
        %dma_wait3A_241 = arith.constant 0 : i32
        %dma_wait3A_242 = arith.constant 0 : i32
        %dma_wait3A_243 = tpu.memref_slice %arg16[%run_scoped3A_191, %arg1, %dma_wait3A_241, %dma_wait3A_242] : memref<2x16x16x128xf32, #tpu.memory_space<vmem_shared>> -> memref<1x1x16x128xf32, #tpu.memory_space<vmem_shared>>
        %dma_wait3A_244 = tpu.memref_squeeze %dma_wait3A_243 : memref<1x1x16x128xf32, #tpu.memory_space<vmem_shared>> -> memref<16x128xf32, #tpu.memory_space<vmem_shared>>
        %dma_wait3A_245 = arith.constant 0 : i32
        %dma_wait3A_246 = arith.constant 0 : i32
        %dma_wait3A_247 = tpu.memref_slice %arg16[%run_scoped3A_191, %arg1, %dma_wait3A_245, %dma_wait3A_246] : memref<2x16x16x128xf32, #tpu.memory_space<vmem_shared>> -> memref<1x1x16x128xf32, #tpu.memory_space<vmem_shared>>
        %dma_wait3A_248 = tpu.memref_squeeze %dma_wait3A_247 : memref<1x1x16x128xf32, #tpu.memory_space<vmem_shared>> -> memref<16x128xf32, #tpu.memory_space<vmem_shared>>
        tpu.wait_dma2 semaphore(%run_scoped3A_232 : memref<!tpu.dma_semaphore, #tpu.memory_space<semaphore_mem>>) src(%arg11 : memref<16x128xf32, #tpu.memory_space<vmem>>) dst(%dma_wait3A_248 : memref<16x128xf32, #tpu.memory_space<vmem_shared>>)
        tpu.yield
      }) : () -> ()
      %barrier3A_192 = arith.constant 0 : index
      tpu.barrier barrier_id(%barrier3A_192)
      %dma_start3A_193 = arith.constant 0 : i32
      %dma_start3A_194 = arith.constant 0 : i32
      %dma_start3A_195 = arith.constant 0 : i32
      %dma_start3A_196 = tpu.memref_slice %arg16[%dma_start3A_193, %dma_start3A_194, %arg1, %dma_start3A_195] : memref<2x16x16x128xf32, #tpu.memory_space<vmem_shared>> -> memref<1x16x1x128xf32, #tpu.memory_space<vmem_shared>>
      %dma_start3A_197 = tpu.memref_squeeze %dma_start3A_196 : memref<1x16x1x128xf32, #tpu.memory_space<vmem_shared>> -> memref<16x128xf32, #tpu.memory_space<vmem_shared>>
      %dma_start3A_198 = arith.constant 0 : i32
      %dma_start3A_199 = arith.constant 0 : i32
      %dma_start3A_200 = tpu.memref_slice %arg16[%dma_start3A_193, %dma_start3A_198, %arg1, %dma_start3A_199] : memref<2x16x16x128xf32, #tpu.memory_space<vmem_shared>> -> memref<1x16x1x128xf32, #tpu.memory_space<vmem_shared>>
      %dma_start3A_201 = tpu.memref_squeeze %dma_start3A_200 : memref<1x16x1x128xf32, #tpu.memory_space<vmem_shared>> -> memref<16x128xf32, #tpu.memory_space<vmem_shared>>
      tpu.enqueue_dma source(%dma_start3A_201 : memref<16x128xf32, #tpu.memory_space<vmem_shared>>) target(%arg12 : memref<16x128xf32, #tpu.memory_space<vmem>>) target_semaphore(%arg22 : memref<!tpu.dma_semaphore, #tpu.memory_space<semaphore_mem>>)
      %add3A_202 = arith.constant 1 : i32
      %add3A_203 = arith.addi %mul3A_107, %add3A_202 : i32
      %dma_wait3A_204 = arith.constant 1 : i32
      %dma_wait3A_205 = arith.constant 0 : i32
      %dma_wait3A_206 = arith.constant 0 : i32
      %dma_wait3A_207 = tpu.memref_slice %arg16[%dma_wait3A_204, %dma_wait3A_205, %arg1, %dma_wait3A_206] : memref<2x16x16x128xf32, #tpu.memory_space<vmem_shared>> -> memref<1x16x1x128xf32, #tpu.memory_space<vmem_shared>>
      %dma_wait3A_208 = tpu.memref_squeeze %dma_wait3A_207 : memref<1x16x1x128xf32, #tpu.memory_space<vmem_shared>> -> memref<16x128xf32, #tpu.memory_space<vmem_shared>>
      %dma_wait3A_209 = arith.constant 0 : i32
      %dma_wait3A_210 = arith.constant 0 : i32
      %dma_wait3A_211 = tpu.memref_slice %arg16[%dma_wait3A_204, %dma_wait3A_209, %arg1, %dma_wait3A_210] : memref<2x16x16x128xf32, #tpu.memory_space<vmem_shared>> -> memref<1x16x1x128xf32, #tpu.memory_space<vmem_shared>>
      %dma_wait3A_212 = tpu.memref_squeeze %dma_wait3A_211 : memref<1x16x1x128xf32, #tpu.memory_space<vmem_shared>> -> memref<16x128xf32, #tpu.memory_space<vmem_shared>>
      tpu.wait_dma2 semaphore(%arg23 : memref<!tpu.dma_semaphore, #tpu.memory_space<semaphore_mem>>) src(%dma_wait3A_212 : memref<16x128xf32, #tpu.memory_space<vmem_shared>>) dst(%arg13 : memref<16x128xf32, #tpu.memory_space<vmem>>)
      %barrier3A_213 = arith.constant 0 : index
      tpu.barrier barrier_id(%barrier3A_213)
      %ge3A_214 = arith.constant 2 : i32
      %ge3A_215 = arith.cmpi sge, %add3A_203, %ge3A_214 : i32
      %convert_element_type3A_216 = arith.extui %ge3A_215 : i1 to i32
      %cond3A_217 = arith.constant 0 : i32
      %cond3A_218 = arith.cmpi ne, %convert_element_type3A_216, %cond3A_217 : i32
      scf.if %cond3A_218 {
        %mul3A_232 = arith.constant 1280 : i32
        %mul3A_233 = arith.muli %add3A_203, %mul3A_232 : i32
        %add3A_234 = arith.addi %mul3A_0, %mul3A_233 : i32
        %mul3A_235 = arith.constant 80 : i32
        %mul3A_236 = arith.muli %arg1, %mul3A_235 : i32
        %add3A_237 = arith.addi %add3A_234, %mul3A_236 : i32
        %dma_wait3A_238 = tpu.memref_slice %arg5[%add3A_237] : memref<320000xf32, #tpu.memory_space<hbm>> -> memref<80xf32, #tpu.memory_space<hbm>>
        %dma_wait3A_239 = tpu.memref_slice %arg5[%add3A_237] : memref<320000xf32, #tpu.memory_space<hbm>> -> memref<80xf32, #tpu.memory_space<hbm>>
        tpu.wait_dma2 semaphore(%arg25 : memref<!tpu.dma_semaphore, #tpu.memory_space<semaphore_mem>>) src(%arg15 : memref<80xf32, #tpu.memory_space<vmem>>) dst(%dma_wait3A_239 : memref<80xf32, #tpu.memory_space<hbm>>)
      } else {
      }
      %scan3A_219 = arith.constant 0 : i32
      %scan3A_220 = arith.constant 5 : i32
      %scan3A_221 = arith.addi %scan3A_219, %scan3A_220 : i32
      %scan3A_222 = arith.constant 1 : i32
      scf.for %scan3A_232 = %scan3A_219 to %scan3A_221 step %scan3A_222  : i32 {
        %mul3A_233 = arith.constant 1 : i32
        %mul3A_234 = arith.muli %scan3A_232, %mul3A_233 : i32
        %add3A_235 = arith.constant 0 : i32
        %add3A_236 = arith.addi %add3A_235, %mul3A_234 : i32
        %mul3A_237 = arith.constant 16 : i32
        %mul3A_238 = arith.muli %add3A_236, %mul3A_237 : i32
        %get3A = arith.constant 0 : i32
        %get3A_239 = arith.index_cast %get3A : i32 to index
        %get3A_240 = arith.index_cast %mul3A_238 : i32 to index
        %get3A_241 = tpu.vector_load %arg13[%get3A_239, %get3A_240] {strides = array<i32>} : memref<16x128xf32, #tpu.memory_space<vmem>>, vector<16xf32>,
        %mul3A_242 = arith.constant 16 : i32
        %mul3A_243 = arith.muli %add3A_236, %mul3A_242 : i32
        %get3A_244 = arith.constant 1 : i32
        %get3A_245 = arith.index_cast %get3A_244 : i32 to index
        %get3A_246 = arith.index_cast %mul3A_243 : i32 to index
        %get3A_247 = tpu.vector_load %arg13[%get3A_245, %get3A_246] {strides = array<i32>} : memref<16x128xf32, #tpu.memory_space<vmem>>, vector<16xf32>,
        %mul3A_248 = arith.constant 16 : i32
        %mul3A_249 = arith.muli %add3A_236, %mul3A_248 : i32
        %get3A_250 = arith.constant 2 : i32
        %get3A_251 = arith.index_cast %get3A_250 : i32 to index
        %get3A_252 = arith.index_cast %mul3A_249 : i32 to index
        %get3A_253 = tpu.vector_load %arg13[%get3A_251, %get3A_252] {strides = array<i32>} : memref<16x128xf32, #tpu.memory_space<vmem>>, vector<16xf32>,
        %mul3A_254 = arith.constant 16 : i32
        %mul3A_255 = arith.muli %add3A_236, %mul3A_254 : i32
        %get3A_256 = arith.constant 3 : i32
        %get3A_257 = arith.index_cast %get3A_256 : i32 to index
        %get3A_258 = arith.index_cast %mul3A_255 : i32 to index
        %get3A_259 = tpu.vector_load %arg13[%get3A_257, %get3A_258] {strides = array<i32>} : memref<16x128xf32, #tpu.memory_space<vmem>>, vector<16xf32>,
        %mul3A_260 = arith.constant 16 : i32
        %mul3A_261 = arith.muli %add3A_236, %mul3A_260 : i32
        %get3A_262 = arith.constant 4 : i32
        %get3A_263 = arith.index_cast %get3A_262 : i32 to index
        %get3A_264 = arith.index_cast %mul3A_261 : i32 to index
        %get3A_265 = tpu.vector_load %arg13[%get3A_263, %get3A_264] {strides = array<i32>} : memref<16x128xf32, #tpu.memory_space<vmem>>, vector<16xf32>,
        %add3A_266 = arith.addf %get3A_241, %get3A_265 : vector<16xf32>
        %mul3A_267 = arith.constant 16 : i32
        %mul3A_268 = arith.muli %add3A_236, %mul3A_267 : i32
        %get3A_269 = arith.constant 5 : i32
        %get3A_270 = arith.index_cast %get3A_269 : i32 to index
        %get3A_271 = arith.index_cast %mul3A_268 : i32 to index
        %get3A_272 = tpu.vector_load %arg13[%get3A_270, %get3A_271] {strides = array<i32>} : memref<16x128xf32, #tpu.memory_space<vmem>>, vector<16xf32>,
        %add3A_273 = arith.addf %get3A_247, %get3A_272 : vector<16xf32>
        %mul3A_274 = arith.constant 16 : i32
        %mul3A_275 = arith.muli %add3A_236, %mul3A_274 : i32
        %get3A_276 = arith.constant 6 : i32
        %get3A_277 = arith.index_cast %get3A_276 : i32 to index
        %get3A_278 = arith.index_cast %mul3A_275 : i32 to index
        %get3A_279 = tpu.vector_load %arg13[%get3A_277, %get3A_278] {strides = array<i32>} : memref<16x128xf32, #tpu.memory_space<vmem>>, vector<16xf32>,
        %add3A_280 = arith.addf %get3A_253, %get3A_279 : vector<16xf32>
        %mul3A_281 = arith.constant 16 : i32
        %mul3A_282 = arith.muli %add3A_236, %mul3A_281 : i32
        %get3A_283 = arith.constant 7 : i32
        %get3A_284 = arith.index_cast %get3A_283 : i32 to index
        %get3A_285 = arith.index_cast %mul3A_282 : i32 to index
        %get3A_286 = tpu.vector_load %arg13[%get3A_284, %get3A_285] {strides = array<i32>} : memref<16x128xf32, #tpu.memory_space<vmem>>, vector<16xf32>,
        %add3A_287 = arith.addf %get3A_259, %get3A_286 : vector<16xf32>
        %mul3A_288 = arith.constant 16 : i32
        %mul3A_289 = arith.muli %add3A_236, %mul3A_288 : i32
        %get3A_290 = arith.constant 8 : i32
        %get3A_291 = arith.index_cast %get3A_290 : i32 to index
        %get3A_292 = arith.index_cast %mul3A_289 : i32 to index
        %get3A_293 = tpu.vector_load %arg13[%get3A_291, %get3A_292] {strides = array<i32>} : memref<16x128xf32, #tpu.memory_space<vmem>>, vector<16xf32>,
        %add3A_294 = arith.addf %add3A_266, %get3A_293 : vector<16xf32>
        %mul3A_295 = arith.constant 16 : i32
        %mul3A_296 = arith.muli %add3A_236, %mul3A_295 : i32
        %get3A_297 = arith.constant 9 : i32
        %get3A_298 = arith.index_cast %get3A_297 : i32 to index
        %get3A_299 = arith.index_cast %mul3A_296 : i32 to index
        %get3A_300 = tpu.vector_load %arg13[%get3A_298, %get3A_299] {strides = array<i32>} : memref<16x128xf32, #tpu.memory_space<vmem>>, vector<16xf32>,
        %add3A_301 = arith.addf %add3A_273, %get3A_300 : vector<16xf32>
        %mul3A_302 = arith.constant 16 : i32
        %mul3A_303 = arith.muli %add3A_236, %mul3A_302 : i32
        %get3A_304 = arith.constant 10 : i32
        %get3A_305 = arith.index_cast %get3A_304 : i32 to index
        %get3A_306 = arith.index_cast %mul3A_303 : i32 to index
        %get3A_307 = tpu.vector_load %arg13[%get3A_305, %get3A_306] {strides = array<i32>} : memref<16x128xf32, #tpu.memory_space<vmem>>, vector<16xf32>,
        %add3A_308 = arith.addf %add3A_280, %get3A_307 : vector<16xf32>
        %mul3A_309 = arith.constant 16 : i32
        %mul3A_310 = arith.muli %add3A_236, %mul3A_309 : i32
        %get3A_311 = arith.constant 11 : i32
        %get3A_312 = arith.index_cast %get3A_311 : i32 to index
        %get3A_313 = arith.index_cast %mul3A_310 : i32 to index
        %get3A_314 = tpu.vector_load %arg13[%get3A_312, %get3A_313] {strides = array<i32>} : memref<16x128xf32, #tpu.memory_space<vmem>>, vector<16xf32>,
        %add3A_315 = arith.addf %add3A_287, %get3A_314 : vector<16xf32>
        %mul3A_316 = arith.constant 16 : i32
        %mul3A_317 = arith.muli %add3A_236, %mul3A_316 : i32
        %get3A_318 = arith.constant 12 : i32
        %get3A_319 = arith.index_cast %get3A_318 : i32 to index
        %get3A_320 = arith.index_cast %mul3A_317 : i32 to index
        %get3A_321 = tpu.vector_load %arg13[%get3A_319, %get3A_320] {strides = array<i32>} : memref<16x128xf32, #tpu.memory_space<vmem>>, vector<16xf32>,
        %add3A_322 = arith.addf %add3A_294, %get3A_321 : vector<16xf32>
        %mul3A_323 = arith.constant 16 : i32
        %mul3A_324 = arith.muli %add3A_236, %mul3A_323 : i32
        %get3A_325 = arith.constant 13 : i32
        %get3A_326 = arith.index_cast %get3A_325 : i32 to index
        %get3A_327 = arith.index_cast %mul3A_324 : i32 to index
        %get3A_328 = tpu.vector_load %arg13[%get3A_326, %get3A_327] {strides = array<i32>} : memref<16x128xf32, #tpu.memory_space<vmem>>, vector<16xf32>,
        %add3A_329 = arith.addf %add3A_301, %get3A_328 : vector<16xf32>
        %mul3A_330 = arith.constant 16 : i32
        %mul3A_331 = arith.muli %add3A_236, %mul3A_330 : i32
        %get3A_332 = arith.constant 14 : i32
        %get3A_333 = arith.index_cast %get3A_332 : i32 to index
        %get3A_334 = arith.index_cast %mul3A_331 : i32 to index
        %get3A_335 = tpu.vector_load %arg13[%get3A_333, %get3A_334] {strides = array<i32>} : memref<16x128xf32, #tpu.memory_space<vmem>>, vector<16xf32>,
        %add3A_336 = arith.addf %add3A_308, %get3A_335 : vector<16xf32>
        %mul3A_337 = arith.constant 16 : i32
        %mul3A_338 = arith.muli %add3A_236, %mul3A_337 : i32
        %get3A_339 = arith.constant 15 : i32
        %get3A_340 = arith.index_cast %get3A_339 : i32 to index
        %get3A_341 = arith.index_cast %mul3A_338 : i32 to index
        %get3A_342 = tpu.vector_load %arg13[%get3A_340, %get3A_341] {strides = array<i32>} : memref<16x128xf32, #tpu.memory_space<vmem>>, vector<16xf32>,
        %add3A_343 = arith.addf %add3A_315, %get3A_342 : vector<16xf32>
        %add3A_344 = arith.addf %add3A_322, %add3A_329 : vector<16xf32>
        %add3A_345 = arith.addf %add3A_336, %add3A_343 : vector<16xf32>
        %add3A_346 = arith.addf %add3A_344, %add3A_345 : vector<16xf32>
        %mul3A_347 = arith.constant 16 : i32
        %mul3A_348 = arith.muli %add3A_236, %mul3A_347 : i32
        %swap3A = arith.index_cast %mul3A_348 : i32 to index
        %swap3A_349 = tpu.vector_load %arg15[%swap3A] {strides = array<i32>} : memref<80xf32, #tpu.memory_space<vmem>>, vector<16xf32>,
        tpu.vector_store %arg15[%swap3A], %add3A_346 {strides = array<i32>} : memref<80xf32, #tpu.memory_space<vmem>>, vector<16xf32>,
      }
      %scan3A_223 = arith.constant 5 : i32
      %mul3A_224 = arith.constant 1280 : i32
      %mul3A_225 = arith.muli %add3A_203, %mul3A_224 : i32
      %add3A_226 = arith.addi %mul3A_0, %mul3A_225 : i32
      %mul3A_227 = arith.constant 80 : i32
      %mul3A_228 = arith.muli %arg1, %mul3A_227 : i32
      %add3A_229 = arith.addi %add3A_226, %mul3A_228 : i32
      %dma_start3A_230 = tpu.memref_slice %arg5[%add3A_229] : memref<320000xf32, #tpu.memory_space<hbm>> -> memref<80xf32, #tpu.memory_space<hbm>>
      %dma_start3A_231 = tpu.memref_slice %arg5[%add3A_229] : memref<320000xf32, #tpu.memory_space<hbm>> -> memref<80xf32, #tpu.memory_space<hbm>>
      tpu.enqueue_dma source(%arg15 : memref<80xf32, #tpu.memory_space<vmem>>) target(%dma_start3A_231 : memref<80xf32, #tpu.memory_space<hbm>>) target_semaphore(%arg25 : memref<!tpu.dma_semaphore, #tpu.memory_space<semaphore_mem>>)
    }
    %scan3A_57 = arith.constant 62 : i32
    %dma_wait3A_58 = arith.constant 0 : i32
    %dma_wait3A_59 = arith.constant 0 : i32
    %dma_wait3A_60 = arith.constant 0 : i32
    %dma_wait3A_61 = tpu.memref_slice %arg16[%dma_wait3A_58, %dma_wait3A_59, %arg1, %dma_wait3A_60] : memref<2x16x16x128xf32, #tpu.memory_space<vmem_shared>> -> memref<1x16x1x128xf32, #tpu.memory_space<vmem_shared>>
    %dma_wait3A_62 = tpu.memref_squeeze %dma_wait3A_61 : memref<1x16x1x128xf32, #tpu.memory_space<vmem_shared>> -> memref<16x128xf32, #tpu.memory_space<vmem_shared>>
    %dma_wait3A_63 = arith.constant 0 : i32
    %dma_wait3A_64 = arith.constant 0 : i32
    %dma_wait3A_65 = tpu.memref_slice %arg16[%dma_wait3A_58, %dma_wait3A_63, %arg1, %dma_wait3A_64] : memref<2x16x16x128xf32, #tpu.memory_space<vmem_shared>> -> memref<1x16x1x128xf32, #tpu.memory_space<vmem_shared>>
    %dma_wait3A_66 = tpu.memref_squeeze %dma_wait3A_65 : memref<1x16x1x128xf32, #tpu.memory_space<vmem_shared>> -> memref<16x128xf32, #tpu.memory_space<vmem_shared>>
    tpu.wait_dma2 semaphore(%arg22 : memref<!tpu.dma_semaphore, #tpu.memory_space<semaphore_mem>>) src(%dma_wait3A_66 : memref<16x128xf32, #tpu.memory_space<vmem_shared>>) dst(%arg12 : memref<16x128xf32, #tpu.memory_space<vmem>>)
    %barrier3A_67 = arith.constant 0 : index
    tpu.barrier barrier_id(%barrier3A_67)
    %add3A_68 = arith.constant 158720 : i32
    %add3A_69 = arith.addi %mul3A_0, %add3A_68 : i32
    %mul3A_70 = arith.constant 80 : i32
    %mul3A_71 = arith.muli %arg1, %mul3A_70 : i32
    %add3A_72 = arith.addi %add3A_69, %mul3A_71 : i32
    %dma_wait3A_73 = tpu.memref_slice %arg5[%add3A_72] : memref<320000xf32, #tpu.memory_space<hbm>> -> memref<80xf32, #tpu.memory_space<hbm>>
    %dma_wait3A_74 = tpu.memref_slice %arg5[%add3A_72] : memref<320000xf32, #tpu.memory_space<hbm>> -> memref<80xf32, #tpu.memory_space<hbm>>
    tpu.wait_dma2 semaphore(%arg24 : memref<!tpu.dma_semaphore, #tpu.memory_space<semaphore_mem>>) src(%arg14 : memref<80xf32, #tpu.memory_space<vmem>>) dst(%dma_wait3A_74 : memref<80xf32, #tpu.memory_space<hbm>>)
    %scan3A_75 = arith.constant 0 : i32
    %scan3A_76 = arith.constant 5 : i32
    %scan3A_77 = arith.addi %scan3A_75, %scan3A_76 : i32
    %scan3A_78 = arith.constant 1 : i32
    scf.for %scan3A_101 = %scan3A_75 to %scan3A_77 step %scan3A_78  : i32 {
      %mul3A_102 = arith.constant 1 : i32
      %mul3A_103 = arith.muli %scan3A_101, %mul3A_102 : i32
      %add3A_104 = arith.constant 0 : i32
      %add3A_105 = arith.addi %add3A_104, %mul3A_103 : i32
      %mul3A_106 = arith.constant 16 : i32
      %mul3A_107 = arith.muli %add3A_105, %mul3A_106 : i32
      %get3A = arith.constant 0 : i32
      %get3A_108 = arith.index_cast %get3A : i32 to index
      %get3A_109 = arith.index_cast %mul3A_107 : i32 to index
      %get3A_110 = tpu.vector_load %arg12[%get3A_108, %get3A_109] {strides = array<i32>} : memref<16x128xf32, #tpu.memory_space<vmem>>, vector<16xf32>,
      %mul3A_111 = arith.constant 16 : i32
      %mul3A_112 = arith.muli %add3A_105, %mul3A_111 : i32
      %get3A_113 = arith.constant 1 : i32
      %get3A_114 = arith.index_cast %get3A_113 : i32 to index
      %get3A_115 = arith.index_cast %mul3A_112 : i32 to index
      %get3A_116 = tpu.vector_load %arg12[%get3A_114, %get3A_115] {strides = array<i32>} : memref<16x128xf32, #tpu.memory_space<vmem>>, vector<16xf32>,
      %mul3A_117 = arith.constant 16 : i32
      %mul3A_118 = arith.muli %add3A_105, %mul3A_117 : i32
      %get3A_119 = arith.constant 2 : i32
      %get3A_120 = arith.index_cast %get3A_119 : i32 to index
      %get3A_121 = arith.index_cast %mul3A_118 : i32 to index
      %get3A_122 = tpu.vector_load %arg12[%get3A_120, %get3A_121] {strides = array<i32>} : memref<16x128xf32, #tpu.memory_space<vmem>>, vector<16xf32>,
      %mul3A_123 = arith.constant 16 : i32
      %mul3A_124 = arith.muli %add3A_105, %mul3A_123 : i32
      %get3A_125 = arith.constant 3 : i32
      %get3A_126 = arith.index_cast %get3A_125 : i32 to index
      %get3A_127 = arith.index_cast %mul3A_124 : i32 to index
      %get3A_128 = tpu.vector_load %arg12[%get3A_126, %get3A_127] {strides = array<i32>} : memref<16x128xf32, #tpu.memory_space<vmem>>, vector<16xf32>,
      %mul3A_129 = arith.constant 16 : i32
      %mul3A_130 = arith.muli %add3A_105, %mul3A_129 : i32
      %get3A_131 = arith.constant 4 : i32
      %get3A_132 = arith.index_cast %get3A_131 : i32 to index
      %get3A_133 = arith.index_cast %mul3A_130 : i32 to index
      %get3A_134 = tpu.vector_load %arg12[%get3A_132, %get3A_133] {strides = array<i32>} : memref<16x128xf32, #tpu.memory_space<vmem>>, vector<16xf32>,
      %add3A_135 = arith.addf %get3A_110, %get3A_134 : vector<16xf32>
      %mul3A_136 = arith.constant 16 : i32
      %mul3A_137 = arith.muli %add3A_105, %mul3A_136 : i32
      %get3A_138 = arith.constant 5 : i32
      %get3A_139 = arith.index_cast %get3A_138 : i32 to index
      %get3A_140 = arith.index_cast %mul3A_137 : i32 to index
      %get3A_141 = tpu.vector_load %arg12[%get3A_139, %get3A_140] {strides = array<i32>} : memref<16x128xf32, #tpu.memory_space<vmem>>, vector<16xf32>,
      %add3A_142 = arith.addf %get3A_116, %get3A_141 : vector<16xf32>
      %mul3A_143 = arith.constant 16 : i32
      %mul3A_144 = arith.muli %add3A_105, %mul3A_143 : i32
      %get3A_145 = arith.constant 6 : i32
      %get3A_146 = arith.index_cast %get3A_145 : i32 to index
      %get3A_147 = arith.index_cast %mul3A_144 : i32 to index
      %get3A_148 = tpu.vector_load %arg12[%get3A_146, %get3A_147] {strides = array<i32>} : memref<16x128xf32, #tpu.memory_space<vmem>>, vector<16xf32>,
      %add3A_149 = arith.addf %get3A_122, %get3A_148 : vector<16xf32>
      %mul3A_150 = arith.constant 16 : i32
      %mul3A_151 = arith.muli %add3A_105, %mul3A_150 : i32
      %get3A_152 = arith.constant 7 : i32
      %get3A_153 = arith.index_cast %get3A_152 : i32 to index
      %get3A_154 = arith.index_cast %mul3A_151 : i32 to index
      %get3A_155 = tpu.vector_load %arg12[%get3A_153, %get3A_154] {strides = array<i32>} : memref<16x128xf32, #tpu.memory_space<vmem>>, vector<16xf32>,
      %add3A_156 = arith.addf %get3A_128, %get3A_155 : vector<16xf32>
      %mul3A_157 = arith.constant 16 : i32
      %mul3A_158 = arith.muli %add3A_105, %mul3A_157 : i32
      %get3A_159 = arith.constant 8 : i32
      %get3A_160 = arith.index_cast %get3A_159 : i32 to index
      %get3A_161 = arith.index_cast %mul3A_158 : i32 to index
      %get3A_162 = tpu.vector_load %arg12[%get3A_160, %get3A_161] {strides = array<i32>} : memref<16x128xf32, #tpu.memory_space<vmem>>, vector<16xf32>,
      %add3A_163 = arith.addf %add3A_135, %get3A_162 : vector<16xf32>
      %mul3A_164 = arith.constant 16 : i32
      %mul3A_165 = arith.muli %add3A_105, %mul3A_164 : i32
      %get3A_166 = arith.constant 9 : i32
      %get3A_167 = arith.index_cast %get3A_166 : i32 to index
      %get3A_168 = arith.index_cast %mul3A_165 : i32 to index
      %get3A_169 = tpu.vector_load %arg12[%get3A_167, %get3A_168] {strides = array<i32>} : memref<16x128xf32, #tpu.memory_space<vmem>>, vector<16xf32>,
      %add3A_170 = arith.addf %add3A_142, %get3A_169 : vector<16xf32>
      %mul3A_171 = arith.constant 16 : i32
      %mul3A_172 = arith.muli %add3A_105, %mul3A_171 : i32
      %get3A_173 = arith.constant 10 : i32
      %get3A_174 = arith.index_cast %get3A_173 : i32 to index
      %get3A_175 = arith.index_cast %mul3A_172 : i32 to index
      %get3A_176 = tpu.vector_load %arg12[%get3A_174, %get3A_175] {strides = array<i32>} : memref<16x128xf32, #tpu.memory_space<vmem>>, vector<16xf32>,
      %add3A_177 = arith.addf %add3A_149, %get3A_176 : vector<16xf32>
      %mul3A_178 = arith.constant 16 : i32
      %mul3A_179 = arith.muli %add3A_105, %mul3A_178 : i32
      %get3A_180 = arith.constant 11 : i32
      %get3A_181 = arith.index_cast %get3A_180 : i32 to index
      %get3A_182 = arith.index_cast %mul3A_179 : i32 to index
      %get3A_183 = tpu.vector_load %arg12[%get3A_181, %get3A_182] {strides = array<i32>} : memref<16x128xf32, #tpu.memory_space<vmem>>, vector<16xf32>,
      %add3A_184 = arith.addf %add3A_156, %get3A_183 : vector<16xf32>
      %mul3A_185 = arith.constant 16 : i32
      %mul3A_186 = arith.muli %add3A_105, %mul3A_185 : i32
      %get3A_187 = arith.constant 12 : i32
      %get3A_188 = arith.index_cast %get3A_187 : i32 to index
      %get3A_189 = arith.index_cast %mul3A_186 : i32 to index
      %get3A_190 = tpu.vector_load %arg12[%get3A_188, %get3A_189] {strides = array<i32>} : memref<16x128xf32, #tpu.memory_space<vmem>>, vector<16xf32>,
      %add3A_191 = arith.addf %add3A_163, %get3A_190 : vector<16xf32>
      %mul3A_192 = arith.constant 16 : i32
      %mul3A_193 = arith.muli %add3A_105, %mul3A_192 : i32
      %get3A_194 = arith.constant 13 : i32
      %get3A_195 = arith.index_cast %get3A_194 : i32 to index
      %get3A_196 = arith.index_cast %mul3A_193 : i32 to index
      %get3A_197 = tpu.vector_load %arg12[%get3A_195, %get3A_196] {strides = array<i32>} : memref<16x128xf32, #tpu.memory_space<vmem>>, vector<16xf32>,
      %add3A_198 = arith.addf %add3A_170, %get3A_197 : vector<16xf32>
      %mul3A_199 = arith.constant 16 : i32
      %mul3A_200 = arith.muli %add3A_105, %mul3A_199 : i32
      %get3A_201 = arith.constant 14 : i32
      %get3A_202 = arith.index_cast %get3A_201 : i32 to index
      %get3A_203 = arith.index_cast %mul3A_200 : i32 to index
      %get3A_204 = tpu.vector_load %arg12[%get3A_202, %get3A_203] {strides = array<i32>} : memref<16x128xf32, #tpu.memory_space<vmem>>, vector<16xf32>,
      %add3A_205 = arith.addf %add3A_177, %get3A_204 : vector<16xf32>
      %mul3A_206 = arith.constant 16 : i32
      %mul3A_207 = arith.muli %add3A_105, %mul3A_206 : i32
      %get3A_208 = arith.constant 15 : i32
      %get3A_209 = arith.index_cast %get3A_208 : i32 to index
      %get3A_210 = arith.index_cast %mul3A_207 : i32 to index
      %get3A_211 = tpu.vector_load %arg12[%get3A_209, %get3A_210] {strides = array<i32>} : memref<16x128xf32, #tpu.memory_space<vmem>>, vector<16xf32>,
      %add3A_212 = arith.addf %add3A_184, %get3A_211 : vector<16xf32>
      %add3A_213 = arith.addf %add3A_191, %add3A_198 : vector<16xf32>
      %add3A_214 = arith.addf %add3A_205, %add3A_212 : vector<16xf32>
      %add3A_215 = arith.addf %add3A_213, %add3A_214 : vector<16xf32>
      %mul3A_216 = arith.constant 16 : i32
      %mul3A_217 = arith.muli %add3A_105, %mul3A_216 : i32
      %swap3A = arith.index_cast %mul3A_217 : i32 to index
      %swap3A_218 = tpu.vector_load %arg14[%swap3A] {strides = array<i32>} : memref<80xf32, #tpu.memory_space<vmem>>, vector<16xf32>,
      tpu.vector_store %arg14[%swap3A], %add3A_215 {strides = array<i32>} : memref<80xf32, #tpu.memory_space<vmem>>, vector<16xf32>,
    }
    %scan3A_79 = arith.constant 5 : i32
    %add3A_80 = arith.constant 158720 : i32
    %add3A_81 = arith.addi %mul3A_0, %add3A_80 : i32
    %mul3A_82 = arith.constant 80 : i32
    %mul3A_83 = arith.muli %arg1, %mul3A_82 : i32
    %add3A_84 = arith.addi %add3A_81, %mul3A_83 : i32
    %dma_start3A_85 = tpu.memref_slice %arg5[%add3A_84] : memref<320000xf32, #tpu.memory_space<hbm>> -> memref<80xf32, #tpu.memory_space<hbm>>
    %dma_start3A_86 = tpu.memref_slice %arg5[%add3A_84] : memref<320000xf32, #tpu.memory_space<hbm>> -> memref<80xf32, #tpu.memory_space<hbm>>
    tpu.enqueue_dma source(%arg14 : memref<80xf32, #tpu.memory_space<vmem>>) target(%dma_start3A_86 : memref<80xf32, #tpu.memory_space<hbm>>) target_semaphore(%arg24 : memref<!tpu.dma_semaphore, #tpu.memory_space<semaphore_mem>>)
    %add3A_87 = arith.constant 157440 : i32
    %add3A_88 = arith.addi %mul3A_0, %add3A_87 : i32
    %mul3A_89 = arith.constant 80 : i32
    %mul3A_90 = arith.muli %arg1, %mul3A_89 : i32
    %add3A_91 = arith.addi %add3A_88, %mul3A_90 : i32
    %dma_wait3A_92 = tpu.memref_slice %arg5[%add3A_91] : memref<320000xf32, #tpu.memory_space<hbm>> -> memref<80xf32, #tpu.memory_space<hbm>>
    %dma_wait3A_93 = tpu.memref_slice %arg5[%add3A_91] : memref<320000xf32, #tpu.memory_space<hbm>> -> memref<80xf32, #tpu.memory_space<hbm>>
    tpu.wait_dma2 semaphore(%arg25 : memref<!tpu.dma_semaphore, #tpu.memory_space<semaphore_mem>>) src(%arg15 : memref<80xf32, #tpu.memory_space<vmem>>) dst(%dma_wait3A_93 : memref<80xf32, #tpu.memory_space<hbm>>)
    %add3A_94 = arith.constant 158720 : i32
    %add3A_95 = arith.addi %mul3A_0, %add3A_94 : i32
    %mul3A_96 = arith.constant 80 : i32
    %mul3A_97 = arith.muli %arg1, %mul3A_96 : i32
    %add3A_98 = arith.addi %add3A_95, %mul3A_97 : i32
    %dma_wait3A_99 = tpu.memref_slice %arg5[%add3A_98] : memref<320000xf32, #tpu.memory_space<hbm>> -> memref<80xf32, #tpu.memory_space<hbm>>
    %dma_wait3A_100 = tpu.memref_slice %arg5[%add3A_98] : memref<320000xf32, #tpu.memory_space<hbm>> -> memref<80xf32, #tpu.memory_space<hbm>>
    tpu.wait_dma2 semaphore(%arg24 : memref<!tpu.dma_semaphore, #tpu.memory_space<semaphore_mem>>) src(%arg14 : memref<80xf32, #tpu.memory_space<vmem>>) dst(%dma_wait3A_100 : memref<80xf32, #tpu.memory_space<hbm>>)
    return
  }
}

</mosaic_0001>

<sc_bundles>
// kernel: _sc_edge_dot.3.cloned.1.call-start
scs
__scs_entry_jumppad:
0x0: {  	(pc) =	sbr.rel $0x88, $3  }
0x1: {  	(tag) =	ssettag $0x0;
	lr =	simm.s32 $0x1  }
0x2: {  	[smem:$0x3F9E] =	sst lr;
	_ =	strace $0xD0000000  }
0x3: {  	_ = 	snop  }
0x4: {  	_ = 	snop  }
0x5: {  	_ = 	snop  }
0x6: {  	_ = 	snop  }
0x7: {  	_ = 	snop  }
__scs_overlays_trampoline_lowered:
0x8: {  	[smem:$0x3FAD] =	sst s0  }
0x9: {  	[smem:$0x3FAE] =	sst s1  }
0xa: {  	[smem:$0x3FAF] =	sst s2  }
0xb: {  	[smem:$0x3FB0] =	sst s3  }
0xc: {  	[smem:$0x3FB1] =	sst s4  }
0xd: {  	[smem:$0x3FB2] =	sst s5  }
0xe: {  	[smem:$0x3FB3] =	sst s6  }
0xf: {  	[smem:$0x3FB4] =	sst s7  }
0x10: {  	[smem:$0x3FB5] =	sst s8  }
0x11: {  	[smem:$0x3FB6] =	sst s9;
	s0 =	simm.s32 @!p0 $0x0  }
0x12: {  	s1 =	sld [smem:$0x3F9C];
	s0 =	simm.s32 @p0 $0x1  }
0x13: {  	[smem:$0x3FB7] =	sst s0;
	s0 =	simm.s32 @!p1 $0x0  }
0x14: {  	s2 =	sld [smem:$0x3F9B];
	s0 =	simm.s32 @p1 $0x1  }
0x15: {  	[smem:$0x3FB8] =	sst s0;
	s0 =	simm.s32 @!p2 $0x0  }
0x16: {  	s3 =	sld [smem:$0x3FDB];
	s0 =	simm.s32 @p2 $0x1  }
0x17: {  	s4 =	simm.s32 $0x1BF5;
	[smem:$0x3FBA] =	sst s0  }
0x18: {  	s0 =	sld [smem:$0x3F9D];
	_ =	swait.ge [sflag:s4], $0x0  }
0x19: {  	s7 =	sld [smem:$0x3F9E]  }
0x1a: {  	s8 =	sadd.s32 $0xFFFFE003, lr  }
0x1b: {  	s9 =	sadd.s32 $0xFFFFFEF7, lr;
	s5 =	simm.s32 $0xFFFFFFFF;
	p2 =	slt.u32 s8, $0xFFFFF086  }
0x1c: {  	p1 =	slt.u32 s9, $0xF7A;
	s5 =	simm.s32 @!p2 $0x0  }
0x1d: {  	s5 =	simm.s32 @p1 $0x1;
	p0 =	seq.s32 s7, s2  }
0x1e: {  	s7 =	smul.u32 @!p0 $0xF7A, s2;
	p2 =	seq.s32 @!p0 s5, $0x0  }
0x1f: {  	s9 =	smul.u32 $0xF7A, s1;
	s8 =	simm.s32 @!p0 $0x1BF5;
	p2 =	por !p2, p0  }
0x20: {  	[sflag:s8] =	ssyncset.s32 @!p0 $0xFFFFF086;
	s6 =	sadd.s32 @!p0 s3, s7;
	s7 =	simm.s32 @!p0 $0x108  }
0x21: {  	s3 =	sadd.s32 s3, s9;
	s6 =	sadd.s32 @!p0 $0x88, s6;
	s7 =	simm.s32 @p2 $0x1082  }
0x22: {  	[simem:s7], [sflag:s8] =	dma.local @!p0 [hbm:s6], $0xF7A  }
0x23: {  	s9 =	sor.u32 $0xD0000000, s2;
	s6 =	simm.s32 $0x108;
	_ =	swait.ge @!p0 [sflag:s8], $0x0  }
0x24: {  	s3 =	sadd.s32 $0x88, s3;
	s6 =	simm.s32 @!p1 $0x1082;
	[sflag:s4] =	ssyncset.s32 $0xFFFFF086  }
0x25: {  	[simem:s6], [sflag:s4] =	dma.local [hbm:s3], $0xF7A  }
0x26: {  	[smem:$0x3F9E] =	sst s1;
	(tag) =	ssettag s2;
	_ =	strace s9  }
0x27: {  	s1 =	sld [smem:$0x3FAE]  }
0x28: {  	s2 =	sld [smem:$0x3FAF]  }
0x29: {  	s4 =	sld [smem:$0x3FB1]  }
0x2a: {  	p0 =	seq.s32 s5, $0x0;
	s5 =	sld [smem:$0x3FB2]  }
0x2b: {  	s6 =	sld [smem:$0x3FB3]  }
0x2c: {  	s7 =	sld [smem:$0x3FB4]  }
0x2d: {  	s3 =	simm.s32 $0x108;
	s8 =	sld [smem:$0x3FB5]  }
0x2e: {  	s3 =	simm.s32 @!p0 $0x1082;
	s9 =	sld [smem:$0x3FB6]  }
0x2f: {  	lr =	sadd.s32 s0, s3;
	s0 =	sld [smem:$0x3FAD]  }
0x30: {  	s3 =	sld [smem:$0x3FB0]  }
0x31: {  	[smem:$0x3FB9] =	sst s10  }
0x32: {  	s10 =	sld [smem:$0x3FB7];
	_ =	sdelay $0x3  }
0x33: {  	p0 =	seq.s32 s10, $0x1;
	s10 =	sld [smem:$0x3FB9];
	_ =	sdelay $0x3  }
0x34: {  	[smem:$0x3FB9] =	sst s10  }
0x35: {  	s10 =	sld [smem:$0x3FB8];
	_ =	sdelay $0x3  }
0x36: {  	p1 =	seq.s32 s10, $0x1;
	s10 =	sld [smem:$0x3FB9];
	_ =	sdelay $0x3  }
0x37: {  	[smem:$0x3FB9] =	sst s10  }
0x38: {  	s10 =	sld [smem:$0x3FBA]  }
0x39: {  	_ = 	snop;
	(pc) =	sbr.ind lr, $3  }
0x3a: {  	_ = 	snop  }
0x3b: {  	_ = 	snop  }
0x3c: {  	p2 =	seq.s32 s10, $0x1;
	s10 =	sld [smem:$0x3FB9]  }
0x3d: {  	_ =	shalt  }
0x3e: {  	_ =	shalt  }
0x3f: {  	_ =	shalt  }
0x40: {  	_ =	shalt  }
0x41: {  	_ =	shalt  }
0x42: {  	_ =	shalt  }
0x43: {  	_ =	shalt  }
0x44: {  	_ =	shalt  }
0x45: {  	_ =	shalt  }
0x46: {  	_ =	shalt  }
0x47: {  	_ =	shalt  }
0x48: {  	_ =	shalt  }
0x49: {  	_ =	shalt  }
0x4a: {  	_ =	shalt  }
0x4b: {  	_ =	shalt  }
0x4c: {  	_ =	shalt  }
0x4d: {  	_ =	shalt  }
0x4e: {  	_ =	shalt  }
0x4f: {  	_ =	shalt  }
0x50: {  	_ =	shalt  }
0x51: {  	_ =	shalt  }
0x52: {  	_ =	shalt  }
0x53: {  	_ =	shalt  }
0x54: {  	_ =	shalt  }
0x55: {  	_ =	shalt  }
0x56: {  	_ =	shalt  }
0x57: {  	_ =	shalt  }
0x58: {  	_ =	shalt  }
0x59: {  	_ =	shalt  }
0x5a: {  	_ =	shalt  }
0x5b: {  	_ =	shalt  }
0x5c: {  	_ =	shalt  }
0x5d: {  	_ =	shalt  }
0x5e: {  	_ =	shalt  }
0x5f: {  	_ =	shalt  }
0x60: {  	_ =	shalt  }
0x61: {  	_ =	shalt  }
0x62: {  	_ =	shalt  }
0x63: {  	_ =	shalt  }
0x64: {  	_ =	shalt  }
0x65: {  	_ =	shalt  }
0x66: {  	_ =	shalt  }
0x67: {  	_ =	shalt  }
0x68: {  	_ =	shalt  }
0x69: {  	_ =	shalt  }
0x6a: {  	_ =	shalt  }
0x6b: {  	_ =	shalt  }
0x6c: {  	_ =	shalt  }
0x6d: {  	_ =	shalt  }
0x6e: {  	_ =	shalt  }
0x6f: {  	_ =	shalt  }
0x70: {  	_ =	shalt  }
0x71: {  	_ =	shalt  }
0x72: {  	_ =	shalt  }
0x73: {  	_ =	shalt  }
0x74: {  	_ =	shalt  }
0x75: {  	_ =	shalt  }
0x76: {  	_ =	shalt  }
0x77: {  	_ =	shalt  }
0x78: {  	_ =	shalt  }
0x79: {  	_ =	shalt  }
0x7a: {  	_ =	shalt  }
0x7b: {  	_ =	shalt  }
0x7c: {  	_ =	shalt  }
0x7d: {  	_ =	shalt  }
0x7e: {  	_ =	shalt  }
0x7f: {  	_ =	shalt  }
0x80: {  	_ =	shalt  }
0x81: {  	_ =	shalt  }
0x82: {  	_ =	shalt  }
0x83: {  	_ =	shalt  }
0x84: {  	_ =	shalt  }
0x85: {  	_ =	shalt  }
0x86: {  	_ =	shalt  }
0x87: {  	_ =	shalt  }
.Lfunc_end0:
.L_simem_size_0:
called_computation_lowered:
.L_overlay_start_0:
0x88: {  	s2 =	sld [smem:$0x3FD9]  }
0x89: {  	s3 =	sld [smem:$0x3FFE];
	_ =	sdelay $0x1  }
0x8a: {  	s1 =	srdreg.scid  }
0x8b: {  	s0 =	sand.u32 $0x1, s1  }
0x8c: {  	s18 =	sshll.u32 s0, $0xA;
	s2 =	sadd.s32 s3, s2  }
0x8d: {  	s2 =	sadd.s32 s2, s18  }
0x8e: {  	[smem:$0x3FC5] =	sst s2  }
0x8f: {  	_ = 	snop  }
0x90: {  	s2 =	sld [smem:$0x3FC9]  }
0x91: {  	s19 =	sld [smem:$0x3FC8]  }
0x92: {  	s4 =	sld [smem:$0x3FC7]  }
0x93: {  	s5 =	sld [smem:$0x3FD0];
	(tm) =	ssettm $0x1  }
0x94: {  	s6 =	sld [smem:$0x3FFB];
	_ =	sdelay $0x3  }
0x95: {  	_ =	strace s6  }
0x96: {  	s6 =	sld [smem:$0x3FFC];
	_ =	sdelay $0x3  }
0x97: {  	_ =	strace s6  }
0x98: {  	s6 =	sld [smem:$0x3FFD];
	_ =	sdelay $0x3  }
0x99: {  	_ =	strace s6  }
0x9a: {  	_ =	strace $0x8FFFFFFF  }
0x9b: {  	s20 =	sld [smem:$0x3FDB];
	_ =	sdelay $0x1  }
0x9c: {  	s7 =	simm.s32 $_scs_section_size  }
0x9d: {  	s8 =	simm.s32 $_size__tile_overlayer_lowered;
	s9 =	simm.s32 $_tile_overlayer_lowered  }
0x9e: {  	s23 =	simm.s32 $0x1BFF;
	s22 =	sshll.u32 s9, $0x1;
	s6 =	sadd.s32 s7, s20  }
0x9f: {  	s10 =	simm.s32 $0x0;
	s21 =	sshll.u32 s8, $0x1;
	s8 =	sadd.s32 s22, s6  }
0xa0: {  	[timem:s10], [sflag:s23] =	dma.local [hbm:s8], s21  }
0xa1: {  	_ =	swait.ge [sflag:s23], s21  }
0xa2: {  	s7 =	ssub.s32 $0x0, s21;
	[sflag:s23] =	ssyncset.done $0x0  }
0xa3: {  	[sflag:s23] =	ssyncadd.s32 s7;
	_ =	sdelay $0x1  }
0xa4: {  	s24 =	simm.s32 $0x1B8B  }
0xa5: {  	_ =	swait.ge [sflag:s24], $0x1  }
0xa6: {  	[sflag:s24] =	ssyncset.done $0x0  }
0xa7: {  	s25 =	simm.s32 $0x1B8E;
	[sflag:s24] =	ssyncadd.s32 $0xFFFFFFFF  }
0xa8: {  	s26 =	simm.s32 $execute0_lowered;
	[smem:$0x3FD2] =	sst s25  }
0xa9: {  	s7 =	sshll.u32 s26, $0x1;
	_ =	strace $0x80000046;
	[dreg:$0x1] =	wrdreg $0xFFFFFFFF  }
0xaa: {  	s28 =	simm.s32 $_size_execute0_lowered;
	s6 =	sadd.s32 s6, s7;
	[dreg:$0x0] =	wrdreg $0x0  }
0xab: {  	s7 =	sshll.u32 s28, $0x1;
	[dreg:$0x2] =	wrdreg s6  }
0xac: {  	[dreg:$0x3] =	wrdreg s7  }
0xad: {  	[dreg:$0x4] =	wrdreg $0xC0  }
0xae: {  	_ =	task [dreg:s10], $0x5FFFF  }
0xaf: {  	[dreg:$0x1] =	wrdreg $0xFFFFFFFF  }
0xb0: {  	[dreg:$0x0] =	wrdreg $0x60  }
0xb1: {  	[dreg:$0x2] =	wrdreg s2  }
0xb2: {  	[dreg:$0x3] =	wrdreg s19  }
0xb3: {  	[dreg:$0x4] =	wrdreg s4  }
0xb4: {  	[dreg:$0x5] =	wrdreg s5  }
0xb5: {  	[dreg:$0x6] =	wrdreg $0xCB000  }
0xb6: {  	[dreg:$0x7] =	wrdreg $0x9  }
0xb7: {  	_ =	task.clear_ibuf [dreg:s10], $0x8FFFF;
	_ =	strace $0x90000046  }
0xb8: {  	s29 =	simm.s32 $0x9;
	_ =	strace $0x80000048  }
0xb9: {  	_ =	swait.ge [sflag:s29], $0x1  }
0xba: {  	[sflag:s29] =	ssyncadd.s32 $0xFFFFFFFF  }
0xbb: {  	_ =	strace $0x90000048  }
0xbc: {  	_ =	sfence  }
0xbd: {  	s30 =	sld [smem:$0x0];
	_ =	sdelay $0x2  }
0xbe: {  	s31 =	sshll.u32 s1, $0xD;
	s1 =	sshrl.u32 s1, $0x2  }
0xbf: {  	s3 =	sand.u32 $0x4000, s31;
	s1 =	sadd.s32 s1, s30  }
0xc0: {  	s0 =	sor.u32 s3, s0;
	s1 =	sshll.u32 s1, $0x11  }
0xc1: {  	s0 =	sor.u32 s1, s0  }
0xc2: {  	s0 =	sadd.s32 $0x8F2B, s0  }
0xc3: {  	[sflag:s0] =	ssyncadd.remote.s32 $0x1  }
0xc4: {  	_ =	sfence.sel $0xFFFF  }
0xc5: {  	[dreg:$0x0] =	wrdreg $0xFFFFFFFF;
	(pc) =	sbr.abs _section_cstart, $3  }
0xc6: {  	[dreg:$0x1] =	wrdreg $0xFFFFFFFF  }
0xc7: {  	_ =	task.clear_ibuf [dreg:s10], $0x2FFFF;
	_ =	strace $0x9FFFFFFF  }
0xc8: {  	(tm) =	ssettm $0x7FFFFFFF  }
0xc9: {  	_ =	shalt  }
tec
execute0_lowered:
.L_overlay_start_1:
0x0: {  	(tag) =	ssettag $0x1  }
0x1: {  	s0 =	rddreg [dreg:$0x0]  }
0x2: {  	s1 =	rddreg [dreg:$0x1]  }
0x3: {  	s2 =	rddreg [dreg:$0x2]  }
0x4: {  	s3 =	rddreg [dreg:$0x3]  }
0x5: {  	s4 =	rddreg [dreg:$0x4]  }
0x6: {  	s5 =	simm.s32 $0x0;
	s6 =	srdreg.scid;
	s12 =	stileid.u32  }
0x7: {  	s30 =	simm.s32 $0x9E00;
	s31 =	simm.s32 $0x2;
	s28 =	simm.s32 $0x800  }
0x8: {  	s29 =	simm.s32 $0xBA00;
	[smem:$0x7FF] =	sst s5;
	s6 =	sand.u32 $0x1, s6  }
0x9: {  	s7 =	sshrl.u32 s12, $0x1;
	s9 =	sshll.u32 s12, $0x9;
	s22 =	smul.u32 $0x50, s12  }
0xa: {  	s23 =	sshll.u32 s12, $0xB;
	s12 =	simm.s32 $0x0;
	s7 =	smul.u32 $0x13C00, s7  }
0xb: {  	s8 =	ssub.s32 $0x2, s6;
	s6 =	smul.u32 $0x27100, s6;
	s11 =	sand.u32 $0x200, s9  }
0xc: {  	_ =	strace $0x80000047;
	s9 =	sshrl.u32 s9, $0x2;
	s13 =	sadd.s32 s23, s4  }
0xd: {  	s23 =	simm.s32 $0xA;
	s10 =	sshrl.u32 s8, $0x1;
	s14 =	sadd.s32 s9, s4  }
0xe: {  	s9 =	simm.s32 $0x7;
	s8 =	ssub.s32 s8, s10;
	s7 =	sor.u32 s11, s7  }
0xf: {  	s25 =	sshrl.u32 s6, $0x3;
	s26 =	sadd.s32 $0x500, s6;
	s15 =	sadd.s32 s6, s22  }
0x10: {  	s10 =	simm.s32 $0xCA80;
	s7 =	sshrl.u32 s7, $0x3;
	s16 =	sadd.s32 s1, s25  }
0x11: {  	s17 =	sshrl.u32 s26, $0x3;
	s18 =	sadd.s32 s2, s25;
	s20 =	sadd.s32 $0x140, s25  }
0x12: {  	s24 =	sshrl.u32 s15, $0x3;
	s0 =	sadd.s32 s0, s7;
	[dreg:$0x7] =	wrdreg s16  }
0x13: {  	[dreg:$0x8] =	wrdreg s18;
	s19 =	sadd.s32 s1, s17;
	s21 =	sadd.s32 s1, s20  }
0x14: {  	s7 =	sadd.s32 s2, s20;
	s16 =	sadd.s32 $0xF00, s6;
	s18 =	sadd.s32 $0x8000, s14  }
0x15: {  	s4 =	sadd.s32 s3, s24;
	s20 =	sadd.s32 s22, s26;
	[dreg:$0x6] =	wrdreg s0  }
0x16: {  	s26 =	smax.u32 s8, $0x1;
	s24 =	simm.s32 $0x80;
	[dreg:$0x9] =	wrdreg s19  }
0x17: {  	s8 =	simm.s32 $0xCA00;
	s0 =	sadd.s32 s2, s17;
	[dreg:$0xb] =	wrdreg s21  }
0x18: {  	[dreg:$0xc] =	wrdreg s7;
	s17 =	sadd.s32 $0x8000, s13;
	s19 =	sadd.s32 $0x1400, s6  }
0x19: {  	s25 =	sadd.s32 $0x4D80, s4;
	[dreg:$0xe] =	wrdreg s26;
	s4 =	simm.s32 $0xB200  }
0x1a: {  	s26 =	simm.s32 $0x5;
	s7 =	simm.s32 $0x6;
	[dreg:$0xa] =	wrdreg s0  }
0x1b: {  	[dreg:$0xd] =	wrdreg s25;
	s0 =	simm.s32 $0x3;
	s25 =	simm.s32 $0x4  }
.LBB2_1:
0x1c: {  	[dreg:$0xf] =	wrdreg s12  }
0x1d: {  	s6 =	rddreg [dreg:$0x6];
	s11 =	simm.s32 $0x200;
	s21 =	simm.s32 $0x400  }
0x1e: {  	[tilespmem:s5], [sflag:$0x1] =	stream.strided.gather [hbm4b:s6+s11], $0x9E00, s21, s11, $0x38;
	[tilespmem:$0xDB00] =	vst v63  }
0x1f: {  	s22 =	rddreg [dreg:$0x7]  }
0x20: {  	[tilespmem:s30], [sflag:$0x2] =	stream.linear.gather [hbm4b:s22+s5], $0x500, $0x38;
	[tilespmem:$0xDB00] =	vst v63  }
0x21: {  	s12 =	simm.s32 $0xA300;
	s11 =	rddreg [dreg:$0x8]  }
0x22: {  	[tilespmem:s12], [sflag:$0x3] =	stream.linear.gather [hbm4b:s11+s5], $0x500, $0x38;
	[tilespmem:$0xDB00] =	vst v63  }
0x23: {  	s21 =	rddreg [dreg:$0x9];
	s22 =	simm.s32 $0xA800  }
0x24: {  	[tilespmem:s22], [sflag:$0x4] =	stream.linear.gather [hbm4b:s21+s5], $0x500, $0x38;
	[tilespmem:$0xDB00] =	vst v63  }
0x25: {  	s11 =	rddreg [dreg:$0xa];
	s12 =	simm.s32 $0xAD00;
	s21 =	simm.s32 $0x1  }
0x26: {  	[tilespmem:s12], [sflag:$0x5] =	stream.linear.gather [hbm4b:s11+s5], $0x500, $0x38;
	[tilespmem:$0xDB00] =	vst v63  }
0x27: {  	_ =	swait.ge [sflag:s21], $0x9E00  }
0x28: {  	[sflag:s21] =	ssyncset.done $0x0  }
0x29: {  	[sflag:s21] =	ssyncadd.s32 $0xFFFF6200  }
0x2a: {  	_ =	swait.ge [sflag:s31], $0x500  }
0x2b: {  	[sflag:s31] =	ssyncset.done $0x0  }
0x2c: {  	[sflag:s31] =	ssyncadd.s32 $0xFFFFFB00  }
0x2d: {  	_ =	swait.ge [sflag:s0], $0x500  }
0x2e: {  	[sflag:s0] =	ssyncset.done $0x0  }
0x2f: {  	s22 =	simm.s32 $0x40;
	[sflag:s0] =	ssyncadd.s32 $0xFFFFFB00  }
0x30: {  	v0 =	vld [tilespmem:s22+$0xA300]  }
0x31: {  	v1 =	vld [tilespmem:s22+$0xA2E0]  }
0x32: {  	v2 =	vld [tilespmem:s22+$0xA2D0]  }
0x33: {  	v7 =	vld [tilespmem:s22+$0x9DE0]  }
0x34: {  	v3 =	vld [tilespmem:s22+$0xA2F0]  }
0x35: {  	v8 =	vld [tilespmem:s22+$0x9DF0]  }
0x36: {  	v15 =	vld [tilespmem:s22+$0x9DC0];
	v5 =	vshll.u32 v0, $0x2  }
0x37: {  	v4 =	vld [tilespmem:s22+$0x9E00];
	v6 =	vand.u32 $0x7F, v1;
	v1 =	vshll.u32 v1, $0x2;
	v0 =	vand.u32 $0x7F, v0  }
0x38: {  	v9 =	vshll.u32 v2, $0x2;
	v21 =	vand.u32 $0x7F, v7;
	v5 =	vand.u32 $0xFFFFFE00, v5  }
0x39: {  	v13 =	vshll.u32 v3, $0x2;
	v1 =	vand.u32 $0xFFFFFE00, v1;
	v10 =	vor.u32 v0, v5  }
0x3a: {  	v17 =	vand.u32 $0x7F, v3;
	v3 =	vand.u32 $0x7F, v8;
	v1 =	vor.u32 v6, v1  }
0x3b: {  	v14 =	vld [tilespmem:s22+$0xA2C0];
	v22 =	vshll.u32 v7, $0x2;
	v25 =	vshll.u32 v15, $0x2;
	v11 =	vor.u32 $0x100, v10  }
0x3c: {  	v9 =	vand.u32 $0xFFFFFE00, v9;
	v6 =	vshll.u32 v4, $0x2;
	v5 =	vor.u32 $0x80, v10  }
0x3d: {  	v19 =	vld [tilespmem:s22+$0x9DD0];
	v12 =	vand.u32 $0xFFFFFE00, v6;
	v6 =	vshll.u32 v8, $0x2;
	v20 =	vor.u32 $0x180, v1  }
0x3e: {  	v0 =	vand.u32 $0x7F, v2;
	v2 =	vor.u32 $0x80, v1;
	v8 =	vand.u32 $0xFFFFFE00, v6;
	v6 =	vld.idx.msk [tilespmem:v10+s5+$0x0], $0xffff  }
0x3f: {  	v4 =	vand.u32 $0x7F, v4;
	v16 =	vor.u32 $0x100, v1;
	v23 =	vor.u32 v3, v8;
	v3 =	vld.idx.msk [tilespmem:v1+s5+$0x0], $0xffff  }
0x40: {  	v27 =	vand.u32 $0x7F, v14;
	v31 =	vor.u32 v0, v9;
	v29 =	vor.u32 v4, v12;
	v12 =	vld.idx.msk [tilespmem:v11+s5+$0x0], $0xffff  }
0x41: {  	v15 =	vand.u32 $0x7F, v15;
	v25 =	vand.u32 $0xFFFFFE00, v25;
	v1 =	vand.u32 $0xFFFFFE00, v13;
	v13 =	vld.idx.msk [tilespmem:v5+s5+$0x0], $0xffff  }
0x42: {  	v22 =	vand.u32 $0xFFFFFE00, v22;
	v25 =	vor.u32 v15, v25;
	v24 =	vor.u32 $0x100, v29;
	v8 =	vld.idx.msk [tilespmem:v20+s5+$0x0], $0xffff  }
0x43: {  	v30 =	vor.u32 v21, v22;
	v26 =	vor.u32 $0x180, v10;
	v22 =	vor.u32 $0x80, v25;
	v7 =	vld.idx.msk [tilespmem:v2+s5+$0x0], $0xffff  }
0x44: {  	v21 =	vor.u32 $0x100, v25;
	v34 =	vor.u32 $0x80, v30;
	v32 =	vor.u32 $0x80, v29;
	v9 =	vld.idx.msk [tilespmem:v16+s5+$0x0], $0xffff  }
0x45: {  	v35 =	vor.u32 $0x100, v30;
	v36 =	vor.u32 $0x180, v29;
	v0 =	vor.u32 $0x80, v23;
	v10 =	vld.idx.msk [tilespmem:v31+s5+$0x0], $0xffff  }
0x46: {  	v4 =	vor.u32 $0x100, v23;
	v18 =	vor.u32 $0x180, v23;
	v17 =	vor.u32 v17, v1;
	v20 =	vld.idx.msk [tilespmem:v23+s5+$0x0], $0xffff  }
0x47: {  	v1 =	vshll.u32 v14, $0x2;
	v14 =	vor.u32 $0x80, v31;
	v11 =	vor.u32 $0x180, v31;
	v23 =	vld.idx.msk [tilespmem:v24+s5+$0x0], $0xffff  }
0x48: {  	v16 =	vshll.u32 v19, $0x2;
	v19 =	vand.u32 $0x7F, v19;
	v28 =	vand.u32 $0xFFFFFE00, v1;
	v24 =	vld.idx.msk [tilespmem:v29+s5+$0x0], $0xffff  }
0x49: {  	v2 =	vor.u32 $0x80, v17;
	v1 =	vor.u32 $0x100, v31;
	v16 =	vand.u32 $0xFFFFFE00, v16;
	v37 =	vld.idx.msk [tilespmem:v32+s5+$0x0], $0xffff  }
0x4a: {  	v5 =	vor.u32 $0x180, v17;
	v16 =	vor.u32 v19, v16;
	v27 =	vor.u32 v27, v28;
	v0 =	vld.idx.msk [tilespmem:v0+s5+$0x0], $0xffff  }
0x4b: {  	v28 =	vor.u32 $0x180, v30;
	v4 =	vld.idx.msk [tilespmem:v4+s5+$0x0], $0xffff;
	v31 =	vor.u32 $0x80, v27;
	v19 =	vor.u32 $0x80, v16  }
0x4c: {  	s11 =	simm.s32 $0x240;
	s12 =	simm.s32 $0xB220;
	s22 =	simm.s32 $0xB220;
	v15 =	vor.u32 $0x100, v16;
	v33 =	vor.u32 $0x100, v27;
	v32 =	vor.u32 $0x180, v27;
	v29 =	vld.idx.msk [tilespmem:v17+s5+$0x0], $0xffff  }
.LBB2_2:
0x4d: {  	p0 =	sne.s32 s11, $0x13C0  }
0x4e: {  	v18 =	vld.idx.msk [tilespmem:v18+s5+$0x0], $0xffff;
	s22 =	sadd.s32 $0x80, s22;
	s21 =	smov.u32 s11;
	s11 =	sadd.s32 $0x140, s11  }
0x4f: {  	v38 =	vor.u32 $0x180, v25;
	v30 =	vld.idx.msk [tilespmem:v30+s5+$0x0], $0xffff  }
0x50: {  	v17 =	vor.u32 $0x100, v17;
	v26 =	vld.idx.msk [tilespmem:v26+s5+$0x0], $0xffff  }
0x51: {  	v36 =	vld.idx.msk [tilespmem:v36+s5+$0x0], $0xffff  }
0x52: {  	v12 =	vmul.bf16 v12, v23;
	v27 =	vld.idx.msk [tilespmem:v27+s5+$0x0], $0xffff  }
0x53: {  	v20 =	vmul.bf16 v29, v20;
	v23 =	vld.idx.msk [tilespmem:v28+s5+$0x0], $0xffff  }
0x54: {  	v6 =	vmul.bf16 v6, v24;
	v13 =	vmul.bf16 v13, v37;
	v24 =	vld.idx.msk [tilespmem:v31+s5+$0x0], $0xffff  }
0x55: {  	v25 =	vld.idx.msk [tilespmem:v25+s5+$0x0], $0xffff  }
0x56: {  	v29 =	vor.u32 $0x180, v16;
	v6 =	vadd.bf16 v13, v6;
	v28 =	vld.idx.msk [tilespmem:v33+s5+$0x0], $0xffff  }
0x57: {  	v13 =	vld.idx.msk [tilespmem:v34+s5+$0x0], $0xffff  }
0x58: {  	v33 =	vunpack.i.u.bf16.f32 v6;
	v31 =	vld.idx.msk [tilespmem:v35+s5+$0x0], $0xffff  }
0x59: {  	v3 =	vmul.bf16 v3, v30;
	v6 =	vunpack.i.l.bf16.f32 v6;
	v8 =	vmul.bf16 v8, v23;
	v30 =	vld.idx.msk [tilespmem:v32+s5+$0x0], $0xffff  }
0x5a: {  	v6 =	vadd.f32 v6, v33;
	v14 =	vld.idx.msk [tilespmem:v14+s5+$0x0], $0xffff  }
0x5b: {  	v23 =	vmul.bf16 v27, v25;
	v25 =	vld.idx.msk [tilespmem:v38+s5+$0x0], $0xffff  }
0x5c: {  	v11 =	vld.idx.msk [tilespmem:v11+s5+$0x0], $0xffff  }
0x5d: {  	v7 =	vmul.bf16 v7, v13;
	v22 =	vld.idx.msk [tilespmem:v22+s5+$0x0], $0xffff  }
0x5e: {  	v9 =	vmul.bf16 v9, v31;
	v13 =	vld.idx.msk [tilespmem:v21+s5+$0x0], $0xffff  }
0x5f: {  	v3 =	vadd.bf16 v7, v3;
	v16 =	vld.idx.msk [tilespmem:v16+s5+$0x0], $0xffff  }
0x60: {  	v8 =	vadd.bf16 v8, v9;
	v7 =	vld.idx.msk [tilespmem:v19+s5+$0x0], $0xffff  }
0x61: {  	v19 =	vunpack.i.u.bf16.f32 v3;
	v3 =	vunpack.i.l.bf16.f32 v3;
	v9 =	vld.idx.msk [tilespmem:v17+s5+$0x0], $0xffff;
	v17 =	vmul.bf16 v30, v25  }
0x62: {  	v21 =	vunpack.i.u.bf16.f32 v8;
	v8 =	vunpack.i.l.bf16.f32 v8;
	v3 =	vadd.f32 v3, v19;
	v5 =	vld.idx.msk [tilespmem:v5+s5+$0x0], $0xffff  }
0x63: {  	v19 =	vmul.bf16 v24, v22;
	v8 =	vadd.f32 v8, v21;
	v2 =	vld.idx.msk [tilespmem:v2+s5+$0x0], $0xffff  }
0x64: {  	v13 =	vmul.bf16 v28, v13;
	v15 =	vld.idx.msk [tilespmem:v15+s5+$0x0], $0xffff  }
0x65: {  	v10 =	vmul.bf16 v10, v16;
	v19 =	vadd.bf16 v19, v23;
	v3 =	vadd.f32 v8, v3;
	v16 =	vld.idx.msk [tilespmem:v29+s5+$0x0], $0xffff  }
0x66: {  	v7 =	vmul.bf16 v14, v7;
	v8 =	vadd.bf16 v17, v13;
	v1 =	vld.idx.msk [tilespmem:v1+s5+$0x0], $0xffff  }
0x67: {  	v4 =	vmul.bf16 v9, v4;
	v9 =	vunpack.i.l.bf16.f32 v19;
	[tilespmem:s12+$0x0] =	vst v3  }
0x68: {  	v3 =	vmul.bf16 v5, v18;
	v5 =	vunpack.i.u.bf16.f32 v19;
	v13 =	vunpack.i.l.bf16.f32 v8  }
0x69: {  	v7 =	vadd.bf16 v7, v10;
	v5 =	vadd.f32 v9, v5  }
0x6a: {  	v8 =	vunpack.i.u.bf16.f32 v8;
	v9 =	vmul.bf16 v26, v36;
	v3 =	vadd.bf16 v3, v4  }
0x6b: {  	v0 =	vmul.bf16 v2, v0;
	v2 =	vadd.f32 v13, v8;
	v4 =	vunpack.i.l.bf16.f32 v7  }
0x6c: {  	v7 =	vunpack.i.u.bf16.f32 v7;
	v8 =	vmul.bf16 v11, v16;
	v9 =	vadd.bf16 v9, v12  }
0x6d: {  	v2 =	vadd.f32 v2, v5;
	v0 =	vadd.bf16 v0, v20;
	v1 =	vmul.bf16 v1, v15  }
0x6e: {  	v4 =	vadd.f32 v4, v7;
	v5 =	vunpack.i.u.bf16.f32 v9;
	v7 =	vunpack.i.l.bf16.f32 v9  }
0x6f: {  	v1 =	vadd.bf16 v8, v1;
	v5 =	vadd.f32 v7, v5;
	[tilespmem:s12+$0xFFFFFFE0] =	vst v2;
	v2 =	vunpack.i.u.bf16.f32 v0  }
0x70: {  	v7 =	vunpack.i.u.bf16.f32 v3;
	v3 =	vunpack.i.l.bf16.f32 v3  }
0x71: {  	v8 =	vunpack.i.u.bf16.f32 v1;
	v0 =	vunpack.i.l.bf16.f32 v0;
	v5 =	vadd.f32 v5, v6  }
0x72: {  	v1 =	vunpack.i.l.bf16.f32 v1;
	v0 =	vadd.f32 v0, v2;
	v2 =	vadd.f32 v3, v7  }
0x73: {  	v1 =	vadd.f32 v1, v8;
	[tilespmem:s12+$0x20] =	vst v5  }
0x74: {  	v0 =	vadd.f32 v2, v0  }
0x75: {  	v1 =	vadd.f32 v1, v4  }
0x76: {  	[tilespmem:s12+$0x10] =	vst v0  }
0x77: {  	s6 =	sshra.s32 s21, $0x2;
	[tilespmem:s12+$0xFFFFFFF0] =	vst v1;
	s12 =	smov.u32 s22  }
0x78: {  	v0 =	vld [tilespmem:s6+$0xA300]  }
0x79: {  	v1 =	vld [tilespmem:s6+$0xA2E0]  }
0x7a: {  	v2 =	vld [tilespmem:s6+$0xA2D0]  }
0x7b: {  	v3 =	vld [tilespmem:s6+$0x9DF0]  }
0x7c: {  	v4 =	vld [tilespmem:s6+$0xA2F0]  }
0x7d: {  	v5 =	vld [tilespmem:s6+$0x9E00];
	v6 =	vshll.u32 v0, $0x2  }
0x7e: {  	v0 =	vand.u32 $0x7F, v0;
	v7 =	vld [tilespmem:s6+$0x9DE0];
	v8 =	vand.u32 $0x7F, v1;
	v1 =	vshll.u32 v1, $0x2  }
0x7f: {  	v6 =	vand.u32 $0xFFFFFE00, v6;
	v10 =	vld [tilespmem:s6+$0x9DC0];
	v9 =	vshll.u32 v2, $0x2;
	v1 =	vand.u32 $0xFFFFFE00, v1  }
0x80: {  	v16 =	vor.u32 v0, v6;
	v15 =	vld [tilespmem:s6+$0x9DD0];
	v9 =	vand.u32 $0xFFFFFE00, v9;
	v1 =	vor.u32 v8, v1  }
0x81: {  	v0 =	vand.u32 $0x7F, v2;
	v8 =	vor.u32 $0x80, v16;
	v2 =	vor.u32 $0x80, v1  }
0x82: {  	v11 =	vor.u32 $0x100, v16;
	v19 =	vor.u32 $0x100, v1;
	v6 =	vshll.u32 v5, $0x2  }
0x83: {  	v13 =	vshll.u32 v4, $0x2;
	v21 =	vand.u32 $0x7F, v7;
	v12 =	vand.u32 $0xFFFFFE00, v6  }
0x84: {  	v4 =	vand.u32 $0x7F, v4;
	v20 =	vor.u32 $0x180, v1;
	v6 =	vshll.u32 v3, $0x2;
	v14 =	vld [tilespmem:s6+$0xA2C0]  }
0x85: {  	v5 =	vand.u32 $0x7F, v5;
	v3 =	vand.u32 $0x7F, v3;
	v17 =	vand.u32 $0xFFFFFE00, v6;
	v6 =	vld.idx.msk [tilespmem:v16+s5+$0x0], $0xffff  }
0x86: {  	v22 =	vshll.u32 v7, $0x2;
	v23 =	vor.u32 v3, v17;
	v3 =	vld.idx.msk [tilespmem:v1+s5+$0x0], $0xffff;
	v1 =	vand.u32 $0xFFFFFE00, v13  }
0x87: {  	v29 =	vor.u32 v5, v12;
	v28 =	vor.u32 $0x100, v23;
	v18 =	vor.u32 $0x180, v23;
	v12 =	vld.idx.msk [tilespmem:v11+s5+$0x0], $0xffff  }
0x88: {  	v31 =	vor.u32 v0, v9;
	v24 =	vor.u32 $0x100, v29;
	v0 =	vor.u32 $0x80, v23;
	v13 =	vld.idx.msk [tilespmem:v8+s5+$0x0], $0xffff  }
0x89: {  	v25 =	vshll.u32 v10, $0x2;
	v17 =	vor.u32 v4, v1;
	v27 =	vand.u32 $0x7F, v14;
	v8 =	vld.idx.msk [tilespmem:v20+s5+$0x0], $0xffff  }
0x8a: {  	v11 =	vor.u32 $0x180, v31;
	v1 =	vshll.u32 v14, $0x2;
	v14 =	vor.u32 $0x80, v31;
	v7 =	vld.idx.msk [tilespmem:v2+s5+$0x0], $0xffff  }
0x8b: {  	v4 =	vand.u32 $0xFFFFFE00, v1;
	v2 =	vor.u32 $0x80, v17;
	v1 =	vor.u32 $0x100, v31;
	v9 =	vld.idx.msk [tilespmem:v19+s5+$0x0], $0xffff  }
0x8c: {  	v32 =	vor.u32 $0x80, v29;
	v5 =	vor.u32 $0x180, v17;
	v19 =	vshll.u32 v15, $0x2;
	v20 =	vld.idx.msk [tilespmem:v23+s5+$0x0], $0xffff  }
0x8d: {  	v10 =	vand.u32 $0x7F, v10;
	v22 =	vand.u32 $0xFFFFFE00, v22;
	v25 =	vand.u32 $0xFFFFFE00, v25;
	v23 =	vld.idx.msk [tilespmem:v24+s5+$0x0], $0xffff  }
0x8e: {  	v26 =	vor.u32 $0x180, v16;
	v15 =	vand.u32 $0x7F, v15;
	v19 =	vand.u32 $0xFFFFFE00, v19;
	v0 =	vld.idx.msk [tilespmem:v0+s5+$0x0], $0xffff  }
.Ltmp0:
0x8f: {  	v30 =	vor.u32 v21, v22;
	v27 =	vor.u32 v27, v4;
	v16 =	vor.u32 v15, v19;
	v24 =	vld.idx.msk [tilespmem:v29+s5+$0x0], $0xffff;
	(pc) =	sbr.rel @p0 .LBB2_2-.Ltmp0, $4  }
0x90: {  	v36 =	vor.u32 $0x180, v29;
	v25 =	vor.u32 v10, v25;
	v4 =	vld.idx.msk [tilespmem:v28+s5+$0x0], $0xffff;
	v28 =	vor.u32 $0x180, v30  }
0x91: {  	v22 =	vor.u32 $0x80, v25;
	v21 =	vor.u32 $0x100, v25;
	v10 =	vld.idx.msk [tilespmem:v31+s5+$0x0], $0xffff;
	v31 =	vor.u32 $0x80, v27  }
0x92: {  	v33 =	vor.u32 $0x100, v27;
	v19 =	vor.u32 $0x80, v16;
	v15 =	vor.u32 $0x100, v16;
	v29 =	vld.idx.msk [tilespmem:v17+s5+$0x0], $0xffff  }
0x93: {  	v34 =	vor.u32 $0x80, v30;
	v35 =	vor.u32 $0x100, v30;
	v37 =	vld.idx.msk [tilespmem:v32+s5+$0x0], $0xffff;
	v32 =	vor.u32 $0x180, v27  }
0x94: {  	_ =	sdelay $0x3  }
0x95: {  	v18 =	vld.idx.msk [tilespmem:v18+s5+$0x0], $0xffff  }
0x96: {  	v30 =	vld.idx.msk [tilespmem:v30+s5+$0x0], $0xffff  }
0x97: {  	v26 =	vld.idx.msk [tilespmem:v26+s5+$0x0], $0xffff  }
0x98: {  	v36 =	vld.idx.msk [tilespmem:v36+s5+$0x0], $0xffff  }
0x99: {  	v27 =	vld.idx.msk [tilespmem:v27+s5+$0x0], $0xffff  }
0x9a: {  	v28 =	vld.idx.msk [tilespmem:v28+s5+$0x0], $0xffff  }
0x9b: {  	v31 =	vld.idx.msk [tilespmem:v31+s5+$0x0], $0xffff  }
0x9c: {  	v38 =	vld.idx.msk [tilespmem:v25+s5+$0x0], $0xffff  }
0x9d: {  	v33 =	vld.idx.msk [tilespmem:v33+s5+$0x0], $0xffff  }
0x9e: {  	v34 =	vld.idx.msk [tilespmem:v34+s5+$0x0], $0xffff  }
0x9f: {  	v35 =	vld.idx.msk [tilespmem:v35+s5+$0x0], $0xffff  }
0xa0: {  	v14 =	vld.idx.msk [tilespmem:v14+s5+$0x0], $0xffff  }
0xa1: {  	v40 =	vld.idx.msk [tilespmem:v22+s5+$0x0], $0xffff  }
0xa2: {  	v21 =	vld.idx.msk [tilespmem:v21+s5+$0x0], $0xffff  }
0xa3: {  	v43 =	vld.idx.msk [tilespmem:v16+s5+$0x0], $0xffff  }
0xa4: {  	v6 =	vmul.bf16 v6, v24;
	v19 =	vld.idx.msk [tilespmem:v19+s5+$0x0], $0xffff  }
0xa5: {  	v12 =	vmul.bf16 v12, v23;
	v5 =	vld.idx.msk [tilespmem:v5+s5+$0x0], $0xffff;
	v20 =	vmul.bf16 v29, v20  }
0xa6: {  	v2 =	vld.idx.msk [tilespmem:v2+s5+$0x0], $0xffff;
	v13 =	vmul.bf16 v13, v37;
	v3 =	vmul.bf16 v3, v30  }
0xa7: {  	v63 =	vor.u32 $0x180, v25;
	v15 =	vld.idx.msk [tilespmem:v15+s5+$0x0], $0xffff;
	v7 =	vmul.bf16 v7, v34;
	v8 =	vmul.bf16 v8, v28  }
0xa8: {  	v1 =	vld.idx.msk [tilespmem:v1+s5+$0x0], $0xffff;
	v9 =	vmul.bf16 v9, v35;
	v44 =	vmul.bf16 v27, v38  }
0xa9: {  	v17 =	vor.u32 $0x100, v17;
	v21 =	vmul.bf16 v33, v21;
	v10 =	vmul.bf16 v10, v43  }
0xaa: {  	v41 =	vor.u32 $0x180, v16;
	v50 =	vmul.bf16 v14, v19;
	v5 =	vmul.bf16 v5, v18  }
0xab: {  	v32 =	vld.idx.msk [tilespmem:v32+s5+$0x0], $0xffff;
	v54 =	vmul.bf16 v26, v36;
	v0 =	vmul.bf16 v2, v0;
	v6 =	vadd.bf16 v13, v6  }
0xac: {  	v39 =	vld.idx.msk [tilespmem:v63+s5+$0x0], $0xffff;
	v13 =	vmul.bf16 v31, v40;
	v3 =	vadd.bf16 v7, v3;
	v8 =	vadd.bf16 v8, v9  }
0xad: {  	v11 =	vld.idx.msk [tilespmem:v11+s5+$0x0], $0xffff;
	v1 =	vmul.bf16 v1, v15;
	v9 =	vadd.bf16 v54, v12;
	v0 =	vadd.bf16 v0, v20  }
0xae: {  	v45 =	vld.idx.msk [tilespmem:v17+s5+$0x0], $0xffff;
	v42 =	vunpack.i.u.bf16.f32 v6;
	v6 =	vunpack.i.l.bf16.f32 v6;
	v7 =	vadd.bf16 v13, v44  }
0xaf: {  	v49 =	vld.idx.msk [tilespmem:v41+s5+$0x0], $0xffff;
	v47 =	vunpack.i.u.bf16.f32 v3;
	v3 =	vunpack.i.l.bf16.f32 v3;
	v48 =	vunpack.i.u.bf16.f32 v8  }
0xb0: {  	v8 =	vunpack.i.l.bf16.f32 v8;
	v6 =	vadd.f32 v6, v42;
	v61 =	vunpack.i.u.bf16.f32 v0  }
0xb1: {  	v0 =	vunpack.i.l.bf16.f32 v0;
	v46 =	vmul.bf16 v32, v39;
	v3 =	vadd.f32 v3, v47  }
0xb2: {  	v8 =	vadd.f32 v8, v48;
	v52 =	vunpack.i.l.bf16.f32 v7;
	v7 =	vunpack.i.u.bf16.f32 v7  }
0xb3: {  	v4 =	vmul.bf16 v45, v4;
	v0 =	vadd.f32 v0, v61;
	v7 =	vadd.f32 v52, v7  }
0xb4: {  	v58 =	vmul.bf16 v11, v49;
	v3 =	vadd.f32 v8, v3;
	v51 =	vadd.bf16 v46, v21  }
0xb5: {  	v59 =	vunpack.i.u.bf16.f32 v9;
	v8 =	vadd.bf16 v50, v10;
	v4 =	vadd.bf16 v5, v4  }
0xb6: {  	v1 =	vadd.bf16 v58, v1;
	v53 =	vunpack.i.l.bf16.f32 v51;
	v55 =	vunpack.i.u.bf16.f32 v51  }
0xb7: {  	v57 =	vunpack.i.l.bf16.f32 v8;
	v8 =	vunpack.i.u.bf16.f32 v8;
	v62 =	vunpack.i.u.bf16.f32 v4  }
0xb8: {  	v4 =	vunpack.i.l.bf16.f32 v4;
	v10 =	vunpack.i.u.bf16.f32 v1;
	v56 =	vadd.f32 v53, v55  }
0xb9: {  	v1 =	vunpack.i.l.bf16.f32 v1;
	v5 =	vadd.f32 v57, v8;
	v4 =	vadd.f32 v4, v62  }
0xba: {  	v60 =	vunpack.i.l.bf16.f32 v9;
	v1 =	vadd.f32 v1, v10;
	v2 =	vadd.f32 v56, v7  }
0xbb: {  	[tilespmem:s12+$0x0] =	vst v3;
	v7 =	vadd.f32 v60, v59;
	v0 =	vadd.f32 v4, v0  }
0xbc: {  	v1 =	vadd.f32 v1, v5;
	[tilespmem:s12+$0xFFFFFFE0] =	vst v2  }
0xbd: {  	v63 =	vadd.f32 v7, v6;
	[tilespmem:s12+$0x10] =	vst v0  }
0xbe: {  	[tilespmem:s12+$0xFFFFFFF0] =	vst v1  }
0xbf: {  	s22 =	simm.s32 $0x0;
	s6 =	rddreg [dreg:$0xb];
	[tilespmem:s12+$0x20] =	vst v63  }
0xc0: {  	[tilespmem:s30], [sflag:$0x2] =	stream.linear.gather [hbm4b:s6+s22], $0x500, $0x38;
	[tilespmem:$0xDB00] =	vst v63  }
0xc1: {  	s11 =	simm.s32 $0xA300;
	s30 =	rddreg [dreg:$0xc]  }
0xc2: {  	[tilespmem:s11], [sflag:$0x3] =	stream.linear.gather [hbm4b:s30+s22], $0x500, $0x38;
	[tilespmem:$0xDB00] =	vst v63  }
0xc3: {  	_ = 	snop  }
0xc4: {  	[spmem:s13] =	stream.linear.scatter [tilespmem:s4], [sflag:$0xA], $0x800, $0x38;
	[tilespmem:$0xDB00] =	vst v63  }
0xc5: {  	_ =	swait.ge [sflag:s23], $0x800  }
0xc6: {  	[sflag:s23] =	ssyncset.done $0x0  }
0xc7: {  	[sflag:s23] =	ssyncadd.s32 $0xFFFFF800  }
0xc8: {  	[bflag:$0x0] =	sbarrier.arrive $0xFFFF  }
0xc9: {  	[tilespmem:s29], [sflag:$0x6] =	stream.strided.gather [spmem:s14], $0x800, s28, s24, $0x38;
	[tilespmem:$0xDB00] =	vst v63  }
.LBB2_4:
0xca: {  	_ =	swait.ge [sflag:s25], $0x500  }
0xcb: {  	[sflag:s25] =	ssyncset.done $0x0  }
0xcc: {  	[sflag:s25] =	ssyncadd.s32 $0xFFFFFB00  }
0xcd: {  	_ =	swait.ge [sflag:s26], $0x500  }
0xce: {  	[sflag:s26] =	ssyncset.done $0x0  }
0xcf: {  	s6 =	simm.s32 $0x40;
	[sflag:s26] =	ssyncadd.s32 $0xFFFFFB00  }
0xd0: {  	v0 =	vld [tilespmem:s6+$0xAD00]  }
0xd1: {  	v1 =	vld [tilespmem:s6+$0xACE0]  }
0xd2: {  	v2 =	vld [tilespmem:s6+$0xACD0]  }
0xd3: {  	v7 =	vld [tilespmem:s6+$0xA7E0]  }
0xd4: {  	v3 =	vld [tilespmem:s6+$0xACF0]  }
0xd5: {  	v8 =	vld [tilespmem:s6+$0xA7F0]  }
0xd6: {  	v15 =	vld [tilespmem:s6+$0xA7C0];
	v5 =	vshll.u32 v0, $0x2  }
0xd7: {  	v4 =	vld [tilespmem:s6+$0xA800];
	v6 =	vand.u32 $0x7F, v1;
	v1 =	vshll.u32 v1, $0x2;
	v0 =	vand.u32 $0x7F, v0  }
0xd8: {  	v9 =	vshll.u32 v2, $0x2;
	v21 =	vand.u32 $0x7F, v7;
	v5 =	vand.u32 $0xFFFFFE00, v5  }
0xd9: {  	v13 =	vshll.u32 v3, $0x2;
	v1 =	vand.u32 $0xFFFFFE00, v1;
	v10 =	vor.u32 v0, v5  }
0xda: {  	v17 =	vand.u32 $0x7F, v3;
	v3 =	vand.u32 $0x7F, v8;
	v1 =	vor.u32 v6, v1  }
0xdb: {  	v14 =	vld [tilespmem:s6+$0xACC0];
	v22 =	vshll.u32 v7, $0x2;
	v25 =	vshll.u32 v15, $0x2;
	v11 =	vor.u32 $0x100, v10  }
0xdc: {  	v9 =	vand.u32 $0xFFFFFE00, v9;
	v6 =	vshll.u32 v4, $0x2;
	v5 =	vor.u32 $0x80, v10  }
0xdd: {  	v19 =	vld [tilespmem:s6+$0xA7D0];
	v12 =	vand.u32 $0xFFFFFE00, v6;
	v6 =	vshll.u32 v8, $0x2;
	v20 =	vor.u32 $0x180, v1  }
0xde: {  	v0 =	vand.u32 $0x7F, v2;
	v2 =	vor.u32 $0x80, v1;
	v8 =	vand.u32 $0xFFFFFE00, v6;
	v6 =	vld.idx.msk [tilespmem:v10+s5+$0x0], $0xffff  }
0xdf: {  	v4 =	vand.u32 $0x7F, v4;
	v16 =	vor.u32 $0x100, v1;
	v23 =	vor.u32 v3, v8;
	v3 =	vld.idx.msk [tilespmem:v1+s5+$0x0], $0xffff  }
0xe0: {  	v27 =	vand.u32 $0x7F, v14;
	v31 =	vor.u32 v0, v9;
	v29 =	vor.u32 v4, v12;
	v12 =	vld.idx.msk [tilespmem:v11+s5+$0x0], $0xffff  }
0xe1: {  	v15 =	vand.u32 $0x7F, v15;
	v25 =	vand.u32 $0xFFFFFE00, v25;
	v1 =	vand.u32 $0xFFFFFE00, v13;
	v13 =	vld.idx.msk [tilespmem:v5+s5+$0x0], $0xffff  }
0xe2: {  	v22 =	vand.u32 $0xFFFFFE00, v22;
	v25 =	vor.u32 v15, v25;
	v24 =	vor.u32 $0x100, v29;
	v8 =	vld.idx.msk [tilespmem:v20+s5+$0x0], $0xffff  }
0xe3: {  	v30 =	vor.u32 v21, v22;
	v26 =	vor.u32 $0x180, v10;
	v22 =	vor.u32 $0x80, v25;
	v7 =	vld.idx.msk [tilespmem:v2+s5+$0x0], $0xffff  }
0xe4: {  	v21 =	vor.u32 $0x100, v25;
	v34 =	vor.u32 $0x80, v30;
	v32 =	vor.u32 $0x80, v29;
	v9 =	vld.idx.msk [tilespmem:v16+s5+$0x0], $0xffff  }
0xe5: {  	v35 =	vor.u32 $0x100, v30;
	v36 =	vor.u32 $0x180, v29;
	v0 =	vor.u32 $0x80, v23;
	v10 =	vld.idx.msk [tilespmem:v31+s5+$0x0], $0xffff  }
0xe6: {  	v4 =	vor.u32 $0x100, v23;
	v18 =	vor.u32 $0x180, v23;
	v17 =	vor.u32 v17, v1;
	v20 =	vld.idx.msk [tilespmem:v23+s5+$0x0], $0xffff  }
0xe7: {  	v1 =	vshll.u32 v14, $0x2;
	v14 =	vor.u32 $0x80, v31;
	v11 =	vor.u32 $0x180, v31;
	v23 =	vld.idx.msk [tilespmem:v24+s5+$0x0], $0xffff  }
0xe8: {  	v16 =	vshll.u32 v19, $0x2;
	v19 =	vand.u32 $0x7F, v19;
	v28 =	vand.u32 $0xFFFFFE00, v1;
	v24 =	vld.idx.msk [tilespmem:v29+s5+$0x0], $0xffff  }
0xe9: {  	v2 =	vor.u32 $0x80, v17;
	v1 =	vor.u32 $0x100, v31;
	v16 =	vand.u32 $0xFFFFFE00, v16;
	v37 =	vld.idx.msk [tilespmem:v32+s5+$0x0], $0xffff  }
0xea: {  	v5 =	vor.u32 $0x180, v17;
	v16 =	vor.u32 v19, v16;
	v27 =	vor.u32 v27, v28;
	v0 =	vld.idx.msk [tilespmem:v0+s5+$0x0], $0xffff  }
0xeb: {  	v28 =	vor.u32 $0x180, v30;
	v4 =	vld.idx.msk [tilespmem:v4+s5+$0x0], $0xffff;
	v31 =	vor.u32 $0x80, v27;
	v19 =	vor.u32 $0x80, v16  }
0xec: {  	s30 =	simm.s32 $0xB220;
	s11 =	simm.s32 $0x240;
	s12 =	simm.s32 $0xB220;
	v15 =	vor.u32 $0x100, v16;
	v33 =	vor.u32 $0x100, v27;
	v32 =	vor.u32 $0x180, v27;
	v29 =	vld.idx.msk [tilespmem:v17+s5+$0x0], $0xffff  }
.LBB2_5:
0xed: {  	p0 =	sne.s32 s11, $0x13C0  }
0xee: {  	v18 =	vld.idx.msk [tilespmem:v18+s5+$0x0], $0xffff;
	s30 =	sadd.s32 $0x80, s30;
	s21 =	smov.u32 s11;
	s11 =	sadd.s32 $0x140, s11  }
0xef: {  	v38 =	vor.u32 $0x180, v25;
	v30 =	vld.idx.msk [tilespmem:v30+s5+$0x0], $0xffff  }
0xf0: {  	v17 =	vor.u32 $0x100, v17;
	v26 =	vld.idx.msk [tilespmem:v26+s5+$0x0], $0xffff  }
0xf1: {  	v36 =	vld.idx.msk [tilespmem:v36+s5+$0x0], $0xffff  }
0xf2: {  	v12 =	vmul.bf16 v12, v23;
	v27 =	vld.idx.msk [tilespmem:v27+s5+$0x0], $0xffff  }
0xf3: {  	v20 =	vmul.bf16 v29, v20;
	v23 =	vld.idx.msk [tilespmem:v28+s5+$0x0], $0xffff  }
0xf4: {  	v6 =	vmul.bf16 v6, v24;
	v13 =	vmul.bf16 v13, v37;
	v24 =	vld.idx.msk [tilespmem:v31+s5+$0x0], $0xffff  }
0xf5: {  	v25 =	vld.idx.msk [tilespmem:v25+s5+$0x0], $0xffff  }
0xf6: {  	v29 =	vor.u32 $0x180, v16;
	v6 =	vadd.bf16 v13, v6;
	v28 =	vld.idx.msk [tilespmem:v33+s5+$0x0], $0xffff  }
0xf7: {  	v13 =	vld.idx.msk [tilespmem:v34+s5+$0x0], $0xffff  }
0xf8: {  	v33 =	vunpack.i.u.bf16.f32 v6;
	v31 =	vld.idx.msk [tilespmem:v35+s5+$0x0], $0xffff  }
0xf9: {  	v3 =	vmul.bf16 v3, v30;
	v6 =	vunpack.i.l.bf16.f32 v6;
	v8 =	vmul.bf16 v8, v23;
	v30 =	vld.idx.msk [tilespmem:v32+s5+$0x0], $0xffff  }
0xfa: {  	v6 =	vadd.f32 v6, v33;
	v14 =	vld.idx.msk [tilespmem:v14+s5+$0x0], $0xffff  }
0xfb: {  	v23 =	vmul.bf16 v27, v25;
	v25 =	vld.idx.msk [tilespmem:v38+s5+$0x0], $0xffff  }
0xfc: {  	v11 =	vld.idx.msk [tilespmem:v11+s5+$0x0], $0xffff  }
0xfd: {  	v7 =	vmul.bf16 v7, v13;
	v22 =	vld.idx.msk [tilespmem:v22+s5+$0x0], $0xffff  }
0xfe: {  	v9 =	vmul.bf16 v9, v31;
	v13 =	vld.idx.msk [tilespmem:v21+s5+$0x0], $0xffff  }
0xff: {  	v3 =	vadd.bf16 v7, v3;
	v16 =	vld.idx.msk [tilespmem:v16+s5+$0x0], $0xffff  }
0x100: {  	v8 =	vadd.bf16 v8, v9;
	v7 =	vld.idx.msk [tilespmem:v19+s5+$0x0], $0xffff  }
0x101: {  	v19 =	vunpack.i.u.bf16.f32 v3;
	v3 =	vunpack.i.l.bf16.f32 v3;
	v9 =	vld.idx.msk [tilespmem:v17+s5+$0x0], $0xffff;
	v17 =	vmul.bf16 v30, v25  }
0x102: {  	v21 =	vunpack.i.u.bf16.f32 v8;
	v8 =	vunpack.i.l.bf16.f32 v8;
	v3 =	vadd.f32 v3, v19;
	v5 =	vld.idx.msk [tilespmem:v5+s5+$0x0], $0xffff  }
0x103: {  	v19 =	vmul.bf16 v24, v22;
	v8 =	vadd.f32 v8, v21;
	v2 =	vld.idx.msk [tilespmem:v2+s5+$0x0], $0xffff  }
0x104: {  	v13 =	vmul.bf16 v28, v13;
	v15 =	vld.idx.msk [tilespmem:v15+s5+$0x0], $0xffff  }
0x105: {  	v10 =	vmul.bf16 v10, v16;
	v19 =	vadd.bf16 v19, v23;
	v3 =	vadd.f32 v8, v3;
	v16 =	vld.idx.msk [tilespmem:v29+s5+$0x0], $0xffff  }
0x106: {  	v7 =	vmul.bf16 v14, v7;
	v8 =	vadd.bf16 v17, v13;
	v1 =	vld.idx.msk [tilespmem:v1+s5+$0x0], $0xffff  }
0x107: {  	v4 =	vmul.bf16 v9, v4;
	v9 =	vunpack.i.l.bf16.f32 v19;
	[tilespmem:s12+$0x0] =	vst v3  }
0x108: {  	v3 =	vmul.bf16 v5, v18;
	v5 =	vunpack.i.u.bf16.f32 v19;
	v13 =	vunpack.i.l.bf16.f32 v8  }
0x109: {  	v7 =	vadd.bf16 v7, v10;
	v5 =	vadd.f32 v9, v5  }
0x10a: {  	v8 =	vunpack.i.u.bf16.f32 v8;
	v9 =	vmul.bf16 v26, v36;
	v3 =	vadd.bf16 v3, v4  }
0x10b: {  	v0 =	vmul.bf16 v2, v0;
	v2 =	vadd.f32 v13, v8;
	v4 =	vunpack.i.l.bf16.f32 v7  }
0x10c: {  	v7 =	vunpack.i.u.bf16.f32 v7;
	v8 =	vmul.bf16 v11, v16;
	v9 =	vadd.bf16 v9, v12  }
0x10d: {  	v2 =	vadd.f32 v2, v5;
	v0 =	vadd.bf16 v0, v20;
	v1 =	vmul.bf16 v1, v15  }
0x10e: {  	v4 =	vadd.f32 v4, v7;
	v5 =	vunpack.i.u.bf16.f32 v9;
	v7 =	vunpack.i.l.bf16.f32 v9  }
0x10f: {  	v1 =	vadd.bf16 v8, v1;
	v5 =	vadd.f32 v7, v5;
	[tilespmem:s12+$0xFFFFFFE0] =	vst v2;
	v2 =	vunpack.i.u.bf16.f32 v0  }
0x110: {  	v7 =	vunpack.i.u.bf16.f32 v3;
	v3 =	vunpack.i.l.bf16.f32 v3  }
0x111: {  	v8 =	vunpack.i.u.bf16.f32 v1;
	v0 =	vunpack.i.l.bf16.f32 v0;
	v5 =	vadd.f32 v5, v6  }
0x112: {  	v1 =	vunpack.i.l.bf16.f32 v1;
	v0 =	vadd.f32 v0, v2;
	v2 =	vadd.f32 v3, v7  }
0x113: {  	v1 =	vadd.f32 v1, v8;
	[tilespmem:s12+$0x20] =	vst v5  }
0x114: {  	v0 =	vadd.f32 v2, v0  }
0x115: {  	v1 =	vadd.f32 v1, v4  }
0x116: {  	[tilespmem:s12+$0x10] =	vst v0  }
0x117: {  	s6 =	sshra.s32 s21, $0x2;
	[tilespmem:s12+$0xFFFFFFF0] =	vst v1;
	s12 =	smov.u32 s30  }
0x118: {  	v0 =	vld [tilespmem:s6+$0xAD00]  }
0x119: {  	v1 =	vld [tilespmem:s6+$0xACE0]  }
0x11a: {  	v2 =	vld [tilespmem:s6+$0xACD0]  }
0x11b: {  	v3 =	vld [tilespmem:s6+$0xA7F0]  }
0x11c: {  	v4 =	vld [tilespmem:s6+$0xACF0]  }
0x11d: {  	v5 =	vld [tilespmem:s6+$0xA800];
	v6 =	vshll.u32 v0, $0x2  }
0x11e: {  	v0 =	vand.u32 $0x7F, v0;
	v7 =	vld [tilespmem:s6+$0xA7E0];
	v8 =	vand.u32 $0x7F, v1;
	v1 =	vshll.u32 v1, $0x2  }
0x11f: {  	v6 =	vand.u32 $0xFFFFFE00, v6;
	v10 =	vld [tilespmem:s6+$0xA7C0];
	v9 =	vshll.u32 v2, $0x2;
	v1 =	vand.u32 $0xFFFFFE00, v1  }
0x120: {  	v16 =	vor.u32 v0, v6;
	v15 =	vld [tilespmem:s6+$0xA7D0];
	v9 =	vand.u32 $0xFFFFFE00, v9;
	v1 =	vor.u32 v8, v1  }
0x121: {  	v0 =	vand.u32 $0x7F, v2;
	v8 =	vor.u32 $0x80, v16;
	v2 =	vor.u32 $0x80, v1  }
0x122: {  	v11 =	vor.u32 $0x100, v16;
	v19 =	vor.u32 $0x100, v1;
	v6 =	vshll.u32 v5, $0x2  }
0x123: {  	v13 =	vshll.u32 v4, $0x2;
	v21 =	vand.u32 $0x7F, v7;
	v12 =	vand.u32 $0xFFFFFE00, v6  }
0x124: {  	v4 =	vand.u32 $0x7F, v4;
	v20 =	vor.u32 $0x180, v1;
	v6 =	vshll.u32 v3, $0x2;
	v14 =	vld [tilespmem:s6+$0xACC0]  }
0x125: {  	v5 =	vand.u32 $0x7F, v5;
	v3 =	vand.u32 $0x7F, v3;
	v17 =	vand.u32 $0xFFFFFE00, v6;
	v6 =	vld.idx.msk [tilespmem:v16+s5+$0x0], $0xffff  }
0x126: {  	v22 =	vshll.u32 v7, $0x2;
	v23 =	vor.u32 v3, v17;
	v3 =	vld.idx.msk [tilespmem:v1+s5+$0x0], $0xffff;
	v1 =	vand.u32 $0xFFFFFE00, v13  }
0x127: {  	v29 =	vor.u32 v5, v12;
	v28 =	vor.u32 $0x100, v23;
	v18 =	vor.u32 $0x180, v23;
	v12 =	vld.idx.msk [tilespmem:v11+s5+$0x0], $0xffff  }
0x128: {  	v31 =	vor.u32 v0, v9;
	v24 =	vor.u32 $0x100, v29;
	v0 =	vor.u32 $0x80, v23;
	v13 =	vld.idx.msk [tilespmem:v8+s5+$0x0], $0xffff  }
0x129: {  	v25 =	vshll.u32 v10, $0x2;
	v17 =	vor.u32 v4, v1;
	v27 =	vand.u32 $0x7F, v14;
	v8 =	vld.idx.msk [tilespmem:v20+s5+$0x0], $0xffff  }
0x12a: {  	v11 =	vor.u32 $0x180, v31;
	v1 =	vshll.u32 v14, $0x2;
	v14 =	vor.u32 $0x80, v31;
	v7 =	vld.idx.msk [tilespmem:v2+s5+$0x0], $0xffff  }
0x12b: {  	v4 =	vand.u32 $0xFFFFFE00, v1;
	v2 =	vor.u32 $0x80, v17;
	v1 =	vor.u32 $0x100, v31;
	v9 =	vld.idx.msk [tilespmem:v19+s5+$0x0], $0xffff  }
0x12c: {  	v32 =	vor.u32 $0x80, v29;
	v5 =	vor.u32 $0x180, v17;
	v19 =	vshll.u32 v15, $0x2;
	v20 =	vld.idx.msk [tilespmem:v23+s5+$0x0], $0xffff  }
0x12d: {  	v10 =	vand.u32 $0x7F, v10;
	v22 =	vand.u32 $0xFFFFFE00, v22;
	v25 =	vand.u32 $0xFFFFFE00, v25;
	v23 =	vld.idx.msk [tilespmem:v24+s5+$0x0], $0xffff  }
0x12e: {  	v26 =	vor.u32 $0x180, v16;
	v15 =	vand.u32 $0x7F, v15;
	v19 =	vand.u32 $0xFFFFFE00, v19;
	v0 =	vld.idx.msk [tilespmem:v0+s5+$0x0], $0xffff  }
.Ltmp1:
0x12f: {  	v30 =	vor.u32 v21, v22;
	v27 =	vor.u32 v27, v4;
	v16 =	vor.u32 v15, v19;
	v24 =	vld.idx.msk [tilespmem:v29+s5+$0x0], $0xffff;
	(pc) =	sbr.rel @p0 .LBB2_5-.Ltmp1, $4  }
0x130: {  	v36 =	vor.u32 $0x180, v29;
	v25 =	vor.u32 v10, v25;
	v4 =	vld.idx.msk [tilespmem:v28+s5+$0x0], $0xffff;
	v28 =	vor.u32 $0x180, v30  }
0x131: {  	v22 =	vor.u32 $0x80, v25;
	v21 =	vor.u32 $0x100, v25;
	v10 =	vld.idx.msk [tilespmem:v31+s5+$0x0], $0xffff;
	v31 =	vor.u32 $0x80, v27  }
0x132: {  	v33 =	vor.u32 $0x100, v27;
	v19 =	vor.u32 $0x80, v16;
	v15 =	vor.u32 $0x100, v16;
	v29 =	vld.idx.msk [tilespmem:v17+s5+$0x0], $0xffff  }
0x133: {  	v34 =	vor.u32 $0x80, v30;
	v35 =	vor.u32 $0x100, v30;
	v37 =	vld.idx.msk [tilespmem:v32+s5+$0x0], $0xffff;
	v32 =	vor.u32 $0x180, v27  }
0x134: {  	_ =	sdelay $0x3  }
0x135: {  	v18 =	vld.idx.msk [tilespmem:v18+s5+$0x0], $0xffff  }
0x136: {  	v30 =	vld.idx.msk [tilespmem:v30+s5+$0x0], $0xffff  }
0x137: {  	v27 =	vld.idx.msk [tilespmem:v27+s5+$0x0], $0xffff  }
0x138: {  	v28 =	vld.idx.msk [tilespmem:v28+s5+$0x0], $0xffff  }
0x139: {  	v31 =	vld.idx.msk [tilespmem:v31+s5+$0x0], $0xffff  }
0x13a: {  	v38 =	vld.idx.msk [tilespmem:v25+s5+$0x0], $0xffff  }
0x13b: {  	v33 =	vld.idx.msk [tilespmem:v33+s5+$0x0], $0xffff  }
0x13c: {  	v34 =	vld.idx.msk [tilespmem:v34+s5+$0x0], $0xffff  }
0x13d: {  	v35 =	vld.idx.msk [tilespmem:v35+s5+$0x0], $0xffff  }
0x13e: {  	v21 =	vld.idx.msk [tilespmem:v21+s5+$0x0], $0xffff  }
0x13f: {  	v25 =	vor.u32 $0x180, v25;
	v5 =	vld.idx.msk [tilespmem:v5+s5+$0x0], $0xffff  }
0x140: {  	v2 =	vld.idx.msk [tilespmem:v2+s5+$0x0], $0xffff  }
0x141: {  	v6 =	vmul.bf16 v6, v24;
	v15 =	vld.idx.msk [tilespmem:v15+s5+$0x0], $0xffff  }
0x142: {  	v12 =	vmul.bf16 v12, v23;
	v1 =	vld.idx.msk [tilespmem:v1+s5+$0x0], $0xffff;
	v20 =	vmul.bf16 v29, v20  }
0x143: {  	v32 =	vld.idx.msk [tilespmem:v32+s5+$0x0], $0xffff;
	v13 =	vmul.bf16 v13, v37;
	v3 =	vmul.bf16 v3, v30  }
0x144: {  	v17 =	vor.u32 $0x100, v17;
	v24 =	vld.idx.msk [tilespmem:v25+s5+$0x0], $0xffff;
	v7 =	vmul.bf16 v7, v34;
	v8 =	vmul.bf16 v8, v28  }
0x145: {  	v9 =	vmul.bf16 v9, v35;
	v21 =	vmul.bf16 v33, v21;
	v6 =	vadd.bf16 v13, v6;
	v13 =	vld.idx.msk [tilespmem:v22+s5+$0x0], $0xffff  }
0x146: {  	v14 =	vld.idx.msk [tilespmem:v14+s5+$0x0], $0xffff;
	v5 =	vmul.bf16 v5, v18;
	v0 =	vmul.bf16 v2, v0  }
0x147: {  	v1 =	vmul.bf16 v1, v15;
	v22 =	vor.u32 $0x180, v16;
	v16 =	vld.idx.msk [tilespmem:v16+s5+$0x0], $0xffff;
	v8 =	vadd.bf16 v8, v9  }
0x148: {  	v19 =	vld.idx.msk [tilespmem:v19+s5+$0x0], $0xffff;
	v3 =	vadd.bf16 v7, v3;
	v7 =	vmul.bf16 v27, v38;
	v0 =	vadd.bf16 v0, v20  }
0x149: {  	v9 =	vld.idx.msk [tilespmem:v17+s5+$0x0], $0xffff;
	v25 =	vunpack.i.u.bf16.f32 v8;
	v8 =	vunpack.i.l.bf16.f32 v8;
	v17 =	vmul.bf16 v32, v24  }
0x14a: {  	v26 =	vld.idx.msk [tilespmem:v26+s5+$0x0], $0xffff;
	v24 =	vunpack.i.u.bf16.f32 v3;
	v3 =	vunpack.i.l.bf16.f32 v3;
	v13 =	vmul.bf16 v31, v13  }
0x14b: {  	v36 =	vld.idx.msk [tilespmem:v36+s5+$0x0], $0xffff;
	v23 =	vunpack.i.u.bf16.f32 v6;
	v8 =	vadd.f32 v8, v25;
	v3 =	vadd.f32 v3, v24  }
0x14c: {  	v11 =	vld.idx.msk [tilespmem:v11+s5+$0x0], $0xffff;
	v6 =	vunpack.i.l.bf16.f32 v6;
	v10 =	vmul.bf16 v10, v16;
	v7 =	vadd.bf16 v13, v7  }
0x14d: {  	v13 =	vld.idx.msk [tilespmem:v22+s5+$0x0], $0xffff;
	v3 =	vadd.f32 v8, v3;
	v8 =	vmul.bf16 v14, v19;
	v14 =	vadd.bf16 v17, v21  }
0x14e: {  	v6 =	vadd.f32 v6, v23;
	v4 =	vmul.bf16 v9, v4;
	v9 =	vunpack.i.l.bf16.f32 v7  }
0x14f: {  	v7 =	vunpack.i.u.bf16.f32 v7;
	v16 =	vunpack.i.l.bf16.f32 v14;
	v8 =	vadd.bf16 v8, v10  }
0x150: {  	v10 =	vunpack.i.u.bf16.f32 v14;
	v7 =	vadd.f32 v9, v7;
	v9 =	vmul.bf16 v26, v36  }
0x151: {  	v4 =	vadd.bf16 v5, v4;
	v2 =	vadd.f32 v16, v10;
	v5 =	vunpack.i.l.bf16.f32 v8  }
0x152: {  	v8 =	vunpack.i.u.bf16.f32 v8;
	v10 =	vmul.bf16 v11, v13;
	v9 =	vadd.bf16 v9, v12  }
0x153: {  	v2 =	vadd.f32 v2, v7;
	v5 =	vadd.f32 v5, v8  }
0x154: {  	v7 =	vunpack.i.u.bf16.f32 v9;
	v8 =	vunpack.i.l.bf16.f32 v9;
	v1 =	vadd.bf16 v10, v1  }
0x155: {  	v9 =	vunpack.i.u.bf16.f32 v0;
	v0 =	vunpack.i.l.bf16.f32 v0;
	v7 =	vadd.f32 v8, v7  }
0x156: {  	v8 =	vunpack.i.u.bf16.f32 v4;
	v4 =	vunpack.i.l.bf16.f32 v4;
	v0 =	vadd.f32 v0, v9  }
0x157: {  	v10 =	vunpack.i.u.bf16.f32 v1;
	v1 =	vunpack.i.l.bf16.f32 v1;
	v4 =	vadd.f32 v4, v8  }
0x158: {  	s30 =	smul.u32 $0xA00, s22;
	[tilespmem:s12+$0x0] =	vst v3;
	v3 =	vadd.f32 v7, v6;
	v1 =	vadd.f32 v1, v10  }
0x159: {  	p0 =	seq.s32 s22, $0x3D;
	[tilespmem:s12+$0xFFFFFFE0] =	vst v2;
	v0 =	vadd.f32 v4, v0  }
0x15a: {  	s6 =	sadd.s32 @!p0 s30, s16;
	[tilespmem:s12+$0x20] =	vst v3;
	v1 =	vadd.f32 v1, v5  }
0x15b: {  	s6 =	sshrl.u32 @!p0 s6, $0x3;
	[tilespmem:s12+$0x10] =	vst v0  }
0x15c: {  	s21 =	simm.s32 @!p0 $0xA800;
	s11 =	sadd.s32 @!p0 s1, s6;
	[tilespmem:s12+$0xFFFFFFF0] =	vst v1;
	s12 =	simm.s32 @!p0 $0x0  }
0x15d: {  	[tilespmem:s21], [sflag:$0x4] =	stream.linear.gather @!p0 [hbm4b:s11+s12], $0x500, $0x38;
	[tilespmem:$0xDB00] =	vst v63  }
0x15e: {  	s6 =	sadd.s32 @!p0 s2, s6;
	s11 =	simm.s32 @!p0 $0xAD00  }
0x15f: {  	[tilespmem:s11], [sflag:$0x5] =	stream.linear.gather @!p0 [hbm4b:s6+s12], $0x500, $0x38;
	[tilespmem:$0xDB00] =	vst v63  }
0x160: {  	_ = 	snop  }
0x161: {  	[spmem:s17] =	stream.linear.scatter [tilespmem:s4], [sflag:$0xA], $0x800, $0x38;
	[tilespmem:$0xDB00] =	vst v63  }
0x162: {  	_ =	swait.ge [sflag:s23], $0x800  }
0x163: {  	[sflag:s23] =	ssyncset.done $0x0  }
0x164: {  	[sflag:s23] =	ssyncadd.s32 $0xFFFFF800  }
0x165: {  	s11 =	simm.s32 $0xC200;
	[bflag:$0x0] =	sbarrier.arrive $0xFFFF  }
0x166: {  	[tilespmem:s11], [sflag:$0x7] =	stream.strided.gather [spmem:s18], $0x800, s28, s24, $0x38;
	[tilespmem:$0xDB00] =	vst v63  }
0x167: {  	_ =	swait.ge [sflag:s7], $0x800  }
0x168: {  	[sflag:s7] =	ssyncset.done $0x0  }
0x169: {  	p1 =	seq.s32 s22, $0x0;
	[sflag:s7] =	ssyncadd.s32 $0xFFFFF800  }
0x16a: {  	s6 =	simm.s32 @!p1 $0x8;
	[bflag:$0x0] =	sbarrier.arrive $0xFFFF  }
0x16b: {  	_ =	swait.ge @!p1 [sflag:s6], $0x50  }
0x16c: {  	[sflag:s6] =	ssyncset.done @!p1 $0x0  }
0x16d: {  	[sflag:s6] =	ssyncadd.s32 @!p1 $0xFFFFFFB0  }
0x16e: {  	v0 =	vld [tilespmem:$0xBA00]  }
0x16f: {  	v1 =	vld [tilespmem:$0xBA80]  }
0x170: {  	v2 =	vld [tilespmem:$0xBB00]  }
0x171: {  	v3 =	vld [tilespmem:$0xBB80]  }
0x172: {  	v4 =	vld [tilespmem:$0xBC00]  }
0x173: {  	v5 =	vld [tilespmem:$0xBC80]  }
0x174: {  	v6 =	vld [tilespmem:$0xBD00]  }
0x175: {  	v7 =	vld [tilespmem:$0xBD80]  }
0x176: {  	v8 =	vld [tilespmem:$0xBE00]  }
0x177: {  	v9 =	vld [tilespmem:$0xBE80]  }
0x178: {  	v10 =	vld [tilespmem:$0xBF00]  }
0x179: {  	v11 =	vld [tilespmem:$0xBF80]  }
0x17a: {  	v12 =	vld [tilespmem:$0xC000]  }
0x17b: {  	v13 =	vld [tilespmem:$0xC080]  }
0x17c: {  	v14 =	vld [tilespmem:$0xC100]  }
0x17d: {  	v15 =	vld [tilespmem:$0xC180]  }
0x17e: {  	v16 =	vld [tilespmem:$0xBA10]  }
0x17f: {  	v17 =	vld [tilespmem:$0xBA90]  }
0x180: {  	v18 =	vld [tilespmem:$0xBB10]  }
0x181: {  	v19 =	vld [tilespmem:$0xBB90]  }
0x182: {  	v20 =	vld [tilespmem:$0xBC10]  }
0x183: {  	v21 =	vld [tilespmem:$0xBC90]  }
0x184: {  	v22 =	vld [tilespmem:$0xBD10]  }
0x185: {  	v23 =	vld [tilespmem:$0xBD90]  }
0x186: {  	v24 =	vld [tilespmem:$0xBE10]  }
0x187: {  	v25 =	vld [tilespmem:$0xBE90]  }
0x188: {  	v26 =	vld [tilespmem:$0xBF10]  }
0x189: {  	v27 =	vld [tilespmem:$0xBF90]  }
0x18a: {  	v28 =	vld [tilespmem:$0xC010]  }
0x18b: {  	v29 =	vld [tilespmem:$0xC090]  }
0x18c: {  	v30 =	vld [tilespmem:$0xC110]  }
0x18d: {  	v31 =	vld [tilespmem:$0xC190]  }
0x18e: {  	v56 =	vld [tilespmem:$0xBA20]  }
0x18f: {  	v57 =	vld [tilespmem:$0xBAA0]  }
0x190: {  	v58 =	vld [tilespmem:$0xBB20]  }
0x191: {  	v59 =	vld [tilespmem:$0xBBA0]  }
0x192: {  	v60 =	vld [tilespmem:$0xBC20]  }
0x193: {  	v61 =	vld [tilespmem:$0xBCA0]  }
0x194: {  	v62 =	vld [tilespmem:$0xBD20]  }
0x195: {  	v39 =	vld [tilespmem:$0xBDA0]  }
0x196: {  	v40 =	vld [tilespmem:$0xBE20]  }
0x197: {  	v41 =	vld [tilespmem:$0xBEA0]  }
0x198: {  	v42 =	vld [tilespmem:$0xBF20]  }
0x199: {  	v43 =	vld [tilespmem:$0xBFA0]  }
0x19a: {  	v44 =	vld [tilespmem:$0xC020]  }
0x19b: {  	v45 =	vld [tilespmem:$0xC0A0]  }
0x19c: {  	v46 =	vld [tilespmem:$0xC120]  }
0x19d: {  	v47 =	vld [tilespmem:$0xC1A0]  }
0x19e: {  	v48 =	vld [tilespmem:$0xBA30]  }
0x19f: {  	v0 =	vadd.f32 v4, v0;
	v4 =	vld [tilespmem:$0xBAB0]  }
0x1a0: {  	v1 =	vadd.f32 v5, v1;
	v5 =	vld [tilespmem:$0xBB30]  }
0x1a1: {  	v2 =	vadd.f32 v6, v2;
	v6 =	vld [tilespmem:$0xBBB0]  }
0x1a2: {  	v3 =	vadd.f32 v7, v3;
	v7 =	vld [tilespmem:$0xBC30];
	v0 =	vadd.f32 v8, v0  }
0x1a3: {  	v1 =	vadd.f32 v9, v1;
	v2 =	vadd.f32 v10, v2;
	v8 =	vld [tilespmem:$0xBCB0]  }
0x1a4: {  	v3 =	vadd.f32 v11, v3;
	v9 =	vld [tilespmem:$0xBD30];
	v11 =	vadd.f32 v21, v17  }
0x1a5: {  	v10 =	vld [tilespmem:$0xBDB0];
	v21 =	vadd.f32 v61, v57;
	v0 =	vadd.f32 v12, v0  }
0x1a6: {  	v17 =	vld [tilespmem:$0xC030];
	v1 =	vadd.f32 v13, v1;
	v2 =	vadd.f32 v14, v2  }
0x1a7: {  	v3 =	vadd.f32 v15, v3;
	v12 =	vld [tilespmem:$0xBEB0];
	v13 =	vadd.f32 v22, v18  }
0x1a8: {  	v14 =	vadd.f32 v23, v19;
	v15 =	vld [tilespmem:$0xBF30];
	v11 =	vadd.f32 v25, v11  }
0x1a9: {  	v18 =	vld [tilespmem:$0xC0B0];
	v23 =	vadd.f32 v62, v58;
	v21 =	vadd.f32 v41, v21  }
0x1aa: {  	v19 =	vld [tilespmem:$0xC130];
	v7 =	vadd.f32 v7, v48;
	v0 =	vadd.f32 v1, v0  }
0x1ab: {  	v22 =	vld [tilespmem:$0xC1B0];
	v1 =	vadd.f32 v3, v2;
	v3 =	vadd.f32 v20, v16  }
0x1ac: {  	v25 =	vld [tilespmem:$0xBA40];
	v13 =	vadd.f32 v26, v13;
	v14 =	vadd.f32 v27, v14  }
0x1ad: {  	v2 =	vld [tilespmem:$0xBE30];
	v11 =	vadd.f32 v29, v11;
	v20 =	vadd.f32 v60, v56  }
0x1ae: {  	v16 =	vld [tilespmem:$0xBFB0];
	v23 =	vadd.f32 v42, v23;
	v21 =	vadd.f32 v45, v21  }
0x1af: {  	v26 =	vld [tilespmem:$0xBAC0];
	v4 =	vadd.f32 v8, v4;
	v5 =	vadd.f32 v9, v5  }
0x1b0: {  	v27 =	vld [tilespmem:$0xBB40];
	v6 =	vadd.f32 v10, v6;
	v3 =	vadd.f32 v24, v3  }
0x1b1: {  	v29 =	vld [tilespmem:$0xBC40];
	v13 =	vadd.f32 v30, v13;
	v14 =	vadd.f32 v31, v14  }
0x1b2: {  	v8 =	vld [tilespmem:$0xBEC0];
	v24 =	vadd.f32 v39, v59;
	v20 =	vadd.f32 v40, v20  }
0x1b3: {  	v9 =	vld [tilespmem:$0xBF40];
	v23 =	vadd.f32 v46, v23;
	v0 =	vadd.f32 v1, v0  }
0x1b4: {  	v10 =	vld [tilespmem:$0xC040];
	v4 =	vadd.f32 v12, v4;
	v5 =	vadd.f32 v15, v5  }
0x1b5: {  	v1 =	vld [tilespmem:$0xBDC0];
	v3 =	vadd.f32 v28, v3;
	v24 =	vadd.f32 v43, v24  }
0x1b6: {  	v12 =	vld [tilespmem:$0xC0C0];
	v20 =	vadd.f32 v44, v20;
	v2 =	vadd.f32 v2, v7  }
0x1b7: {  	v28 =	vld [tilespmem:$0xBBC0];
	v6 =	vadd.f32 v16, v6;
	v24 =	vadd.f32 v47, v24  }
0x1b8: {  	v3 =	vadd.f32 v11, v3;
	v11 =	vadd.f32 v14, v13;
	v13 =	vld [tilespmem:$0xBCC0]  }
0x1b9: {  	v14 =	vadd.f32 v21, v20;
	v21 =	vld [tilespmem:$0xBD40];
	v20 =	vadd.f32 v24, v23  }
0x1ba: {  	v7 =	vld [tilespmem:$0xBFC0];
	v4 =	vadd.f32 v18, v4;
	v5 =	vadd.f32 v19, v5  }
0x1bb: {  	v3 =	vadd.f32 v11, v3;
	v11 =	vadd.f32 v20, v14;
	v14 =	vld [tilespmem:$0xBE40]  }
0x1bc: {  	v16 =	vadd.f32 v29, v25;
	v2 =	vadd.f32 v17, v2;
	v17 =	vld [tilespmem:$0xC1C0]  }
0x1bd: {  	v15 =	vld [tilespmem:$0xC140];
	v1 =	vadd.f32 v1, v28;
	v13 =	vadd.f32 v13, v26  }
0x1be: {  	v6 =	vadd.f32 v22, v6;
	v18 =	vadd.f32 v21, v27  }
0x1bf: {  	v1 =	vadd.f32 v7, v1;
	v8 =	vadd.f32 v8, v13  }
0x1c0: {  	v9 =	vadd.f32 v9, v18;
	v14 =	vadd.f32 v14, v16  }
0x1c1: {  	v1 =	vadd.f32 v17, v1;
	v8 =	vadd.f32 v12, v8  }
0x1c2: {  	v9 =	vadd.f32 v15, v9;
	v7 =	vadd.f32 v10, v14  }
0x1c3: {  	v2 =	vadd.f32 v4, v2;
	v4 =	vadd.f32 v6, v5  }
0x1c4: {  	[tilespmem:$0xCA00] =	vst v0;
	v1 =	vadd.f32 v1, v9;
	v0 =	vadd.f32 v8, v7  }
0x1c5: {  	[tilespmem:$0xCA10] =	vst v3;
	v2 =	vadd.f32 v4, v2  }
0x1c6: {  	s12 =	sadd.s32 s30, s15;
	[tilespmem:$0xCA20] =	vst v11;
	v0 =	vadd.f32 v1, v0  }
0x1c7: {  	s6 =	sshrl.u32 s12, $0x3;
	[tilespmem:$0xCA30] =	vst v2  }
0x1c8: {  	s6 =	sadd.s32 s3, s6;
	[tilespmem:$0xCA40] =	vst v0  }
0x1c9: {  	[hbm4b:s6+s5] =	stream.linear.scatter [tilespmem:s8], [sflag:$0x8], $0x50, $0x38;
	[tilespmem:$0xDB00] =	vst v63  }
0x1ca: {  	_ =	swait.ge [sflag:s31], $0x500  }
0x1cb: {  	[sflag:s31] =	ssyncset.done $0x0  }
0x1cc: {  	[sflag:s31] =	ssyncadd.s32 $0xFFFFFB00  }
0x1cd: {  	_ =	swait.ge [sflag:s0], $0x500  }
0x1ce: {  	[sflag:s0] =	ssyncset.done $0x0  }
0x1cf: {  	s21 =	simm.s32 $0x40;
	[sflag:s0] =	ssyncadd.s32 $0xFFFFFB00  }
0x1d0: {  	v0 =	vld [tilespmem:s21+$0xA300]  }
0x1d1: {  	v1 =	vld [tilespmem:s21+$0xA2E0]  }
0x1d2: {  	v2 =	vld [tilespmem:s21+$0xA2D0]  }
0x1d3: {  	v7 =	vld [tilespmem:s21+$0x9DE0]  }
0x1d4: {  	v3 =	vld [tilespmem:s21+$0xA2F0]  }
0x1d5: {  	v8 =	vld [tilespmem:s21+$0x9DF0]  }
0x1d6: {  	v15 =	vld [tilespmem:s21+$0x9DC0];
	v5 =	vshll.u32 v0, $0x2  }
0x1d7: {  	v4 =	vld [tilespmem:s21+$0x9E00];
	v6 =	vand.u32 $0x7F, v1;
	v1 =	vshll.u32 v1, $0x2;
	v0 =	vand.u32 $0x7F, v0  }
0x1d8: {  	v9 =	vshll.u32 v2, $0x2;
	v21 =	vand.u32 $0x7F, v7;
	v5 =	vand.u32 $0xFFFFFE00, v5  }
0x1d9: {  	v13 =	vshll.u32 v3, $0x2;
	v1 =	vand.u32 $0xFFFFFE00, v1;
	v10 =	vor.u32 v0, v5  }
0x1da: {  	v17 =	vand.u32 $0x7F, v3;
	v3 =	vand.u32 $0x7F, v8;
	v1 =	vor.u32 v6, v1  }
0x1db: {  	v14 =	vld [tilespmem:s21+$0xA2C0];
	v22 =	vshll.u32 v7, $0x2;
	v25 =	vshll.u32 v15, $0x2;
	v11 =	vor.u32 $0x100, v10  }
0x1dc: {  	v9 =	vand.u32 $0xFFFFFE00, v9;
	v6 =	vshll.u32 v4, $0x2;
	v5 =	vor.u32 $0x80, v10  }
0x1dd: {  	v19 =	vld [tilespmem:s21+$0x9DD0];
	v12 =	vand.u32 $0xFFFFFE00, v6;
	v6 =	vshll.u32 v8, $0x2;
	v20 =	vor.u32 $0x180, v1  }
0x1de: {  	v0 =	vand.u32 $0x7F, v2;
	v2 =	vor.u32 $0x80, v1;
	v8 =	vand.u32 $0xFFFFFE00, v6;
	v6 =	vld.idx.msk [tilespmem:v10+s5+$0x0], $0xffff  }
0x1df: {  	v4 =	vand.u32 $0x7F, v4;
	v16 =	vor.u32 $0x100, v1;
	v23 =	vor.u32 v3, v8;
	v3 =	vld.idx.msk [tilespmem:v1+s5+$0x0], $0xffff  }
0x1e0: {  	v27 =	vand.u32 $0x7F, v14;
	v31 =	vor.u32 v0, v9;
	v29 =	vor.u32 v4, v12;
	v12 =	vld.idx.msk [tilespmem:v11+s5+$0x0], $0xffff  }
0x1e1: {  	v15 =	vand.u32 $0x7F, v15;
	v25 =	vand.u32 $0xFFFFFE00, v25;
	v1 =	vand.u32 $0xFFFFFE00, v13;
	v13 =	vld.idx.msk [tilespmem:v5+s5+$0x0], $0xffff  }
0x1e2: {  	v22 =	vand.u32 $0xFFFFFE00, v22;
	v25 =	vor.u32 v15, v25;
	v24 =	vor.u32 $0x100, v29;
	v8 =	vld.idx.msk [tilespmem:v20+s5+$0x0], $0xffff  }
0x1e3: {  	v30 =	vor.u32 v21, v22;
	v26 =	vor.u32 $0x180, v10;
	v22 =	vor.u32 $0x80, v25;
	v7 =	vld.idx.msk [tilespmem:v2+s5+$0x0], $0xffff  }
0x1e4: {  	v21 =	vor.u32 $0x100, v25;
	v34 =	vor.u32 $0x80, v30;
	v63 =	vor.u32 $0x80, v29;
	v9 =	vld.idx.msk [tilespmem:v16+s5+$0x0], $0xffff  }
0x1e5: {  	v35 =	vor.u32 $0x100, v30;
	v36 =	vor.u32 $0x180, v29;
	v0 =	vor.u32 $0x80, v23;
	v10 =	vld.idx.msk [tilespmem:v31+s5+$0x0], $0xffff  }
0x1e6: {  	v4 =	vor.u32 $0x100, v23;
	v18 =	vor.u32 $0x180, v23;
	v17 =	vor.u32 v17, v1;
	v20 =	vld.idx.msk [tilespmem:v23+s5+$0x0], $0xffff  }
0x1e7: {  	v1 =	vshll.u32 v14, $0x2;
	v14 =	vor.u32 $0x80, v31;
	v11 =	vor.u32 $0x180, v31;
	v23 =	vld.idx.msk [tilespmem:v24+s5+$0x0], $0xffff  }
0x1e8: {  	v16 =	vshll.u32 v19, $0x2;
	v19 =	vand.u32 $0x7F, v19;
	v28 =	vand.u32 $0xFFFFFE00, v1;
	v24 =	vld.idx.msk [tilespmem:v29+s5+$0x0], $0xffff  }
0x1e9: {  	v2 =	vor.u32 $0x80, v17;
	v1 =	vor.u32 $0x100, v31;
	v16 =	vand.u32 $0xFFFFFE00, v16;
	v37 =	vld.idx.msk [tilespmem:v63+s5+$0x0], $0xffff  }
0x1ea: {  	v5 =	vor.u32 $0x180, v17;
	v16 =	vor.u32 v19, v16;
	v27 =	vor.u32 v27, v28;
	v0 =	vld.idx.msk [tilespmem:v0+s5+$0x0], $0xffff  }
0x1eb: {  	v28 =	vor.u32 $0x180, v30;
	v4 =	vld.idx.msk [tilespmem:v4+s5+$0x0], $0xffff;
	v31 =	vor.u32 $0x80, v27;
	v19 =	vor.u32 $0x80, v16  }
0x1ec: {  	s11 =	simm.s32 $0xB220;
	s12 =	simm.s32 $0xB220;
	s21 =	simm.s32 $0x240;
	v15 =	vor.u32 $0x100, v16;
	v33 =	vor.u32 $0x100, v27;
	v32 =	vor.u32 $0x180, v27;
	v29 =	vld.idx.msk [tilespmem:v17+s5+$0x0], $0xffff  }
.LBB2_7:
0x1ed: {  	p2 =	sne.s32 s21, $0x13C0  }
0x1ee: {  	v18 =	vld.idx.msk [tilespmem:v18+s5+$0x0], $0xffff;
	s11 =	sadd.s32 $0x80, s11;
	s6 =	smov.u32 s21;
	s21 =	sadd.s32 $0x140, s21  }
0x1ef: {  	v38 =	vor.u32 $0x180, v25;
	v30 =	vld.idx.msk [tilespmem:v30+s5+$0x0], $0xffff  }
0x1f0: {  	v17 =	vor.u32 $0x100, v17;
	v26 =	vld.idx.msk [tilespmem:v26+s5+$0x0], $0xffff  }
0x1f1: {  	v36 =	vld.idx.msk [tilespmem:v36+s5+$0x0], $0xffff  }
0x1f2: {  	v12 =	vmul.bf16 v12, v23;
	v27 =	vld.idx.msk [tilespmem:v27+s5+$0x0], $0xffff  }
0x1f3: {  	v20 =	vmul.bf16 v29, v20;
	v23 =	vld.idx.msk [tilespmem:v28+s5+$0x0], $0xffff  }
0x1f4: {  	v6 =	vmul.bf16 v6, v24;
	v13 =	vmul.bf16 v13, v37;
	v24 =	vld.idx.msk [tilespmem:v31+s5+$0x0], $0xffff  }
0x1f5: {  	v25 =	vld.idx.msk [tilespmem:v25+s5+$0x0], $0xffff  }
0x1f6: {  	v29 =	vor.u32 $0x180, v16;
	v6 =	vadd.bf16 v13, v6;
	v28 =	vld.idx.msk [tilespmem:v33+s5+$0x0], $0xffff  }
0x1f7: {  	v13 =	vld.idx.msk [tilespmem:v34+s5+$0x0], $0xffff  }
0x1f8: {  	v33 =	vunpack.i.u.bf16.f32 v6;
	v31 =	vld.idx.msk [tilespmem:v35+s5+$0x0], $0xffff  }
0x1f9: {  	v3 =	vmul.bf16 v3, v30;
	v6 =	vunpack.i.l.bf16.f32 v6;
	v8 =	vmul.bf16 v8, v23;
	v30 =	vld.idx.msk [tilespmem:v32+s5+$0x0], $0xffff  }
0x1fa: {  	v6 =	vadd.f32 v6, v33;
	v14 =	vld.idx.msk [tilespmem:v14+s5+$0x0], $0xffff  }
0x1fb: {  	v23 =	vmul.bf16 v27, v25;
	v25 =	vld.idx.msk [tilespmem:v38+s5+$0x0], $0xffff  }
0x1fc: {  	v11 =	vld.idx.msk [tilespmem:v11+s5+$0x0], $0xffff  }
0x1fd: {  	v7 =	vmul.bf16 v7, v13;
	v22 =	vld.idx.msk [tilespmem:v22+s5+$0x0], $0xffff  }
0x1fe: {  	v9 =	vmul.bf16 v9, v31;
	v13 =	vld.idx.msk [tilespmem:v21+s5+$0x0], $0xffff  }
0x1ff: {  	v3 =	vadd.bf16 v7, v3;
	v16 =	vld.idx.msk [tilespmem:v16+s5+$0x0], $0xffff  }
0x200: {  	v8 =	vadd.bf16 v8, v9;
	v7 =	vld.idx.msk [tilespmem:v19+s5+$0x0], $0xffff  }
0x201: {  	v19 =	vunpack.i.u.bf16.f32 v3;
	v3 =	vunpack.i.l.bf16.f32 v3;
	v9 =	vld.idx.msk [tilespmem:v17+s5+$0x0], $0xffff;
	v17 =	vmul.bf16 v30, v25  }
0x202: {  	v21 =	vunpack.i.u.bf16.f32 v8;
	v8 =	vunpack.i.l.bf16.f32 v8;
	v3 =	vadd.f32 v3, v19;
	v5 =	vld.idx.msk [tilespmem:v5+s5+$0x0], $0xffff  }
0x203: {  	v19 =	vmul.bf16 v24, v22;
	v8 =	vadd.f32 v8, v21;
	v2 =	vld.idx.msk [tilespmem:v2+s5+$0x0], $0xffff  }
0x204: {  	v13 =	vmul.bf16 v28, v13;
	v15 =	vld.idx.msk [tilespmem:v15+s5+$0x0], $0xffff  }
0x205: {  	v10 =	vmul.bf16 v10, v16;
	v19 =	vadd.bf16 v19, v23;
	v3 =	vadd.f32 v8, v3;
	v16 =	vld.idx.msk [tilespmem:v29+s5+$0x0], $0xffff  }
0x206: {  	v7 =	vmul.bf16 v14, v7;
	v8 =	vadd.bf16 v17, v13;
	v1 =	vld.idx.msk [tilespmem:v1+s5+$0x0], $0xffff  }
0x207: {  	v4 =	vmul.bf16 v9, v4;
	v9 =	vunpack.i.l.bf16.f32 v19;
	[tilespmem:s12+$0x0] =	vst v3  }
0x208: {  	v3 =	vmul.bf16 v5, v18;
	v5 =	vunpack.i.u.bf16.f32 v19;
	v13 =	vunpack.i.l.bf16.f32 v8  }
0x209: {  	v7 =	vadd.bf16 v7, v10;
	v5 =	vadd.f32 v9, v5  }
0x20a: {  	v8 =	vunpack.i.u.bf16.f32 v8;
	v9 =	vmul.bf16 v26, v36;
	v3 =	vadd.bf16 v3, v4  }
0x20b: {  	v0 =	vmul.bf16 v2, v0;
	v2 =	vadd.f32 v13, v8;
	v4 =	vunpack.i.l.bf16.f32 v7  }
0x20c: {  	v7 =	vunpack.i.u.bf16.f32 v7;
	v8 =	vmul.bf16 v11, v16;
	v9 =	vadd.bf16 v9, v12  }
0x20d: {  	v2 =	vadd.f32 v2, v5;
	v0 =	vadd.bf16 v0, v20;
	v1 =	vmul.bf16 v1, v15  }
0x20e: {  	v4 =	vadd.f32 v4, v7;
	v5 =	vunpack.i.u.bf16.f32 v9;
	v7 =	vunpack.i.l.bf16.f32 v9  }
0x20f: {  	v1 =	vadd.bf16 v8, v1;
	v5 =	vadd.f32 v7, v5;
	[tilespmem:s12+$0xFFFFFFE0] =	vst v2;
	v2 =	vunpack.i.u.bf16.f32 v0  }
0x210: {  	v7 =	vunpack.i.u.bf16.f32 v3;
	v3 =	vunpack.i.l.bf16.f32 v3  }
0x211: {  	v8 =	vunpack.i.u.bf16.f32 v1;
	v0 =	vunpack.i.l.bf16.f32 v0;
	v5 =	vadd.f32 v5, v6  }
0x212: {  	v1 =	vunpack.i.l.bf16.f32 v1;
	v0 =	vadd.f32 v0, v2;
	v2 =	vadd.f32 v3, v7  }
0x213: {  	v1 =	vadd.f32 v1, v8;
	[tilespmem:s12+$0x20] =	vst v5  }
0x214: {  	v0 =	vadd.f32 v2, v0  }
0x215: {  	v1 =	vadd.f32 v1, v4  }
0x216: {  	[tilespmem:s12+$0x10] =	vst v0  }
0x217: {  	s6 =	sshra.s32 s6, $0x2;
	[tilespmem:s12+$0xFFFFFFF0] =	vst v1;
	s12 =	smov.u32 s11  }
0x218: {  	v0 =	vld [tilespmem:s6+$0xA300]  }
0x219: {  	v1 =	vld [tilespmem:s6+$0xA2E0]  }
0x21a: {  	v2 =	vld [tilespmem:s6+$0xA2D0]  }
0x21b: {  	v3 =	vld [tilespmem:s6+$0x9DF0]  }
0x21c: {  	v4 =	vld [tilespmem:s6+$0xA2F0]  }
0x21d: {  	v5 =	vld [tilespmem:s6+$0x9E00];
	v6 =	vshll.u32 v0, $0x2  }
0x21e: {  	v0 =	vand.u32 $0x7F, v0;
	v7 =	vld [tilespmem:s6+$0x9DE0];
	v8 =	vand.u32 $0x7F, v1;
	v1 =	vshll.u32 v1, $0x2  }
0x21f: {  	v6 =	vand.u32 $0xFFFFFE00, v6;
	v10 =	vld [tilespmem:s6+$0x9DC0];
	v9 =	vshll.u32 v2, $0x2;
	v1 =	vand.u32 $0xFFFFFE00, v1  }
0x220: {  	v16 =	vor.u32 v0, v6;
	v15 =	vld [tilespmem:s6+$0x9DD0];
	v9 =	vand.u32 $0xFFFFFE00, v9;
	v1 =	vor.u32 v8, v1  }
0x221: {  	v0 =	vand.u32 $0x7F, v2;
	v8 =	vor.u32 $0x80, v16;
	v2 =	vor.u32 $0x80, v1  }
0x222: {  	v11 =	vor.u32 $0x100, v16;
	v19 =	vor.u32 $0x100, v1;
	v6 =	vshll.u32 v5, $0x2  }
0x223: {  	v13 =	vshll.u32 v4, $0x2;
	v21 =	vand.u32 $0x7F, v7;
	v12 =	vand.u32 $0xFFFFFE00, v6  }
0x224: {  	v4 =	vand.u32 $0x7F, v4;
	v20 =	vor.u32 $0x180, v1;
	v6 =	vshll.u32 v3, $0x2;
	v14 =	vld [tilespmem:s6+$0xA2C0]  }
0x225: {  	v5 =	vand.u32 $0x7F, v5;
	v3 =	vand.u32 $0x7F, v3;
	v17 =	vand.u32 $0xFFFFFE00, v6;
	v6 =	vld.idx.msk [tilespmem:v16+s5+$0x0], $0xffff  }
0x226: {  	v22 =	vshll.u32 v7, $0x2;
	v23 =	vor.u32 v3, v17;
	v3 =	vld.idx.msk [tilespmem:v1+s5+$0x0], $0xffff;
	v1 =	vand.u32 $0xFFFFFE00, v13  }
0x227: {  	v29 =	vor.u32 v5, v12;
	v28 =	vor.u32 $0x100, v23;
	v18 =	vor.u32 $0x180, v23;
	v12 =	vld.idx.msk [tilespmem:v11+s5+$0x0], $0xffff  }
0x228: {  	v31 =	vor.u32 v0, v9;
	v24 =	vor.u32 $0x100, v29;
	v0 =	vor.u32 $0x80, v23;
	v13 =	vld.idx.msk [tilespmem:v8+s5+$0x0], $0xffff  }
0x229: {  	v25 =	vshll.u32 v10, $0x2;
	v17 =	vor.u32 v4, v1;
	v27 =	vand.u32 $0x7F, v14;
	v8 =	vld.idx.msk [tilespmem:v20+s5+$0x0], $0xffff  }
0x22a: {  	v11 =	vor.u32 $0x180, v31;
	v1 =	vshll.u32 v14, $0x2;
	v14 =	vor.u32 $0x80, v31;
	v7 =	vld.idx.msk [tilespmem:v2+s5+$0x0], $0xffff  }
0x22b: {  	v4 =	vand.u32 $0xFFFFFE00, v1;
	v2 =	vor.u32 $0x80, v17;
	v1 =	vor.u32 $0x100, v31;
	v9 =	vld.idx.msk [tilespmem:v19+s5+$0x0], $0xffff  }
0x22c: {  	v32 =	vor.u32 $0x80, v29;
	v5 =	vor.u32 $0x180, v17;
	v19 =	vshll.u32 v15, $0x2;
	v20 =	vld.idx.msk [tilespmem:v23+s5+$0x0], $0xffff  }
0x22d: {  	v10 =	vand.u32 $0x7F, v10;
	v22 =	vand.u32 $0xFFFFFE00, v22;
	v25 =	vand.u32 $0xFFFFFE00, v25;
	v23 =	vld.idx.msk [tilespmem:v24+s5+$0x0], $0xffff  }
0x22e: {  	v26 =	vor.u32 $0x180, v16;
	v15 =	vand.u32 $0x7F, v15;
	v19 =	vand.u32 $0xFFFFFE00, v19;
	v0 =	vld.idx.msk [tilespmem:v0+s5+$0x0], $0xffff  }
.Ltmp2:
0x22f: {  	v30 =	vor.u32 v21, v22;
	v27 =	vor.u32 v27, v4;
	v16 =	vor.u32 v15, v19;
	v24 =	vld.idx.msk [tilespmem:v29+s5+$0x0], $0xffff;
	(pc) =	sbr.rel @p2 .LBB2_7-.Ltmp2, $4  }
0x230: {  	v36 =	vor.u32 $0x180, v29;
	v25 =	vor.u32 v10, v25;
	v4 =	vld.idx.msk [tilespmem:v28+s5+$0x0], $0xffff;
	v28 =	vor.u32 $0x180, v30  }
0x231: {  	v22 =	vor.u32 $0x80, v25;
	v21 =	vor.u32 $0x100, v25;
	v10 =	vld.idx.msk [tilespmem:v31+s5+$0x0], $0xffff;
	v31 =	vor.u32 $0x80, v27  }
0x232: {  	v33 =	vor.u32 $0x100, v27;
	v19 =	vor.u32 $0x80, v16;
	v15 =	vor.u32 $0x100, v16;
	v29 =	vld.idx.msk [tilespmem:v17+s5+$0x0], $0xffff  }
0x233: {  	v34 =	vor.u32 $0x80, v30;
	v35 =	vor.u32 $0x100, v30;
	v37 =	vld.idx.msk [tilespmem:v32+s5+$0x0], $0xffff;
	v32 =	vor.u32 $0x180, v27  }
0x234: {  	_ =	sdelay $0x3  }
0x235: {  	v18 =	vld.idx.msk [tilespmem:v18+s5+$0x0], $0xffff  }
0x236: {  	v30 =	vld.idx.msk [tilespmem:v30+s5+$0x0], $0xffff  }
0x237: {  	v26 =	vld.idx.msk [tilespmem:v26+s5+$0x0], $0xffff  }
0x238: {  	v36 =	vld.idx.msk [tilespmem:v36+s5+$0x0], $0xffff  }
0x239: {  	v27 =	vld.idx.msk [tilespmem:v27+s5+$0x0], $0xffff  }
0x23a: {  	v28 =	vld.idx.msk [tilespmem:v28+s5+$0x0], $0xffff  }
0x23b: {  	v31 =	vld.idx.msk [tilespmem:v31+s5+$0x0], $0xffff  }
0x23c: {  	v38 =	vld.idx.msk [tilespmem:v25+s5+$0x0], $0xffff  }
0x23d: {  	v33 =	vld.idx.msk [tilespmem:v33+s5+$0x0], $0xffff  }
0x23e: {  	v34 =	vld.idx.msk [tilespmem:v34+s5+$0x0], $0xffff  }
0x23f: {  	v35 =	vld.idx.msk [tilespmem:v35+s5+$0x0], $0xffff  }
0x240: {  	v14 =	vld.idx.msk [tilespmem:v14+s5+$0x0], $0xffff  }
0x241: {  	v21 =	vld.idx.msk [tilespmem:v21+s5+$0x0], $0xffff  }
0x242: {  	v19 =	vld.idx.msk [tilespmem:v19+s5+$0x0], $0xffff  }
0x243: {  	v5 =	vld.idx.msk [tilespmem:v5+s5+$0x0], $0xffff  }
0x244: {  	v6 =	vmul.bf16 v6, v24;
	v2 =	vld.idx.msk [tilespmem:v2+s5+$0x0], $0xffff  }
0x245: {  	v12 =	vmul.bf16 v12, v23;
	v15 =	vld.idx.msk [tilespmem:v15+s5+$0x0], $0xffff;
	v20 =	vmul.bf16 v29, v20  }
0x246: {  	v1 =	vld.idx.msk [tilespmem:v1+s5+$0x0], $0xffff;
	v13 =	vmul.bf16 v13, v37;
	v3 =	vmul.bf16 v3, v30  }
0x247: {  	v59 =	vor.u32 $0x180, v25;
	v61 =	vld.idx.msk [tilespmem:v22+s5+$0x0], $0xffff;
	v7 =	vmul.bf16 v7, v34;
	v8 =	vmul.bf16 v8, v28  }
0x248: {  	v9 =	vmul.bf16 v9, v35;
	v29 =	vmul.bf16 v27, v38  }
0x249: {  	v17 =	vor.u32 $0x100, v17;
	v21 =	vmul.bf16 v33, v21;
	v38 =	vmul.bf16 v14, v19  }
0x24a: {  	v32 =	vld.idx.msk [tilespmem:v32+s5+$0x0], $0xffff;
	v62 =	vor.u32 $0x180, v16;
	v5 =	vmul.bf16 v5, v18;
	v42 =	vmul.bf16 v26, v36  }
0x24b: {  	v11 =	vld.idx.msk [tilespmem:v11+s5+$0x0], $0xffff;
	v0 =	vmul.bf16 v2, v0;
	v1 =	vmul.bf16 v1, v15;
	v6 =	vadd.bf16 v13, v6  }
0x24c: {  	v60 =	vld.idx.msk [tilespmem:v59+s5+$0x0], $0xffff;
	v13 =	vmul.bf16 v31, v61;
	v3 =	vadd.bf16 v7, v3;
	v8 =	vadd.bf16 v8, v9  }
0x24d: {  	v28 =	vld.idx.msk [tilespmem:v16+s5+$0x0], $0xffff;
	v9 =	vadd.bf16 v42, v12;
	v0 =	vadd.bf16 v0, v20;
	v63 =	vunpack.i.u.bf16.f32 v6  }
0x24e: {  	v30 =	vld.idx.msk [tilespmem:v17+s5+$0x0], $0xffff;
	v6 =	vunpack.i.l.bf16.f32 v6;
	v7 =	vadd.bf16 v13, v29;
	v34 =	vunpack.i.u.bf16.f32 v3  }
0x24f: {  	v37 =	vld.idx.msk [tilespmem:v62+s5+$0x0], $0xffff;
	v3 =	vunpack.i.l.bf16.f32 v3;
	v35 =	vunpack.i.u.bf16.f32 v8;
	v8 =	vunpack.i.l.bf16.f32 v8  }
0x250: {  	v6 =	vadd.f32 v6, v63;
	v49 =	vunpack.i.u.bf16.f32 v0;
	v0 =	vunpack.i.l.bf16.f32 v0  }
0x251: {  	v32 =	vmul.bf16 v32, v60;
	v3 =	vadd.f32 v3, v34;
	v8 =	vadd.f32 v8, v35  }
0x252: {  	v10 =	vmul.bf16 v10, v28;
	v40 =	vunpack.i.l.bf16.f32 v7;
	v7 =	vunpack.i.u.bf16.f32 v7  }
0x253: {  	v4 =	vmul.bf16 v30, v4;
	v0 =	vadd.f32 v0, v49;
	v7 =	vadd.f32 v40, v7  }
0x254: {  	v46 =	vmul.bf16 v11, v37;
	v3 =	vadd.f32 v8, v3;
	v39 =	vadd.bf16 v32, v21  }
0x255: {  	v47 =	vunpack.i.u.bf16.f32 v9;
	v8 =	vadd.bf16 v38, v10;
	v4 =	vadd.bf16 v5, v4  }
0x256: {  	v1 =	vadd.bf16 v46, v1;
	v41 =	vunpack.i.l.bf16.f32 v39;
	v43 =	vunpack.i.u.bf16.f32 v39  }
0x257: {  	v45 =	vunpack.i.l.bf16.f32 v8;
	v8 =	vunpack.i.u.bf16.f32 v8;
	v50 =	vunpack.i.u.bf16.f32 v4  }
0x258: {  	v4 =	vunpack.i.l.bf16.f32 v4;
	v10 =	vunpack.i.u.bf16.f32 v1;
	v44 =	vadd.f32 v41, v43  }
0x259: {  	v1 =	vunpack.i.l.bf16.f32 v1;
	v5 =	vadd.f32 v45, v8;
	v4 =	vadd.f32 v4, v50  }
0x25a: {  	v48 =	vunpack.i.l.bf16.f32 v9;
	v1 =	vadd.f32 v1, v10;
	v2 =	vadd.f32 v44, v7  }
0x25b: {  	[tilespmem:s12+$0x0] =	vst v3;
	v7 =	vadd.f32 v48, v47;
	v0 =	vadd.f32 v4, v0  }
0x25c: {  	v1 =	vadd.f32 v1, v5;
	[tilespmem:s12+$0xFFFFFFE0] =	vst v2  }
0x25d: {  	s6 =	sadd.s32 @!p0 s30, s19;
	v51 =	vadd.f32 v7, v6;
	[tilespmem:s12+$0x10] =	vst v0  }
0x25e: {  	s6 =	sshrl.u32 @!p0 s6, $0x3;
	[tilespmem:s12+$0xFFFFFFF0] =	vst v1  }
0x25f: {  	s21 =	simm.s32 @!p0 $0x9E00;
	s11 =	sadd.s32 @!p0 s1, s6;
	[tilespmem:s12+$0x20] =	vst v51;
	s12 =	simm.s32 @!p0 $0x0  }
0x260: {  	[tilespmem:s21], [sflag:$0x2] =	stream.linear.gather @!p0 [hbm4b:s11+s12], $0x500, $0x38;
	[tilespmem:$0xDB00] =	vst v63  }
0x261: {  	s6 =	sadd.s32 @!p0 s2, s6;
	s11 =	simm.s32 @!p0 $0xA300  }
0x262: {  	[tilespmem:s11], [sflag:$0x3] =	stream.linear.gather @!p0 [hbm4b:s6+s12], $0x500, $0x38;
	[tilespmem:$0xDB00] =	vst v63  }
0x263: {  	_ = 	snop  }
0x264: {  	[spmem:s13] =	stream.linear.scatter [tilespmem:s4], [sflag:$0xA], $0x800, $0x38;
	[tilespmem:$0xDB00] =	vst v63  }
0x265: {  	_ =	swait.ge [sflag:s23], $0x800  }
0x266: {  	[sflag:s23] =	ssyncset.done $0x0  }
0x267: {  	[sflag:s23] =	ssyncadd.s32 $0xFFFFF800  }
0x268: {  	[bflag:$0x0] =	sbarrier.arrive $0xFFFF  }
0x269: {  	[tilespmem:s29], [sflag:$0x6] =	stream.strided.gather [spmem:s14], $0x800, s28, s24, $0x38;
	[tilespmem:$0xDB00] =	vst v63  }
0x26a: {  	_ =	swait.ge [sflag:s9], $0x800  }
0x26b: {  	[sflag:s9] =	ssyncset.done $0x0  }
0x26c: {  	[sflag:s9] =	ssyncadd.s32 $0xFFFFF800  }
0x26d: {  	s6 =	simm.s32 @!p1 $0x9;
	[bflag:$0x0] =	sbarrier.arrive $0xFFFF  }
0x26e: {  	_ =	swait.ge @!p1 [sflag:s6], $0x50  }
0x26f: {  	[sflag:s6] =	ssyncset.done @!p1 $0x0  }
0x270: {  	[sflag:s6] =	ssyncadd.s32 @!p1 $0xFFFFFFB0  }
0x271: {  	v0 =	vld [tilespmem:$0xC200]  }
0x272: {  	v1 =	vld [tilespmem:$0xC280]  }
0x273: {  	v2 =	vld [tilespmem:$0xC300]  }
0x274: {  	v3 =	vld [tilespmem:$0xC380]  }
0x275: {  	v4 =	vld [tilespmem:$0xC400]  }
0x276: {  	v5 =	vld [tilespmem:$0xC480]  }
0x277: {  	v6 =	vld [tilespmem:$0xC500]  }
0x278: {  	v7 =	vld [tilespmem:$0xC580]  }
0x279: {  	v8 =	vld [tilespmem:$0xC600]  }
0x27a: {  	v9 =	vld [tilespmem:$0xC680]  }
0x27b: {  	v10 =	vld [tilespmem:$0xC700]  }
0x27c: {  	v11 =	vld [tilespmem:$0xC780]  }
0x27d: {  	v12 =	vld [tilespmem:$0xC800]  }
0x27e: {  	v52 =	vld [tilespmem:$0xC880]  }
0x27f: {  	v14 =	vld [tilespmem:$0xC900]  }
0x280: {  	v53 =	vld [tilespmem:$0xC980]  }
0x281: {  	v54 =	vld [tilespmem:$0xC210]  }
0x282: {  	v55 =	vld [tilespmem:$0xC290]  }
0x283: {  	v18 =	vld [tilespmem:$0xC310]  }
0x284: {  	v19 =	vld [tilespmem:$0xC390]  }
0x285: {  	v56 =	vld [tilespmem:$0xC410]  }
0x286: {  	v57 =	vld [tilespmem:$0xC490]  }
0x287: {  	v58 =	vld [tilespmem:$0xC510]  }
0x288: {  	v59 =	vld [tilespmem:$0xC590]  }
0x289: {  	v24 =	vld [tilespmem:$0xC610]  }
0x28a: {  	v60 =	vld [tilespmem:$0xC690]  }
0x28b: {  	v26 =	vld [tilespmem:$0xC710]  }
0x28c: {  	v61 =	vld [tilespmem:$0xC790]  }
0x28d: {  	v28 =	vld [tilespmem:$0xC810]  }
0x28e: {  	v62 =	vld [tilespmem:$0xC890]  }
0x28f: {  	v30 =	vld [tilespmem:$0xC910]  }
0x290: {  	v63 =	vld [tilespmem:$0xC990]  }
0x291: {  	v32 =	vld [tilespmem:$0xC220]  }
0x292: {  	v33 =	vld [tilespmem:$0xC2A0]  }
0x293: {  	v34 =	vld [tilespmem:$0xC320]  }
0x294: {  	v35 =	vld [tilespmem:$0xC3A0]  }
0x295: {  	v36 =	vld [tilespmem:$0xC420]  }
0x296: {  	v37 =	vld [tilespmem:$0xC4A0]  }
0x297: {  	v38 =	vld [tilespmem:$0xC520]  }
0x298: {  	v39 =	vld [tilespmem:$0xC5A0]  }
0x299: {  	v40 =	vld [tilespmem:$0xC620]  }
0x29a: {  	v41 =	vld [tilespmem:$0xC6A0]  }
0x29b: {  	v42 =	vld [tilespmem:$0xC720]  }
0x29c: {  	v43 =	vld [tilespmem:$0xC7A0]  }
0x29d: {  	v44 =	vld [tilespmem:$0xC820]  }
0x29e: {  	v45 =	vld [tilespmem:$0xC8A0]  }
0x29f: {  	v46 =	vld [tilespmem:$0xC920]  }
0x2a0: {  	v47 =	vld [tilespmem:$0xC9A0]  }
0x2a1: {  	v48 =	vld [tilespmem:$0xC230]  }
0x2a2: {  	v49 =	vld [tilespmem:$0xC5C0]  }
0x2a3: {  	v51 =	vld [tilespmem:$0xC640];
	v0 =	vadd.f32 v4, v0  }
0x2a4: {  	v1 =	vadd.f32 v5, v1;
	v4 =	vld [tilespmem:$0xC2B0];
	v2 =	vadd.f32 v6, v2  }
0x2a5: {  	v3 =	vadd.f32 v7, v3;
	v5 =	vld [tilespmem:$0xC330];
	v54 =	vadd.f32 v56, v54  }
0x2a6: {  	v6 =	vld [tilespmem:$0xC3B0];
	v55 =	vadd.f32 v57, v55;
	v57 =	vadd.f32 v58, v18  }
0x2a7: {  	v7 =	vld [tilespmem:$0xC430];
	v58 =	vadd.f32 v59, v19;
	v31 =	vadd.f32 v36, v32  }
0x2a8: {  	v56 =	vld [tilespmem:$0xC6B0];
	v32 =	vadd.f32 v37, v33;
	v36 =	vadd.f32 v38, v34  }
0x2a9: {  	v59 =	vld [tilespmem:$0xC730];
	v37 =	vadd.f32 v39, v35;
	v0 =	vadd.f32 v8, v0  }
0x2aa: {  	v33 =	vld [tilespmem:$0xC9B0];
	v1 =	vadd.f32 v9, v1;
	v2 =	vadd.f32 v10, v2  }
0x2ab: {  	v38 =	vld [tilespmem:$0xC240];
	v3 =	vadd.f32 v11, v3;
	v11 =	vadd.f32 v60, v55  }
0x2ac: {  	v39 =	vld [tilespmem:$0xC2C0];
	v13 =	vadd.f32 v26, v57;
	v20 =	vadd.f32 v40, v31  }
0x2ad: {  	v9 =	vld [tilespmem:$0xC530];
	v21 =	vadd.f32 v41, v32;
	v23 =	vadd.f32 v42, v36  }
0x2ae: {  	v10 =	vld [tilespmem:$0xC5B0];
	v0 =	vadd.f32 v12, v0;
	v1 =	vadd.f32 v52, v1  }
0x2af: {  	v60 =	vld [tilespmem:$0xC7B0];
	v2 =	vadd.f32 v14, v2;
	v3 =	vadd.f32 v53, v3  }
0x2b0: {  	v40 =	vld [tilespmem:$0xC340];
	v14 =	vadd.f32 v61, v58;
	v11 =	vadd.f32 v62, v11  }
0x2b1: {  	v41 =	vld [tilespmem:$0xC3C0];
	v13 =	vadd.f32 v30, v13;
	v20 =	vadd.f32 v44, v20  }
0x2b2: {  	v42 =	vld [tilespmem:$0xC440];
	v21 =	vadd.f32 v45, v21;
	v23 =	vadd.f32 v46, v23  }
0x2b3: {  	v55 =	vld [tilespmem:$0xC840];
	v7 =	vadd.f32 v7, v48;
	v0 =	vadd.f32 v1, v0  }
0x2b4: {  	v57 =	vld [tilespmem:$0xC940];
	v53 =	vadd.f32 v3, v2;
	v3 =	vadd.f32 v24, v54  }
0x2b5: {  	v52 =	vld [tilespmem:$0xC4B0];
	v14 =	vadd.f32 v63, v14;
	v24 =	vadd.f32 v43, v37  }
0x2b6: {  	v61 =	vld [tilespmem:$0xC830];
	v45 =	vadd.f32 v21, v20;
	v5 =	vadd.f32 v9, v5  }
0x2b7: {  	v44 =	vld [tilespmem:$0xC4C0];
	v6 =	vadd.f32 v10, v6;
	v58 =	vadd.f32 v42, v38  }
0x2b8: {  	v62 =	vld [tilespmem:$0xC8B0];
	v1 =	vadd.f32 v49, v41;
	v3 =	vadd.f32 v28, v3  }
0x2b9: {  	v2 =	vld [tilespmem:$0xC630];
	v24 =	vadd.f32 v47, v24;
	v43 =	vadd.f32 v14, v13  }
0x2ba: {  	v63 =	vld [tilespmem:$0xC930];
	v0 =	vadd.f32 v53, v0;
	v4 =	vadd.f32 v52, v4  }
0x2bb: {  	v54 =	vld [tilespmem:$0xC7C0];
	v5 =	vadd.f32 v59, v5;
	v6 =	vadd.f32 v60, v6  }
0x2bc: {  	v47 =	vld [tilespmem:$0xC540];
	v13 =	vadd.f32 v44, v39;
	v14 =	vadd.f32 v51, v58  }
0x2bd: {  	v53 =	vld [tilespmem:$0xC740];
	v3 =	vadd.f32 v11, v3;
	v46 =	vadd.f32 v24, v23  }
0x2be: {  	v52 =	vld [tilespmem:$0xC6C0];
	v2 =	vadd.f32 v2, v7;
	v4 =	vadd.f32 v56, v4  }
0x2bf: {  	v59 =	vld [tilespmem:$0xC9C0];
	v5 =	vadd.f32 v63, v5;
	v6 =	vadd.f32 v33, v6  }
0x2c0: {  	v56 =	vld [tilespmem:$0xC8C0];
	v1 =	vadd.f32 v54, v1;
	v3 =	vadd.f32 v43, v3  }
0x2c1: {  	v50 =	vadd.f32 v46, v45;
	v60 =	vadd.f32 v47, v40  }
0x2c2: {  	v2 =	vadd.f32 v61, v2;
	v4 =	vadd.f32 v62, v4  }
0x2c3: {  	v8 =	vadd.f32 v52, v13;
	v9 =	vadd.f32 v53, v60  }
0x2c4: {  	v61 =	vadd.f32 v55, v14;
	v1 =	vadd.f32 v59, v1  }
0x2c5: {  	v8 =	vadd.f32 v56, v8;
	v9 =	vadd.f32 v57, v9  }
0x2c6: {  	s22 =	sadd.s32 $0x1, s22;
	v62 =	vadd.f32 v6, v5;
	v2 =	vadd.f32 v4, v2  }
0x2c7: {  	p0 =	sne.s32 s22, $0x3E;
	[tilespmem:$0xCA80] =	vst v0;
	v63 =	vadd.f32 v8, v61;
	v1 =	vadd.f32 v1, v9  }
.Ltmp3:
0x2c8: {  	[tilespmem:$0xCA90] =	vst v3;
	v2 =	vadd.f32 v62, v2;
	(pc) =	sbr.rel @p0 .LBB2_4-.Ltmp3, $4  }
0x2c9: {  	s30 =	sadd.s32 s30, s20;
	[tilespmem:$0xCAA0] =	vst v50;
	v0 =	vadd.f32 v1, v63  }
0x2ca: {  	s6 =	sshrl.u32 s30, $0x3;
	[tilespmem:$0xCAB0] =	vst v2  }
0x2cb: {  	s6 =	sadd.s32 s3, s6;
	[tilespmem:$0xCAC0] =	vst v0  }
0x2cc: {  	[hbm4b:s6+s5] =	stream.linear.scatter [tilespmem:s10], [sflag:$0x9], $0x50, $0x38;
	[tilespmem:$0xDB00] =	vst v63  }
0x2cd: {  	_ =	swait.ge [sflag:s7], $0x800  }
0x2ce: {  	[sflag:s7] =	ssyncset.done $0x0  }
0x2cf: {  	[sflag:s7] =	ssyncadd.s32 $0xFFFFF800  }
0x2d0: {  	s11 =	simm.s32 $0x8;
	[bflag:$0x0] =	sbarrier.arrive $0xFFFF  }
0x2d1: {  	_ =	swait.ge [sflag:s11], $0x50  }
0x2d2: {  	[sflag:s11] =	ssyncset.done $0x0  }
0x2d3: {  	[sflag:s11] =	ssyncadd.s32 $0xFFFFFFB0  }
0x2d4: {  	v0 =	vld [tilespmem:$0xBA00]  }
0x2d5: {  	v1 =	vld [tilespmem:$0xBA80]  }
0x2d6: {  	v2 =	vld [tilespmem:$0xBB00]  }
0x2d7: {  	v3 =	vld [tilespmem:$0xBB80]  }
0x2d8: {  	v4 =	vld [tilespmem:$0xBC00]  }
0x2d9: {  	v5 =	vld [tilespmem:$0xBC80]  }
0x2da: {  	v6 =	vld [tilespmem:$0xBD00]  }
0x2db: {  	v7 =	vld [tilespmem:$0xBD80]  }
0x2dc: {  	v8 =	vld [tilespmem:$0xBE00]  }
0x2dd: {  	v9 =	vld [tilespmem:$0xBE80]  }
0x2de: {  	v10 =	vld [tilespmem:$0xBF00]  }
0x2df: {  	v11 =	vld [tilespmem:$0xBF80]  }
0x2e0: {  	v12 =	vld [tilespmem:$0xC000]  }
0x2e1: {  	v13 =	vld [tilespmem:$0xC080]  }
0x2e2: {  	v14 =	vld [tilespmem:$0xC100]  }
0x2e3: {  	v15 =	vld [tilespmem:$0xC180]  }
0x2e4: {  	v16 =	vld [tilespmem:$0xBA10]  }
0x2e5: {  	v17 =	vld [tilespmem:$0xBA90]  }
0x2e6: {  	v18 =	vld [tilespmem:$0xBB10]  }
0x2e7: {  	v19 =	vld [tilespmem:$0xBB90]  }
0x2e8: {  	v20 =	vld [tilespmem:$0xBC10]  }
0x2e9: {  	v21 =	vld [tilespmem:$0xBC90]  }
0x2ea: {  	v22 =	vld [tilespmem:$0xBD10]  }
0x2eb: {  	v23 =	vld [tilespmem:$0xBD90]  }
0x2ec: {  	v24 =	vld [tilespmem:$0xBE10]  }
0x2ed: {  	v25 =	vld [tilespmem:$0xBE90]  }
0x2ee: {  	v26 =	vld [tilespmem:$0xBF10]  }
0x2ef: {  	v27 =	vld [tilespmem:$0xBF90]  }
0x2f0: {  	v28 =	vld [tilespmem:$0xC010]  }
0x2f1: {  	v29 =	vld [tilespmem:$0xC090]  }
0x2f2: {  	v30 =	vld [tilespmem:$0xC110]  }
0x2f3: {  	v31 =	vld [tilespmem:$0xC190]  }
0x2f4: {  	v32 =	vld [tilespmem:$0xBA20]  }
0x2f5: {  	v33 =	vld [tilespmem:$0xBAA0]  }
0x2f6: {  	v34 =	vld [tilespmem:$0xBB20]  }
0x2f7: {  	v35 =	vld [tilespmem:$0xBBA0]  }
0x2f8: {  	v36 =	vld [tilespmem:$0xBC20]  }
0x2f9: {  	v37 =	vld [tilespmem:$0xBCA0]  }
0x2fa: {  	v38 =	vld [tilespmem:$0xBD20]  }
0x2fb: {  	v39 =	vld [tilespmem:$0xBDA0]  }
0x2fc: {  	v40 =	vld [tilespmem:$0xBE20]  }
0x2fd: {  	v41 =	vld [tilespmem:$0xBEA0]  }
0x2fe: {  	v42 =	vld [tilespmem:$0xBF20]  }
0x2ff: {  	v43 =	vld [tilespmem:$0xBFA0]  }
0x300: {  	v44 =	vld [tilespmem:$0xC020]  }
0x301: {  	v45 =	vld [tilespmem:$0xC0A0]  }
0x302: {  	v46 =	vld [tilespmem:$0xC120]  }
0x303: {  	v47 =	vld [tilespmem:$0xC1A0]  }
0x304: {  	v48 =	vld [tilespmem:$0xBA30]  }
0x305: {  	v52 =	vld [tilespmem:$0xBCB0]  }
0x306: {  	v56 =	vld [tilespmem:$0xBEB0];
	v0 =	vadd.f32 v4, v0  }
0x307: {  	v59 =	vld [tilespmem:$0xBF30];
	v1 =	vadd.f32 v5, v1;
	v2 =	vadd.f32 v6, v2  }
0x308: {  	v60 =	vld [tilespmem:$0xBFB0];
	v3 =	vadd.f32 v7, v3;
	v54 =	vadd.f32 v20, v16  }
0x309: {  	v61 =	vld [tilespmem:$0xC030];
	v55 =	vadd.f32 v21, v17;
	v57 =	vadd.f32 v22, v18  }
0x30a: {  	v62 =	vld [tilespmem:$0xC0B0];
	v58 =	vadd.f32 v23, v19;
	v0 =	vadd.f32 v8, v0  }
0x30b: {  	v7 =	vld [tilespmem:$0xBC30];
	v1 =	vadd.f32 v9, v1;
	v2 =	vadd.f32 v10, v2  }
0x30c: {  	v4 =	vld [tilespmem:$0xBAB0];
	v3 =	vadd.f32 v11, v3;
	v11 =	vadd.f32 v25, v55  }
0x30d: {  	v63 =	vld [tilespmem:$0xC130];
	v0 =	vadd.f32 v12, v0;
	v1 =	vadd.f32 v13, v1  }
0x30e: {  	v5 =	vld [tilespmem:$0xBB30];
	v2 =	vadd.f32 v14, v2;
	v3 =	vadd.f32 v15, v3  }
0x30f: {  	v6 =	vld [tilespmem:$0xBBB0];
	v13 =	vadd.f32 v26, v57;
	v14 =	vadd.f32 v27, v58  }
0x310: {  	v9 =	vld [tilespmem:$0xBD30];
	v11 =	vadd.f32 v29, v11;
	v7 =	vadd.f32 v7, v48  }
0x311: {  	v10 =	vld [tilespmem:$0xBDB0];
	v4 =	vadd.f32 v52, v4;
	v0 =	vadd.f32 v1, v0  }
0x312: {  	v49 =	vld [tilespmem:$0xBDC0];
	v53 =	vadd.f32 v3, v2;
	v3 =	vadd.f32 v24, v54  }
0x313: {  	v51 =	vld [tilespmem:$0xBE40];
	v13 =	vadd.f32 v30, v13;
	v14 =	vadd.f32 v31, v14  }
0x314: {  	v55 =	vld [tilespmem:$0xC040];
	v31 =	vadd.f32 v36, v32;
	v32 =	vadd.f32 v37, v33  }
0x315: {  	v57 =	vld [tilespmem:$0xC140];
	v36 =	vadd.f32 v38, v34;
	v37 =	vadd.f32 v39, v35  }
0x316: {  	v52 =	vld [tilespmem:$0xBEC0];
	v5 =	vadd.f32 v9, v5;
	v6 =	vadd.f32 v10, v6  }
0x317: {  	v2 =	vld [tilespmem:$0xBE30];
	v4 =	vadd.f32 v56, v4;
	v3 =	vadd.f32 v28, v3  }
0x318: {  	v33 =	vld [tilespmem:$0xC1B0];
	v20 =	vadd.f32 v40, v31;
	v21 =	vadd.f32 v41, v32  }
0x319: {  	v38 =	vld [tilespmem:$0xBA40];
	v23 =	vadd.f32 v42, v36;
	v24 =	vadd.f32 v43, v37  }
0x31a: {  	v39 =	vld [tilespmem:$0xBAC0];
	v43 =	vadd.f32 v14, v13;
	v0 =	vadd.f32 v53, v0  }
0x31b: {  	v40 =	vld [tilespmem:$0xBB40];
	v5 =	vadd.f32 v59, v5;
	v6 =	vadd.f32 v60, v6  }
0x31c: {  	v41 =	vld [tilespmem:$0xBBC0];
	v4 =	vadd.f32 v62, v4;
	v20 =	vadd.f32 v44, v20  }
0x31d: {  	v42 =	vld [tilespmem:$0xBC40];
	v21 =	vadd.f32 v45, v21;
	v23 =	vadd.f32 v46, v23  }
0x31e: {  	v24 =	vadd.f32 v47, v24;
	v3 =	vadd.f32 v11, v3;
	v44 =	vld [tilespmem:$0xBCC0]  }
0x31f: {  	v47 =	vld [tilespmem:$0xBD40];
	v2 =	vadd.f32 v2, v7;
	v5 =	vadd.f32 v63, v5  }
0x320: {  	v54 =	vld [tilespmem:$0xBFC0];
	v6 =	vadd.f32 v33, v6;
	v45 =	vadd.f32 v21, v20  }
0x321: {  	v53 =	vld [tilespmem:$0xBF40];
	v46 =	vadd.f32 v24, v23;
	v3 =	vadd.f32 v43, v3  }
0x322: {  	v59 =	vld [tilespmem:$0xC1C0];
	v2 =	vadd.f32 v61, v2;
	v58 =	vadd.f32 v42, v38  }
0x323: {  	v56 =	vld [tilespmem:$0xC0C0];
	v1 =	vadd.f32 v49, v41;
	v62 =	vadd.f32 v6, v5  }
0x324: {  	v13 =	vadd.f32 v44, v39;
	v60 =	vadd.f32 v47, v40  }
0x325: {  	v14 =	vadd.f32 v51, v58;
	v1 =	vadd.f32 v54, v1  }
0x326: {  	v8 =	vadd.f32 v52, v13;
	v9 =	vadd.f32 v53, v60  }
0x327: {  	v61 =	vadd.f32 v55, v14;
	v1 =	vadd.f32 v59, v1  }
0x328: {  	v8 =	vadd.f32 v56, v8;
	v9 =	vadd.f32 v57, v9  }
0x329: {  	v50 =	vadd.f32 v46, v45;
	v2 =	vadd.f32 v4, v2  }
0x32a: {  	[tilespmem:$0xCA00] =	vst v0;
	v63 =	vadd.f32 v8, v61;
	v1 =	vadd.f32 v1, v9  }
0x32b: {  	[tilespmem:$0xCA10] =	vst v3;
	v2 =	vadd.f32 v62, v2  }
0x32c: {  	[tilespmem:$0xCA20] =	vst v50;
	v0 =	vadd.f32 v1, v63  }
0x32d: {  	[tilespmem:$0xCA30] =	vst v2  }
0x32e: {  	s21 =	simm.s32 $0x9;
	s6 =	rddreg [dreg:$0xd];
	[tilespmem:$0xCA40] =	vst v0  }
0x32f: {  	[hbm4b:s6+s5] =	stream.linear.scatter [tilespmem:s8], [sflag:$0x8], $0x50, $0x38;
	[tilespmem:$0xDB00] =	vst v63  }
0x330: {  	_ =	swait.ge [sflag:s21], $0x50  }
0x331: {  	[sflag:s21] =	ssyncset.done $0x0  }
0x332: {  	[sflag:s21] =	ssyncadd.s32 $0xFFFFFFB0  }
0x333: {  	_ =	swait.ge [sflag:s11], $0x50  }
0x334: {  	s12 =	rddreg [dreg:$0xf]  }
0x335: {  	s22 =	rddreg [dreg:$0xe];
	s12 =	sadd.s32 $0x1, s12  }
0x336: {  	p0 =	sne.s32 s12, s22  }
.Ltmp4:
0x337: {  	_ = 	snop;
	(pc) =	sbr.rel @p0 .LBB2_1-.Ltmp4, $3  }
0x338: {  	_ =	sdelay $0x1  }
0x339: {  	[sflag:s11] =	ssyncset.done $0x0  }
0x33a: {  	s30 =	simm.s32 $0x9E00;
	[sflag:s11] =	ssyncadd.s32 $0xFFFFFFB0  }
0x33b: {  	_ =	sfence.sel $0x180000  }
0x33c: {  	[bflag:$0x0] =	sbarrier.arrive $0xFFFF  }
0x33d: {  	_ =	strace $0x90000047  }
0x33e: {  	s0 =	stileid.u32;
	[bflag:$0x2] =	sbarrier.arrive $0xFFFF  }
0x33f: {  	p0 =	sne.s32 s0, $0x0;
	s0 =	rddreg [dreg:$0x5]  }
0x340: {  	s0 =	sadd.s32 @!p0 $0x100000, s0  }
0x341: {  	[sflag:s0] =	ssyncadd.tile.s32 @!p0 $0x1;
	_ =	shalt  }
.Lfunc_end2:
_tile_overlayer_lowered:
.L_overlay_start_2:
0x342: {  	(tag) =	ssettag $0x2  }
0x343: {  	s0 =	rddreg [dreg:$0x0];
	s2 =	stileid.u32  }
0x344: {  	s1 =	rddreg [dreg:$0x1];
	p0 =	sne.s32 s2, $0x0  }
0x345: {  	s3 =	rddreg [dreg:$0x2];
	[bflag:$0x3] =	sbarrier.arrive $0xFFFF;
	s2 =	simm.s32 @!p0 $0x1C0A  }
0x346: {  	[timem:s3], [sflag:s2] =	dma.local @!p0 [hbm:s0], s1  }
0x347: {  	s0 =	simm.s32 @!p0 $0xA  }
0x348: {  	_ =	swait.ge @!p0 [sflag:s0], s1  }
0x349: {  	s1 =	ssub.s32 @!p0 $0x0, s1;
	[sflag:s0] =	ssyncset.done @!p0 $0x0  }
0x34a: {  	[sflag:s0] =	ssyncadd.s32 @!p0 s1  }
0x34b: {  	[bflag:$0x3] =	sbarrier.arrive $0xFFFF  }
0x34c: {  	_ =	shalt  }

</sc_bundles>
